<compile_context>
chip_gen: v7x
topology: tpu7x:2x2x1
jax: 0.10.2.dev20260603
libtpu: 0.0.44.dev20260713+nightly
codegen_flags: <defaults>
</compile_context>

<pallas_src>
import jax
import jax.numpy as jnp
from jax import lax
from jax.experimental import pallas as pl
from jax.experimental.pallas import tpu as pltpu
from jax.experimental.pallas import tpu_sc as plsc

DIN = 512
DOUT = 1536
NG = 512
BATCH = 4096

NUM_WORKERS = 32
ROWS_PER_W = BATCH // NUM_WORKERS
RB = 16
NBLK = ROWS_PER_W // RB
GCH = NG // 16


def _fredkin_body(x_hbm, wgts_hbm, out_hbm, wgts_v, coef_v,
                  xb0, xb1, ob0, ob1, sin0, sin1, sout0, sout1):
    cid = lax.axis_index("c")
    sid = lax.axis_index("s")
    wid = sid * 2 + cid
    iota = lax.iota(jnp.int32, 16)

    pltpu.sync_copy(wgts_hbm, wgts_v)

    def build_coefs(j, _):
        g6 = (j * 16 + iota) * 6
        ws = [plsc.load_gather(wgts_v, [g6 + s]) for s in range(6)]
        mx = ws[0]
        for s in range(1, 6):
            mx = jnp.maximum(mx, ws[s])
        e = [jnp.exp(w - mx) for w in ws]
        inv = 1.0 / (e[0] + e[1] + e[2] + e[3] + e[4] + e[5])
        coefs = [
            (e[0] + e[1]) * inv, (e[2] + e[3]) * inv, (e[4] + e[5]) * inv,
            (e[3] + e[5]) * inv, (e[1] + e[4]) * inv, (e[0] + e[2]) * inv,
            (e[0] - e[1] + e[2] - e[3]) * inv,
            (-e[0] + e[1] + e[4] - e[5]) * inv,
            (-e[2] + e[3] - e[4] + e[5]) * inv,
        ]
        for k in range(9):
            coef_v[pl.ds(k * NG + j * 16, 16)] = coefs[k]
        return 0

    lax.fori_loop(0, GCH, build_coefs, 0)

    xbufs, obufs = [xb0, xb1], [ob0, ob1]
    sins, souts = [sin0, sin1], [sout0, sout1]

    def start_in(b):
        r0 = wid * ROWS_PER_W + b * RB
        return pltpu.async_copy(
            x_hbm.at[pl.ds(r0, RB), :], xbufs[b % 2], sins[b % 2])

    def start_out(b):
        r0 = wid * ROWS_PER_W + b * RB
        return pltpu.async_copy(
            obufs[b % 2], out_hbm.at[pl.ds(r0, RB), :], souts[b % 2])

    def compute_block(xb_v, ob_v):
        def do_chunk(j, _):
            g3 = (j * 16 + iota) * 3
            col0 = lax.rem(g3 + 1, DIN)
            col1 = lax.rem(g3 + 2, DIN)
            col2 = lax.rem(g3 + 3, DIN)
            cf = [coef_v[pl.ds(k * NG + j * 16, 16)] for k in range(9)]
            a0, a1, a2, b0, b1, b2, t3, t4, t5 = cf

            @plsc.parallel_loop(0, RB, unroll=2)
            def do_row(i):
                rs = jnp.full((16,), i, jnp.int32)
                x0 = plsc.load_gather(xb_v, [rs, col0])
                x1 = plsc.load_gather(xb_v, [rs, col1])
                x2 = plsc.load_gather(xb_v, [rs, col2])
                q = t3 * (x0 * x1) + t4 * (x0 * x2) + t5 * (x1 * x2)
                o0 = a0 * x0 + a1 * x1 + a2 * x2
                o1 = b0 * x0 + b1 * x1 + b2 * x2 + q
                o2 = (x0 + x1 + x2) - o0 - o1
                plsc.store_scatter(ob_v, [rs, g3], o0)
                plsc.store_scatter(ob_v, [rs, g3 + 1], o1)
                plsc.store_scatter(ob_v, [rs, g3 + 2], o2)

            return 0

        lax.fori_loop(0, GCH, do_chunk, 0)

    in_descs = [start_in(0)]
    out_descs = []
    for b in range(NBLK):
        if b + 1 < NBLK:
            in_descs.append(start_in(b + 1))
        in_descs[b].wait()
        if b >= 2:
            out_descs[b - 2].wait()
        compute_block(xbufs[b % 2], obufs[b % 2])
        out_descs.append(start_out(b))
    out_descs[NBLK - 2].wait()
    out_descs[NBLK - 1].wait()


def kernel(x, wgts):
    mesh = plsc.VectorSubcoreMesh(core_axis_name="c", subcore_axis_name="s")
    run = pl.kernel(
        _fredkin_body,
        out_type=jax.ShapeDtypeStruct((BATCH, DOUT), jnp.float32),
        mesh=mesh,
        compiler_params=pltpu.CompilerParams(needs_layout_passes=False),
        scratch_types=[
            pltpu.VMEM((NG * 6,), jnp.float32),
            pltpu.VMEM((9 * NG,), jnp.float32),
            pltpu.VMEM((RB, DIN), jnp.float32),
            pltpu.VMEM((RB, DIN), jnp.float32),
            pltpu.VMEM((RB, DOUT), jnp.float32),
            pltpu.VMEM((RB, DOUT), jnp.float32),
            pltpu.SemaphoreType.DMA,
            pltpu.SemaphoreType.DMA,
            pltpu.SemaphoreType.DMA,
            pltpu.SemaphoreType.DMA,
        ],
    )
    return run(x, wgts.astype(jnp.float32).reshape(-1))

# --- scband reference (transcript-rebuilt; emitter-appended) ---
"""Pipeline reference for scband-fredkin6-layer-68590627717484 (READ-ONLY COPY).

The authoritative reference and input builder live on the scoring server;
editing this copy changes nothing except your own understanding.
"""

import jax, jax.numpy as jnp
import numpy as np
import itertools

DIN = 512
DOUT = 1536
NG = DOUT // 3
OFFSET = 1
BATCH = 4096


def _connections():
    # random_connections=False path of the torch module:
    # starts = (arange(num_gates)*3 + offset) % din
    # connections = (starts[:,None] + arange(3)) % din
    starts = (np.arange(NG) * 3 + OFFSET) % DIN
    conn = (starts[:, None] + np.arange(3)) % DIN
    return conn.astype(np.int64)


def setup_inputs(seed: int = 0) -> dict:
    key = jax.random.key(seed)
    x = jax.random.normal(key, (BATCH, DIN), dtype=jnp.float32)
    # wgts_initial='evenly' -> ones(num_gates, 6) / 6
    wgts = jnp.ones((NG, 6), dtype=jnp.float32) / 6.0
    return {"x": x, "wgts": wgts}


def reference(x, wgts):
    conn = jnp.asarray(_connections())  # [NG, 3] int64
    perm = jnp.asarray(list(itertools.permutations(range(3))), dtype=jnp.int32)  # [6, 3]
    M = jnp.array([[1., 0., 0., 0., 0.],
                   [0., 0., 1., 1., -1.],
                   [0., 1., 0., -1., 1.]], dtype=jnp.float32)  # [3, 5]

    # 1. gather 3 inputs per gate: [bs, NG, 3]
    inputs = x[:, conn]
    # 4. all 6 permutations of the 3 inputs: [bs, NG, 6, 3]
    p = inputs[:, :, perm]
    # 5. interaction columns: [bs, NG, 6, 5]
    col4 = p[..., 0] * p[..., 1]
    col5 = p[..., 0] * p[..., 2]
    feats = jnp.concatenate([p, col4[..., None], col5[..., None]], axis=-1)
    # 6. transpose -> [bs, NG, 5, 6]
    feats = jnp.swapaxes(feats, 2, 3)
    # 7. Signals = M @ feats -> [bs, NG, 3, 6]
    signals = jnp.einsum('rc,bncs->bnrs', M, feats)
    # 8. training-mode soft weighting over the 6 permutations
    wp = jax.nn.softmax(wgts, axis=1)  # [NG, 6]
    out = jnp.einsum('bnrs,ns->bnr', signals, wp)  # [bs, NG, 3]
    # 10. flatten -> [bs, dout]
    return out.reshape(out.shape[0], -1)

if __name__ == "__main__":
    import jax
    _d = setup_inputs()
    print(jax.jit(kernel)(*tuple(_d.values())))

</pallas_src>

<mosaic_0001>
#map = affine_map<(d0, d1) -> (0, 0)>
#map1 = affine_map<(d0, d1) -> (0)>
module attributes {stable_mosaic.version = 14 : i64} {
  func.func @_fredkin_body(%arg0: i32, %arg1: i32, %arg2: memref<4096x512xf32, #tpu.memory_space<hbm>>, %arg3: memref<3072xf32, #tpu.memory_space<hbm>>, %arg4: memref<4096x1536xf32, #tpu.memory_space<hbm>>, %arg5: memref<3072xf32, #tpu.memory_space<vmem>>, %arg6: memref<4608xf32, #tpu.memory_space<vmem>>, %arg7: memref<16x512xf32, #tpu.memory_space<vmem>>, %arg8: memref<16x512xf32, #tpu.memory_space<vmem>>, %arg9: memref<16x1536xf32, #tpu.memory_space<vmem>>, %arg10: memref<16x1536xf32, #tpu.memory_space<vmem>>, %arg11: memref<!tpu.dma_semaphore, #tpu.memory_space<semaphore_mem>>, %arg12: memref<!tpu.dma_semaphore, #tpu.memory_space<semaphore_mem>>, %arg13: memref<!tpu.dma_semaphore, #tpu.memory_space<semaphore_mem>>, %arg14: memref<!tpu.dma_semaphore, #tpu.memory_space<semaphore_mem>>) attributes {dimension_semantics = [#tpu.dimension_semantics<core_parallel>, #tpu.dimension_semantics<subcore_parallel>], iteration_bounds = array<i64: 2, 16>, scalar_prefetch = 0 : i64, scratch_operands = 10 : i64, tpu.core_type = #tpu.core_type<sc_vector_subcore>, window_params = [{transform_indices = #map}, {transform_indices = #map1}, {transform_indices = #map}]} {
    %mul3A = arith.constant 2 : i32
    %mul3A_0 = arith.muli %arg1, %mul3A : i32
    %add3A = arith.addi %mul3A_0, %arg0 : i32
    %iota3A = tpu.iota {dimensions = array<i32: 0>} : vector<16xi32>
    "tpu.region"() ({
      %run_scoped3A = tpu.sem_alloc : memref<!tpu.dma_semaphore, #tpu.memory_space<semaphore_mem>>
      tpu.enqueue_dma source(%arg3 : memref<3072xf32, #tpu.memory_space<hbm>>) target(%arg5 : memref<3072xf32, #tpu.memory_space<vmem>>) target_semaphore(%run_scoped3A : memref<!tpu.dma_semaphore, #tpu.memory_space<semaphore_mem>>)
      tpu.wait_dma2 semaphore(%run_scoped3A : memref<!tpu.dma_semaphore, #tpu.memory_space<semaphore_mem>>) src(%arg3 : memref<3072xf32, #tpu.memory_space<hbm>>) dst(%arg5 : memref<3072xf32, #tpu.memory_space<vmem>>)
      tpu.yield
    }) : () -> ()
    %scan3A = arith.constant 0 : i32
    %scan3A_1 = arith.constant 0 : i32
    %scan3A_2 = arith.constant 32 : i32
    %scan3A_3 = arith.addi %scan3A_1, %scan3A_2 : i32
    %scan3A_4 = arith.constant 1 : i32
    %scan3A_5 = scf.for %scan3A_253 = %scan3A_1 to %scan3A_3 step %scan3A_4 iter_args(%scan3A_254 = %scan3A) -> (i32)  : i32 {
      %mul3A_255 = arith.constant 16 : i32
      %mul3A_256 = arith.muli %scan3A_253, %mul3A_255 : i32
      %add3A_257 = vector.broadcast %mul3A_256 : i32 to vector<16xi32>
      %add3A_258 = arith.addi %add3A_257, %iota3A : vector<16xi32>
      %mul3A_259 = arith.constant 6 : i32
      %mul3A_260 = vector.broadcast %mul3A_259 : i32 to vector<16xi32>
      %mul3A_261 = arith.muli %add3A_258, %mul3A_260 : vector<16xi32>
      %add3A_262 = arith.constant 0 : i32
      %add3A_263 = vector.broadcast %add3A_262 : i32 to vector<16xi32>
      %add3A_264 = arith.addi %mul3A_261, %add3A_263 : vector<16xi32>
      %gather3A = tpu.vector_load_idx %arg5[%add3A_264] : memref<3072xf32, #tpu.memory_space<vmem>>[vector<16xi32>], vector<16xf32>,
      %add3A_265 = arith.constant 1 : i32
      %add3A_266 = vector.broadcast %add3A_265 : i32 to vector<16xi32>
      %add3A_267 = arith.addi %mul3A_261, %add3A_266 : vector<16xi32>
      %gather3A_268 = tpu.vector_load_idx %arg5[%add3A_267] : memref<3072xf32, #tpu.memory_space<vmem>>[vector<16xi32>], vector<16xf32>,
      %add3A_269 = arith.constant 2 : i32
      %add3A_270 = vector.broadcast %add3A_269 : i32 to vector<16xi32>
      %add3A_271 = arith.addi %mul3A_261, %add3A_270 : vector<16xi32>
      %gather3A_272 = tpu.vector_load_idx %arg5[%add3A_271] : memref<3072xf32, #tpu.memory_space<vmem>>[vector<16xi32>], vector<16xf32>,
      %add3A_273 = arith.constant 3 : i32
      %add3A_274 = vector.broadcast %add3A_273 : i32 to vector<16xi32>
      %add3A_275 = arith.addi %mul3A_261, %add3A_274 : vector<16xi32>
      %gather3A_276 = tpu.vector_load_idx %arg5[%add3A_275] : memref<3072xf32, #tpu.memory_space<vmem>>[vector<16xi32>], vector<16xf32>,
      %add3A_277 = arith.constant 4 : i32
      %add3A_278 = vector.broadcast %add3A_277 : i32 to vector<16xi32>
      %add3A_279 = arith.addi %mul3A_261, %add3A_278 : vector<16xi32>
      %gather3A_280 = tpu.vector_load_idx %arg5[%add3A_279] : memref<3072xf32, #tpu.memory_space<vmem>>[vector<16xi32>], vector<16xf32>,
      %add3A_281 = arith.constant 5 : i32
      %add3A_282 = vector.broadcast %add3A_281 : i32 to vector<16xi32>
      %add3A_283 = arith.addi %mul3A_261, %add3A_282 : vector<16xi32>
      %gather3A_284 = tpu.vector_load_idx %arg5[%add3A_283] : memref<3072xf32, #tpu.memory_space<vmem>>[vector<16xi32>], vector<16xf32>,
      %max3A = arith.maximumf %gather3A, %gather3A_268 : vector<16xf32>
      %max3A_285 = arith.maximumf %max3A, %gather3A_272 : vector<16xf32>
      %max3A_286 = arith.maximumf %max3A_285, %gather3A_276 : vector<16xf32>
      %max3A_287 = arith.maximumf %max3A_286, %gather3A_280 : vector<16xf32>
      %max3A_288 = arith.maximumf %max3A_287, %gather3A_284 : vector<16xf32>
      %sub3A = arith.subf %gather3A, %max3A_288 : vector<16xf32>
      %exp3A = math.exp %sub3A : vector<16xf32>
      %sub3A_289 = arith.subf %gather3A_268, %max3A_288 : vector<16xf32>
      %exp3A_290 = math.exp %sub3A_289 : vector<16xf32>
      %sub3A_291 = arith.subf %gather3A_272, %max3A_288 : vector<16xf32>
      %exp3A_292 = math.exp %sub3A_291 : vector<16xf32>
      %sub3A_293 = arith.subf %gather3A_276, %max3A_288 : vector<16xf32>
      %exp3A_294 = math.exp %sub3A_293 : vector<16xf32>
      %sub3A_295 = arith.subf %gather3A_280, %max3A_288 : vector<16xf32>
      %exp3A_296 = math.exp %sub3A_295 : vector<16xf32>
      %sub3A_297 = arith.subf %gather3A_284, %max3A_288 : vector<16xf32>
      %exp3A_298 = math.exp %sub3A_297 : vector<16xf32>
      %add3A_299 = arith.addf %exp3A, %exp3A_290 : vector<16xf32>
      %add3A_300 = arith.addf %add3A_299, %exp3A_292 : vector<16xf32>
      %add3A_301 = arith.addf %add3A_300, %exp3A_294 : vector<16xf32>
      %add3A_302 = arith.addf %add3A_301, %exp3A_296 : vector<16xf32>
      %add3A_303 = arith.addf %add3A_302, %exp3A_298 : vector<16xf32>
      %div3A = arith.constant 1.000000e+00 : f32
      %div3A_304 = vector.broadcast %div3A : f32 to vector<16xf32>
      %div3A_305 = arith.divf %div3A_304, %add3A_303 : vector<16xf32>
      %add3A_306 = arith.addf %exp3A, %exp3A_290 : vector<16xf32>
      %mul3A_307 = arith.mulf %add3A_306, %div3A_305 : vector<16xf32>
      %add3A_308 = arith.addf %exp3A_292, %exp3A_294 : vector<16xf32>
      %mul3A_309 = arith.mulf %add3A_308, %div3A_305 : vector<16xf32>
      %add3A_310 = arith.addf %exp3A_296, %exp3A_298 : vector<16xf32>
      %mul3A_311 = arith.mulf %add3A_310, %div3A_305 : vector<16xf32>
      %add3A_312 = arith.addf %exp3A_294, %exp3A_298 : vector<16xf32>
      %mul3A_313 = arith.mulf %add3A_312, %div3A_305 : vector<16xf32>
      %add3A_314 = arith.addf %exp3A_290, %exp3A_296 : vector<16xf32>
      %mul3A_315 = arith.mulf %add3A_314, %div3A_305 : vector<16xf32>
      %add3A_316 = arith.addf %exp3A, %exp3A_292 : vector<16xf32>
      %mul3A_317 = arith.mulf %add3A_316, %div3A_305 : vector<16xf32>
      %sub3A_318 = arith.subf %exp3A, %exp3A_290 : vector<16xf32>
      %add3A_319 = arith.addf %sub3A_318, %exp3A_292 : vector<16xf32>
      %sub3A_320 = arith.subf %add3A_319, %exp3A_294 : vector<16xf32>
      %mul3A_321 = arith.mulf %sub3A_320, %div3A_305 : vector<16xf32>
      %neg3A = arith.constant 0.000000e+00 : f32
      %neg3A_322 = vector.broadcast %neg3A : f32 to vector<16xf32>
      %neg3A_323 = arith.subf %neg3A_322, %exp3A : vector<16xf32>
      %add3A_324 = arith.addf %neg3A_323, %exp3A_290 : vector<16xf32>
      %add3A_325 = arith.addf %add3A_324, %exp3A_296 : vector<16xf32>
      %sub3A_326 = arith.subf %add3A_325, %exp3A_298 : vector<16xf32>
      %mul3A_327 = arith.mulf %sub3A_326, %div3A_305 : vector<16xf32>
      %neg3A_328 = arith.constant 0.000000e+00 : f32
      %neg3A_329 = vector.broadcast %neg3A_328 : f32 to vector<16xf32>
      %neg3A_330 = arith.subf %neg3A_329, %exp3A_292 : vector<16xf32>
      %add3A_331 = arith.addf %neg3A_330, %exp3A_294 : vector<16xf32>
      %sub3A_332 = arith.subf %add3A_331, %exp3A_296 : vector<16xf32>
      %add3A_333 = arith.addf %sub3A_332, %exp3A_298 : vector<16xf32>
      %mul3A_334 = arith.mulf %add3A_333, %div3A_305 : vector<16xf32>
      %mul3A_335 = arith.constant 16 : i32
      %mul3A_336 = arith.muli %scan3A_253, %mul3A_335 : i32
      %add3A_337 = arith.constant 0 : i32
      %add3A_338 = arith.addi %add3A_337, %mul3A_336 : i32
      %swap3A = arith.index_cast %add3A_338 : i32 to index
      %swap3A_339 = tpu.vector_load %arg6[%swap3A] {strides = array<i32>} : memref<4608xf32, #tpu.memory_space<vmem>>, vector<16xf32>,
      tpu.vector_store %arg6[%swap3A], %mul3A_307 {strides = array<i32>} : memref<4608xf32, #tpu.memory_space<vmem>>, vector<16xf32>,
      %mul3A_340 = arith.constant 16 : i32
      %mul3A_341 = arith.muli %scan3A_253, %mul3A_340 : i32
      %add3A_342 = arith.constant 512 : i32
      %add3A_343 = arith.addi %add3A_342, %mul3A_341 : i32
      %swap3A_344 = arith.index_cast %add3A_343 : i32 to index
      %swap3A_345 = tpu.vector_load %arg6[%swap3A_344] {strides = array<i32>} : memref<4608xf32, #tpu.memory_space<vmem>>, vector<16xf32>,
      tpu.vector_store %arg6[%swap3A_344], %mul3A_309 {strides = array<i32>} : memref<4608xf32, #tpu.memory_space<vmem>>, vector<16xf32>,
      %mul3A_346 = arith.constant 16 : i32
      %mul3A_347 = arith.muli %scan3A_253, %mul3A_346 : i32
      %add3A_348 = arith.constant 1024 : i32
      %add3A_349 = arith.addi %add3A_348, %mul3A_347 : i32
      %swap3A_350 = arith.index_cast %add3A_349 : i32 to index
      %swap3A_351 = tpu.vector_load %arg6[%swap3A_350] {strides = array<i32>} : memref<4608xf32, #tpu.memory_space<vmem>>, vector<16xf32>,
      tpu.vector_store %arg6[%swap3A_350], %mul3A_311 {strides = array<i32>} : memref<4608xf32, #tpu.memory_space<vmem>>, vector<16xf32>,
      %mul3A_352 = arith.constant 16 : i32
      %mul3A_353 = arith.muli %scan3A_253, %mul3A_352 : i32
      %add3A_354 = arith.constant 1536 : i32
      %add3A_355 = arith.addi %add3A_354, %mul3A_353 : i32
      %swap3A_356 = arith.index_cast %add3A_355 : i32 to index
      %swap3A_357 = tpu.vector_load %arg6[%swap3A_356] {strides = array<i32>} : memref<4608xf32, #tpu.memory_space<vmem>>, vector<16xf32>,
      tpu.vector_store %arg6[%swap3A_356], %mul3A_313 {strides = array<i32>} : memref<4608xf32, #tpu.memory_space<vmem>>, vector<16xf32>,
      %mul3A_358 = arith.constant 16 : i32
      %mul3A_359 = arith.muli %scan3A_253, %mul3A_358 : i32
      %add3A_360 = arith.constant 2048 : i32
      %add3A_361 = arith.addi %add3A_360, %mul3A_359 : i32
      %swap3A_362 = arith.index_cast %add3A_361 : i32 to index
      %swap3A_363 = tpu.vector_load %arg6[%swap3A_362] {strides = array<i32>} : memref<4608xf32, #tpu.memory_space<vmem>>, vector<16xf32>,
      tpu.vector_store %arg6[%swap3A_362], %mul3A_315 {strides = array<i32>} : memref<4608xf32, #tpu.memory_space<vmem>>, vector<16xf32>,
      %mul3A_364 = arith.constant 16 : i32
      %mul3A_365 = arith.muli %scan3A_253, %mul3A_364 : i32
      %add3A_366 = arith.constant 2560 : i32
      %add3A_367 = arith.addi %add3A_366, %mul3A_365 : i32
      %swap3A_368 = arith.index_cast %add3A_367 : i32 to index
      %swap3A_369 = tpu.vector_load %arg6[%swap3A_368] {strides = array<i32>} : memref<4608xf32, #tpu.memory_space<vmem>>, vector<16xf32>,
      tpu.vector_store %arg6[%swap3A_368], %mul3A_317 {strides = array<i32>} : memref<4608xf32, #tpu.memory_space<vmem>>, vector<16xf32>,
      %mul3A_370 = arith.constant 16 : i32
      %mul3A_371 = arith.muli %scan3A_253, %mul3A_370 : i32
      %add3A_372 = arith.constant 3072 : i32
      %add3A_373 = arith.addi %add3A_372, %mul3A_371 : i32
      %swap3A_374 = arith.index_cast %add3A_373 : i32 to index
      %swap3A_375 = tpu.vector_load %arg6[%swap3A_374] {strides = array<i32>} : memref<4608xf32, #tpu.memory_space<vmem>>, vector<16xf32>,
      tpu.vector_store %arg6[%swap3A_374], %mul3A_321 {strides = array<i32>} : memref<4608xf32, #tpu.memory_space<vmem>>, vector<16xf32>,
      %mul3A_376 = arith.constant 16 : i32
      %mul3A_377 = arith.muli %scan3A_253, %mul3A_376 : i32
      %add3A_378 = arith.constant 3584 : i32
      %add3A_379 = arith.addi %add3A_378, %mul3A_377 : i32
      %swap3A_380 = arith.index_cast %add3A_379 : i32 to index
      %swap3A_381 = tpu.vector_load %arg6[%swap3A_380] {strides = array<i32>} : memref<4608xf32, #tpu.memory_space<vmem>>, vector<16xf32>,
      tpu.vector_store %arg6[%swap3A_380], %mul3A_327 {strides = array<i32>} : memref<4608xf32, #tpu.memory_space<vmem>>, vector<16xf32>,
      %mul3A_382 = arith.constant 16 : i32
      %mul3A_383 = arith.muli %scan3A_253, %mul3A_382 : i32
      %add3A_384 = arith.constant 4096 : i32
      %add3A_385 = arith.addi %add3A_384, %mul3A_383 : i32
      %swap3A_386 = arith.index_cast %add3A_385 : i32 to index
      %swap3A_387 = tpu.vector_load %arg6[%swap3A_386] {strides = array<i32>} : memref<4608xf32, #tpu.memory_space<vmem>>, vector<16xf32>,
      tpu.vector_store %arg6[%swap3A_386], %mul3A_334 {strides = array<i32>} : memref<4608xf32, #tpu.memory_space<vmem>>, vector<16xf32>,
      %scan3A_388 = arith.constant 0 : i32
      scf.yield %scan3A_388 : i32
    }
    %scan3A_6 = arith.constant 32 : i32
    %mul3A_7 = arith.constant 128 : i32
    %mul3A_8 = arith.muli %add3A, %mul3A_7 : i32
    %add3A_9 = arith.constant 0 : i32
    %add3A_10 = arith.addi %mul3A_8, %add3A_9 : i32
    %dma_start3A = arith.constant 0 : i32
    %dma_start3A_11 = tpu.memref_slice %arg2[%add3A_10, %dma_start3A] : memref<4096x512xf32, #tpu.memory_space<hbm>> -> memref<16x512xf32, #tpu.memory_space<hbm>>
    %dma_start3A_12 = arith.constant 0 : i32
    %dma_start3A_13 = tpu.memref_slice %arg2[%add3A_10, %dma_start3A_12] : memref<4096x512xf32, #tpu.memory_space<hbm>> -> memref<16x512xf32, #tpu.memory_space<hbm>>
    tpu.enqueue_dma source(%dma_start3A_13 : memref<16x512xf32, #tpu.memory_space<hbm>>) target(%arg7 : memref<16x512xf32, #tpu.memory_space<vmem>>) target_semaphore(%arg11 : memref<!tpu.dma_semaphore, #tpu.memory_space<semaphore_mem>>)
    %mul3A_14 = arith.constant 128 : i32
    %mul3A_15 = arith.muli %add3A, %mul3A_14 : i32
    %add3A_16 = arith.constant 16 : i32
    %add3A_17 = arith.addi %mul3A_15, %add3A_16 : i32
    %dma_start3A_18 = arith.constant 0 : i32
    %dma_start3A_19 = tpu.memref_slice %arg2[%add3A_17, %dma_start3A_18] : memref<4096x512xf32, #tpu.memory_space<hbm>> -> memref<16x512xf32, #tpu.memory_space<hbm>>
    %dma_start3A_20 = arith.constant 0 : i32
    %dma_start3A_21 = tpu.memref_slice %arg2[%add3A_17, %dma_start3A_20] : memref<4096x512xf32, #tpu.memory_space<hbm>> -> memref<16x512xf32, #tpu.memory_space<hbm>>
    tpu.enqueue_dma source(%dma_start3A_21 : memref<16x512xf32, #tpu.memory_space<hbm>>) target(%arg8 : memref<16x512xf32, #tpu.memory_space<vmem>>) target_semaphore(%arg12 : memref<!tpu.dma_semaphore, #tpu.memory_space<semaphore_mem>>)
    %dma_wait3A = arith.constant 0 : i32
    %dma_wait3A_22 = tpu.memref_slice %arg2[%add3A_10, %dma_wait3A] : memref<4096x512xf32, #tpu.memory_space<hbm>> -> memref<16x512xf32, #tpu.memory_space<hbm>>
    %dma_wait3A_23 = arith.constant 0 : i32
    %dma_wait3A_24 = tpu.memref_slice %arg2[%add3A_10, %dma_wait3A_23] : memref<4096x512xf32, #tpu.memory_space<hbm>> -> memref<16x512xf32, #tpu.memory_space<hbm>>
    tpu.wait_dma2 semaphore(%arg11 : memref<!tpu.dma_semaphore, #tpu.memory_space<semaphore_mem>>) src(%dma_wait3A_24 : memref<16x512xf32, #tpu.memory_space<hbm>>) dst(%arg7 : memref<16x512xf32, #tpu.memory_space<vmem>>)
    %scan3A_25 = arith.constant 0 : i32
    %scan3A_26 = arith.constant 0 : i32
    %scan3A_27 = arith.constant 32 : i32
    %scan3A_28 = arith.addi %scan3A_26, %scan3A_27 : i32
    %scan3A_29 = arith.constant 1 : i32
    %scan3A_30 = scf.for %scan3A_253 = %scan3A_26 to %scan3A_28 step %scan3A_29 iter_args(%scan3A_254 = %scan3A_25) -> (i32)  : i32 {
      %mul3A_255 = arith.constant 16 : i32
      %mul3A_256 = arith.muli %scan3A_253, %mul3A_255 : i32
      %add3A_257 = vector.broadcast %mul3A_256 : i32 to vector<16xi32>
      %add3A_258 = arith.addi %add3A_257, %iota3A : vector<16xi32>
      %mul3A_259 = arith.constant 3 : i32
      %mul3A_260 = vector.broadcast %mul3A_259 : i32 to vector<16xi32>
      %mul3A_261 = arith.muli %add3A_258, %mul3A_260 : vector<16xi32>
      %add3A_262 = arith.constant 1 : i32
      %add3A_263 = vector.broadcast %add3A_262 : i32 to vector<16xi32>
      %add3A_264 = arith.addi %mul3A_261, %add3A_263 : vector<16xi32>
      %rem3A = arith.constant 512 : i32
      %rem3A_265 = vector.broadcast %rem3A : i32 to vector<16xi32>
      %rem3A_266 = arith.remsi %add3A_264, %rem3A_265 : vector<16xi32>
      %add3A_267 = arith.constant 2 : i32
      %add3A_268 = vector.broadcast %add3A_267 : i32 to vector<16xi32>
      %add3A_269 = arith.addi %mul3A_261, %add3A_268 : vector<16xi32>
      %rem3A_270 = arith.constant 512 : i32
      %rem3A_271 = vector.broadcast %rem3A_270 : i32 to vector<16xi32>
      %rem3A_272 = arith.remsi %add3A_269, %rem3A_271 : vector<16xi32>
      %add3A_273 = arith.constant 3 : i32
      %add3A_274 = vector.broadcast %add3A_273 : i32 to vector<16xi32>
      %add3A_275 = arith.addi %mul3A_261, %add3A_274 : vector<16xi32>
      %rem3A_276 = arith.constant 512 : i32
      %rem3A_277 = vector.broadcast %rem3A_276 : i32 to vector<16xi32>
      %rem3A_278 = arith.remsi %add3A_275, %rem3A_277 : vector<16xi32>
      %mul3A_279 = arith.constant 16 : i32
      %mul3A_280 = arith.muli %scan3A_253, %mul3A_279 : i32
      %add3A_281 = arith.constant 0 : i32
      %add3A_282 = arith.addi %add3A_281, %mul3A_280 : i32
      %get3A = arith.index_cast %add3A_282 : i32 to index
      %get3A_283 = tpu.vector_load %arg6[%get3A] {strides = array<i32>} : memref<4608xf32, #tpu.memory_space<vmem>>, vector<16xf32>,
      %mul3A_284 = arith.constant 16 : i32
      %mul3A_285 = arith.muli %scan3A_253, %mul3A_284 : i32
      %add3A_286 = arith.constant 512 : i32
      %add3A_287 = arith.addi %add3A_286, %mul3A_285 : i32
      %get3A_288 = arith.index_cast %add3A_287 : i32 to index
      %get3A_289 = tpu.vector_load %arg6[%get3A_288] {strides = array<i32>} : memref<4608xf32, #tpu.memory_space<vmem>>, vector<16xf32>,
      %mul3A_290 = arith.constant 16 : i32
      %mul3A_291 = arith.muli %scan3A_253, %mul3A_290 : i32
      %add3A_292 = arith.constant 1024 : i32
      %add3A_293 = arith.addi %add3A_292, %mul3A_291 : i32
      %get3A_294 = arith.index_cast %add3A_293 : i32 to index
      %get3A_295 = tpu.vector_load %arg6[%get3A_294] {strides = array<i32>} : memref<4608xf32, #tpu.memory_space<vmem>>, vector<16xf32>,
      %mul3A_296 = arith.constant 16 : i32
      %mul3A_297 = arith.muli %scan3A_253, %mul3A_296 : i32
      %add3A_298 = arith.constant 1536 : i32
      %add3A_299 = arith.addi %add3A_298, %mul3A_297 : i32
      %get3A_300 = arith.index_cast %add3A_299 : i32 to index
      %get3A_301 = tpu.vector_load %arg6[%get3A_300] {strides = array<i32>} : memref<4608xf32, #tpu.memory_space<vmem>>, vector<16xf32>,
      %mul3A_302 = arith.constant 16 : i32
      %mul3A_303 = arith.muli %scan3A_253, %mul3A_302 : i32
      %add3A_304 = arith.constant 2048 : i32
      %add3A_305 = arith.addi %add3A_304, %mul3A_303 : i32
      %get3A_306 = arith.index_cast %add3A_305 : i32 to index
      %get3A_307 = tpu.vector_load %arg6[%get3A_306] {strides = array<i32>} : memref<4608xf32, #tpu.memory_space<vmem>>, vector<16xf32>,
      %mul3A_308 = arith.constant 16 : i32
      %mul3A_309 = arith.muli %scan3A_253, %mul3A_308 : i32
      %add3A_310 = arith.constant 2560 : i32
      %add3A_311 = arith.addi %add3A_310, %mul3A_309 : i32
      %get3A_312 = arith.index_cast %add3A_311 : i32 to index
      %get3A_313 = tpu.vector_load %arg6[%get3A_312] {strides = array<i32>} : memref<4608xf32, #tpu.memory_space<vmem>>, vector<16xf32>,
      %mul3A_314 = arith.constant 16 : i32
      %mul3A_315 = arith.muli %scan3A_253, %mul3A_314 : i32
      %add3A_316 = arith.constant 3072 : i32
      %add3A_317 = arith.addi %add3A_316, %mul3A_315 : i32
      %get3A_318 = arith.index_cast %add3A_317 : i32 to index
      %get3A_319 = tpu.vector_load %arg6[%get3A_318] {strides = array<i32>} : memref<4608xf32, #tpu.memory_space<vmem>>, vector<16xf32>,
      %mul3A_320 = arith.constant 16 : i32
      %mul3A_321 = arith.muli %scan3A_253, %mul3A_320 : i32
      %add3A_322 = arith.constant 3584 : i32
      %add3A_323 = arith.addi %add3A_322, %mul3A_321 : i32
      %get3A_324 = arith.index_cast %add3A_323 : i32 to index
      %get3A_325 = tpu.vector_load %arg6[%get3A_324] {strides = array<i32>} : memref<4608xf32, #tpu.memory_space<vmem>>, vector<16xf32>,
      %mul3A_326 = arith.constant 16 : i32
      %mul3A_327 = arith.muli %scan3A_253, %mul3A_326 : i32
      %add3A_328 = arith.constant 4096 : i32
      %add3A_329 = arith.addi %add3A_328, %mul3A_327 : i32
      %get3A_330 = arith.index_cast %add3A_329 : i32 to index
      %get3A_331 = tpu.vector_load %arg6[%get3A_330] {strides = array<i32>} : memref<4608xf32, #tpu.memory_space<vmem>>, vector<16xf32>,
      %parallel_loop3A = arith.constant 0 : i32
      %parallel_loop3A_332 = arith.constant 16 : i32
      %parallel_loop3A_333 = arith.constant 1 : i32
      scf.for %parallel_loop3A_335 = %parallel_loop3A to %parallel_loop3A_332 step %parallel_loop3A_333  : i32 {
        %parallel_loop3A_336 = vector.broadcast %parallel_loop3A_335 : i32 to vector<16xi32>
        %parallel_loop3A_337 = tpu.vector_load_idx %arg7[%parallel_loop3A_336, %rem3A_266] : memref<16x512xf32, #tpu.memory_space<vmem>>[vector<16xi32>, vector<16xi32>], vector<16xf32>,
        %parallel_loop3A_338 = tpu.vector_load_idx %arg7[%parallel_loop3A_336, %rem3A_272] : memref<16x512xf32, #tpu.memory_space<vmem>>[vector<16xi32>, vector<16xi32>], vector<16xf32>,
        %parallel_loop3A_339 = tpu.vector_load_idx %arg7[%parallel_loop3A_336, %rem3A_278] : memref<16x512xf32, #tpu.memory_space<vmem>>[vector<16xi32>, vector<16xi32>], vector<16xf32>,
        %parallel_loop3A_340 = arith.mulf %parallel_loop3A_337, %parallel_loop3A_338 : vector<16xf32>
        %parallel_loop3A_341 = arith.mulf %get3A_319, %parallel_loop3A_340 : vector<16xf32>
        %parallel_loop3A_342 = arith.mulf %parallel_loop3A_337, %parallel_loop3A_339 : vector<16xf32>
        %parallel_loop3A_343 = arith.mulf %get3A_325, %parallel_loop3A_342 : vector<16xf32>
        %parallel_loop3A_344 = arith.addf %parallel_loop3A_341, %parallel_loop3A_343 : vector<16xf32>
        %parallel_loop3A_345 = arith.mulf %parallel_loop3A_338, %parallel_loop3A_339 : vector<16xf32>
        %parallel_loop3A_346 = arith.mulf %get3A_331, %parallel_loop3A_345 : vector<16xf32>
        %parallel_loop3A_347 = arith.addf %parallel_loop3A_344, %parallel_loop3A_346 : vector<16xf32>
        %parallel_loop3A_348 = arith.mulf %get3A_283, %parallel_loop3A_337 : vector<16xf32>
        %parallel_loop3A_349 = arith.mulf %get3A_289, %parallel_loop3A_338 : vector<16xf32>
        %parallel_loop3A_350 = arith.addf %parallel_loop3A_348, %parallel_loop3A_349 : vector<16xf32>
        %parallel_loop3A_351 = arith.mulf %get3A_295, %parallel_loop3A_339 : vector<16xf32>
        %parallel_loop3A_352 = arith.addf %parallel_loop3A_350, %parallel_loop3A_351 : vector<16xf32>
        %parallel_loop3A_353 = arith.mulf %get3A_301, %parallel_loop3A_337 : vector<16xf32>
        %parallel_loop3A_354 = arith.mulf %get3A_307, %parallel_loop3A_338 : vector<16xf32>
        %parallel_loop3A_355 = arith.addf %parallel_loop3A_353, %parallel_loop3A_354 : vector<16xf32>
        %parallel_loop3A_356 = arith.mulf %get3A_313, %parallel_loop3A_339 : vector<16xf32>
        %parallel_loop3A_357 = arith.addf %parallel_loop3A_355, %parallel_loop3A_356 : vector<16xf32>
        %parallel_loop3A_358 = arith.addf %parallel_loop3A_357, %parallel_loop3A_347 : vector<16xf32>
        %parallel_loop3A_359 = arith.addf %parallel_loop3A_337, %parallel_loop3A_338 : vector<16xf32>
        %parallel_loop3A_360 = arith.addf %parallel_loop3A_359, %parallel_loop3A_339 : vector<16xf32>
        %parallel_loop3A_361 = arith.subf %parallel_loop3A_360, %parallel_loop3A_352 : vector<16xf32>
        %parallel_loop3A_362 = arith.subf %parallel_loop3A_361, %parallel_loop3A_358 : vector<16xf32>
        tpu.vector_store_idx %arg9[%parallel_loop3A_336, %mul3A_261], %parallel_loop3A_352 : memref<16x1536xf32, #tpu.memory_space<vmem>>[vector<16xi32>, vector<16xi32>], vector<16xf32>,
        %parallel_loop3A_363 = arith.constant 1 : i32
        %parallel_loop3A_364 = vector.broadcast %parallel_loop3A_363 : i32 to vector<16xi32>
        %parallel_loop3A_365 = arith.addi %mul3A_261, %parallel_loop3A_364 : vector<16xi32>
        tpu.vector_store_idx %arg9[%parallel_loop3A_336, %parallel_loop3A_365], %parallel_loop3A_358 : memref<16x1536xf32, #tpu.memory_space<vmem>>[vector<16xi32>, vector<16xi32>], vector<16xf32>,
        %parallel_loop3A_366 = arith.constant 2 : i32
        %parallel_loop3A_367 = vector.broadcast %parallel_loop3A_366 : i32 to vector<16xi32>
        %parallel_loop3A_368 = arith.addi %mul3A_261, %parallel_loop3A_367 : vector<16xi32>
        tpu.vector_store_idx %arg9[%parallel_loop3A_336, %parallel_loop3A_368], %parallel_loop3A_362 : memref<16x1536xf32, #tpu.memory_space<vmem>>[vector<16xi32>, vector<16xi32>], vector<16xf32>,
      } {sc.loop_unroll_factor = 2 : i64, sc.parallel_access}
      %scan3A_334 = arith.constant 0 : i32
      scf.yield %scan3A_334 : i32
    }
    %scan3A_31 = arith.constant 32 : i32
    %mul3A_32 = arith.constant 128 : i32
    %mul3A_33 = arith.muli %add3A, %mul3A_32 : i32
    %add3A_34 = arith.constant 0 : i32
    %add3A_35 = arith.addi %mul3A_33, %add3A_34 : i32
    %dma_start3A_36 = arith.constant 0 : i32
    %dma_start3A_37 = tpu.memref_slice %arg4[%add3A_35, %dma_start3A_36] : memref<4096x1536xf32, #tpu.memory_space<hbm>> -> memref<16x1536xf32, #tpu.memory_space<hbm>>
    %dma_start3A_38 = arith.constant 0 : i32
    %dma_start3A_39 = tpu.memref_slice %arg4[%add3A_35, %dma_start3A_38] : memref<4096x1536xf32, #tpu.memory_space<hbm>> -> memref<16x1536xf32, #tpu.memory_space<hbm>>
    tpu.enqueue_dma source(%arg9 : memref<16x1536xf32, #tpu.memory_space<vmem>>) target(%dma_start3A_39 : memref<16x1536xf32, #tpu.memory_space<hbm>>) target_semaphore(%arg13 : memref<!tpu.dma_semaphore, #tpu.memory_space<semaphore_mem>>)
    %mul3A_40 = arith.constant 128 : i32
    %mul3A_41 = arith.muli %add3A, %mul3A_40 : i32
    %add3A_42 = arith.constant 32 : i32
    %add3A_43 = arith.addi %mul3A_41, %add3A_42 : i32
    %dma_start3A_44 = arith.constant 0 : i32
    %dma_start3A_45 = tpu.memref_slice %arg2[%add3A_43, %dma_start3A_44] : memref<4096x512xf32, #tpu.memory_space<hbm>> -> memref<16x512xf32, #tpu.memory_space<hbm>>
    %dma_start3A_46 = arith.constant 0 : i32
    %dma_start3A_47 = tpu.memref_slice %arg2[%add3A_43, %dma_start3A_46] : memref<4096x512xf32, #tpu.memory_space<hbm>> -> memref<16x512xf32, #tpu.memory_space<hbm>>
    tpu.enqueue_dma source(%dma_start3A_47 : memref<16x512xf32, #tpu.memory_space<hbm>>) target(%arg7 : memref<16x512xf32, #tpu.memory_space<vmem>>) target_semaphore(%arg11 : memref<!tpu.dma_semaphore, #tpu.memory_space<semaphore_mem>>)
    %dma_wait3A_48 = arith.constant 0 : i32
    %dma_wait3A_49 = tpu.memref_slice %arg2[%add3A_17, %dma_wait3A_48] : memref<4096x512xf32, #tpu.memory_space<hbm>> -> memref<16x512xf32, #tpu.memory_space<hbm>>
    %dma_wait3A_50 = arith.constant 0 : i32
    %dma_wait3A_51 = tpu.memref_slice %arg2[%add3A_17, %dma_wait3A_50] : memref<4096x512xf32, #tpu.memory_space<hbm>> -> memref<16x512xf32, #tpu.memory_space<hbm>>
    tpu.wait_dma2 semaphore(%arg12 : memref<!tpu.dma_semaphore, #tpu.memory_space<semaphore_mem>>) src(%dma_wait3A_51 : memref<16x512xf32, #tpu.memory_space<hbm>>) dst(%arg8 : memref<16x512xf32, #tpu.memory_space<vmem>>)
    %scan3A_52 = arith.constant 0 : i32
    %scan3A_53 = arith.constant 0 : i32
    %scan3A_54 = arith.constant 32 : i32
    %scan3A_55 = arith.addi %scan3A_53, %scan3A_54 : i32
    %scan3A_56 = arith.constant 1 : i32
    %scan3A_57 = scf.for %scan3A_253 = %scan3A_53 to %scan3A_55 step %scan3A_56 iter_args(%scan3A_254 = %scan3A_52) -> (i32)  : i32 {
      %mul3A_255 = arith.constant 16 : i32
      %mul3A_256 = arith.muli %scan3A_253, %mul3A_255 : i32
      %add3A_257 = vector.broadcast %mul3A_256 : i32 to vector<16xi32>
      %add3A_258 = arith.addi %add3A_257, %iota3A : vector<16xi32>
      %mul3A_259 = arith.constant 3 : i32
      %mul3A_260 = vector.broadcast %mul3A_259 : i32 to vector<16xi32>
      %mul3A_261 = arith.muli %add3A_258, %mul3A_260 : vector<16xi32>
      %add3A_262 = arith.constant 1 : i32
      %add3A_263 = vector.broadcast %add3A_262 : i32 to vector<16xi32>
      %add3A_264 = arith.addi %mul3A_261, %add3A_263 : vector<16xi32>
      %rem3A = arith.constant 512 : i32
      %rem3A_265 = vector.broadcast %rem3A : i32 to vector<16xi32>
      %rem3A_266 = arith.remsi %add3A_264, %rem3A_265 : vector<16xi32>
      %add3A_267 = arith.constant 2 : i32
      %add3A_268 = vector.broadcast %add3A_267 : i32 to vector<16xi32>
      %add3A_269 = arith.addi %mul3A_261, %add3A_268 : vector<16xi32>
      %rem3A_270 = arith.constant 512 : i32
      %rem3A_271 = vector.broadcast %rem3A_270 : i32 to vector<16xi32>
      %rem3A_272 = arith.remsi %add3A_269, %rem3A_271 : vector<16xi32>
      %add3A_273 = arith.constant 3 : i32
      %add3A_274 = vector.broadcast %add3A_273 : i32 to vector<16xi32>
      %add3A_275 = arith.addi %mul3A_261, %add3A_274 : vector<16xi32>
      %rem3A_276 = arith.constant 512 : i32
      %rem3A_277 = vector.broadcast %rem3A_276 : i32 to vector<16xi32>
      %rem3A_278 = arith.remsi %add3A_275, %rem3A_277 : vector<16xi32>
      %mul3A_279 = arith.constant 16 : i32
      %mul3A_280 = arith.muli %scan3A_253, %mul3A_279 : i32
      %add3A_281 = arith.constant 0 : i32
      %add3A_282 = arith.addi %add3A_281, %mul3A_280 : i32
      %get3A = arith.index_cast %add3A_282 : i32 to index
      %get3A_283 = tpu.vector_load %arg6[%get3A] {strides = array<i32>} : memref<4608xf32, #tpu.memory_space<vmem>>, vector<16xf32>,
      %mul3A_284 = arith.constant 16 : i32
      %mul3A_285 = arith.muli %scan3A_253, %mul3A_284 : i32
      %add3A_286 = arith.constant 512 : i32
      %add3A_287 = arith.addi %add3A_286, %mul3A_285 : i32
      %get3A_288 = arith.index_cast %add3A_287 : i32 to index
      %get3A_289 = tpu.vector_load %arg6[%get3A_288] {strides = array<i32>} : memref<4608xf32, #tpu.memory_space<vmem>>, vector<16xf32>,
      %mul3A_290 = arith.constant 16 : i32
      %mul3A_291 = arith.muli %scan3A_253, %mul3A_290 : i32
      %add3A_292 = arith.constant 1024 : i32
      %add3A_293 = arith.addi %add3A_292, %mul3A_291 : i32
      %get3A_294 = arith.index_cast %add3A_293 : i32 to index
      %get3A_295 = tpu.vector_load %arg6[%get3A_294] {strides = array<i32>} : memref<4608xf32, #tpu.memory_space<vmem>>, vector<16xf32>,
      %mul3A_296 = arith.constant 16 : i32
      %mul3A_297 = arith.muli %scan3A_253, %mul3A_296 : i32
      %add3A_298 = arith.constant 1536 : i32
      %add3A_299 = arith.addi %add3A_298, %mul3A_297 : i32
      %get3A_300 = arith.index_cast %add3A_299 : i32 to index
      %get3A_301 = tpu.vector_load %arg6[%get3A_300] {strides = array<i32>} : memref<4608xf32, #tpu.memory_space<vmem>>, vector<16xf32>,
      %mul3A_302 = arith.constant 16 : i32
      %mul3A_303 = arith.muli %scan3A_253, %mul3A_302 : i32
      %add3A_304 = arith.constant 2048 : i32
      %add3A_305 = arith.addi %add3A_304, %mul3A_303 : i32
      %get3A_306 = arith.index_cast %add3A_305 : i32 to index
      %get3A_307 = tpu.vector_load %arg6[%get3A_306] {strides = array<i32>} : memref<4608xf32, #tpu.memory_space<vmem>>, vector<16xf32>,
      %mul3A_308 = arith.constant 16 : i32
      %mul3A_309 = arith.muli %scan3A_253, %mul3A_308 : i32
      %add3A_310 = arith.constant 2560 : i32
      %add3A_311 = arith.addi %add3A_310, %mul3A_309 : i32
      %get3A_312 = arith.index_cast %add3A_311 : i32 to index
      %get3A_313 = tpu.vector_load %arg6[%get3A_312] {strides = array<i32>} : memref<4608xf32, #tpu.memory_space<vmem>>, vector<16xf32>,
      %mul3A_314 = arith.constant 16 : i32
      %mul3A_315 = arith.muli %scan3A_253, %mul3A_314 : i32
      %add3A_316 = arith.constant 3072 : i32
      %add3A_317 = arith.addi %add3A_316, %mul3A_315 : i32
      %get3A_318 = arith.index_cast %add3A_317 : i32 to index
      %get3A_319 = tpu.vector_load %arg6[%get3A_318] {strides = array<i32>} : memref<4608xf32, #tpu.memory_space<vmem>>, vector<16xf32>,
      %mul3A_320 = arith.constant 16 : i32
      %mul3A_321 = arith.muli %scan3A_253, %mul3A_320 : i32
      %add3A_322 = arith.constant 3584 : i32
      %add3A_323 = arith.addi %add3A_322, %mul3A_321 : i32
      %get3A_324 = arith.index_cast %add3A_323 : i32 to index
      %get3A_325 = tpu.vector_load %arg6[%get3A_324] {strides = array<i32>} : memref<4608xf32, #tpu.memory_space<vmem>>, vector<16xf32>,
      %mul3A_326 = arith.constant 16 : i32
      %mul3A_327 = arith.muli %scan3A_253, %mul3A_326 : i32
      %add3A_328 = arith.constant 4096 : i32
      %add3A_329 = arith.addi %add3A_328, %mul3A_327 : i32
      %get3A_330 = arith.index_cast %add3A_329 : i32 to index
      %get3A_331 = tpu.vector_load %arg6[%get3A_330] {strides = array<i32>} : memref<4608xf32, #tpu.memory_space<vmem>>, vector<16xf32>,
      %parallel_loop3A = arith.constant 0 : i32
      %parallel_loop3A_332 = arith.constant 16 : i32
      %parallel_loop3A_333 = arith.constant 1 : i32
      scf.for %parallel_loop3A_335 = %parallel_loop3A to %parallel_loop3A_332 step %parallel_loop3A_333  : i32 {
        %parallel_loop3A_336 = vector.broadcast %parallel_loop3A_335 : i32 to vector<16xi32>
        %parallel_loop3A_337 = tpu.vector_load_idx %arg8[%parallel_loop3A_336, %rem3A_266] : memref<16x512xf32, #tpu.memory_space<vmem>>[vector<16xi32>, vector<16xi32>], vector<16xf32>,
        %parallel_loop3A_338 = tpu.vector_load_idx %arg8[%parallel_loop3A_336, %rem3A_272] : memref<16x512xf32, #tpu.memory_space<vmem>>[vector<16xi32>, vector<16xi32>], vector<16xf32>,
        %parallel_loop3A_339 = tpu.vector_load_idx %arg8[%parallel_loop3A_336, %rem3A_278] : memref<16x512xf32, #tpu.memory_space<vmem>>[vector<16xi32>, vector<16xi32>], vector<16xf32>,
        %parallel_loop3A_340 = arith.mulf %parallel_loop3A_337, %parallel_loop3A_338 : vector<16xf32>
        %parallel_loop3A_341 = arith.mulf %get3A_319, %parallel_loop3A_340 : vector<16xf32>
        %parallel_loop3A_342 = arith.mulf %parallel_loop3A_337, %parallel_loop3A_339 : vector<16xf32>
        %parallel_loop3A_343 = arith.mulf %get3A_325, %parallel_loop3A_342 : vector<16xf32>
        %parallel_loop3A_344 = arith.addf %parallel_loop3A_341, %parallel_loop3A_343 : vector<16xf32>
        %parallel_loop3A_345 = arith.mulf %parallel_loop3A_338, %parallel_loop3A_339 : vector<16xf32>
        %parallel_loop3A_346 = arith.mulf %get3A_331, %parallel_loop3A_345 : vector<16xf32>
        %parallel_loop3A_347 = arith.addf %parallel_loop3A_344, %parallel_loop3A_346 : vector<16xf32>
        %parallel_loop3A_348 = arith.mulf %get3A_283, %parallel_loop3A_337 : vector<16xf32>
        %parallel_loop3A_349 = arith.mulf %get3A_289, %parallel_loop3A_338 : vector<16xf32>
        %parallel_loop3A_350 = arith.addf %parallel_loop3A_348, %parallel_loop3A_349 : vector<16xf32>
        %parallel_loop3A_351 = arith.mulf %get3A_295, %parallel_loop3A_339 : vector<16xf32>
        %parallel_loop3A_352 = arith.addf %parallel_loop3A_350, %parallel_loop3A_351 : vector<16xf32>
        %parallel_loop3A_353 = arith.mulf %get3A_301, %parallel_loop3A_337 : vector<16xf32>
        %parallel_loop3A_354 = arith.mulf %get3A_307, %parallel_loop3A_338 : vector<16xf32>
        %parallel_loop3A_355 = arith.addf %parallel_loop3A_353, %parallel_loop3A_354 : vector<16xf32>
        %parallel_loop3A_356 = arith.mulf %get3A_313, %parallel_loop3A_339 : vector<16xf32>
        %parallel_loop3A_357 = arith.addf %parallel_loop3A_355, %parallel_loop3A_356 : vector<16xf32>
        %parallel_loop3A_358 = arith.addf %parallel_loop3A_357, %parallel_loop3A_347 : vector<16xf32>
        %parallel_loop3A_359 = arith.addf %parallel_loop3A_337, %parallel_loop3A_338 : vector<16xf32>
        %parallel_loop3A_360 = arith.addf %parallel_loop3A_359, %parallel_loop3A_339 : vector<16xf32>
        %parallel_loop3A_361 = arith.subf %parallel_loop3A_360, %parallel_loop3A_352 : vector<16xf32>
        %parallel_loop3A_362 = arith.subf %parallel_loop3A_361, %parallel_loop3A_358 : vector<16xf32>
        tpu.vector_store_idx %arg10[%parallel_loop3A_336, %mul3A_261], %parallel_loop3A_352 : memref<16x1536xf32, #tpu.memory_space<vmem>>[vector<16xi32>, vector<16xi32>], vector<16xf32>,
        %parallel_loop3A_363 = arith.constant 1 : i32
        %parallel_loop3A_364 = vector.broadcast %parallel_loop3A_363 : i32 to vector<16xi32>
        %parallel_loop3A_365 = arith.addi %mul3A_261, %parallel_loop3A_364 : vector<16xi32>
        tpu.vector_store_idx %arg10[%parallel_loop3A_336, %parallel_loop3A_365], %parallel_loop3A_358 : memref<16x1536xf32, #tpu.memory_space<vmem>>[vector<16xi32>, vector<16xi32>], vector<16xf32>,
        %parallel_loop3A_366 = arith.constant 2 : i32
        %parallel_loop3A_367 = vector.broadcast %parallel_loop3A_366 : i32 to vector<16xi32>
        %parallel_loop3A_368 = arith.addi %mul3A_261, %parallel_loop3A_367 : vector<16xi32>
        tpu.vector_store_idx %arg10[%parallel_loop3A_336, %parallel_loop3A_368], %parallel_loop3A_362 : memref<16x1536xf32, #tpu.memory_space<vmem>>[vector<16xi32>, vector<16xi32>], vector<16xf32>,
      } {sc.loop_unroll_factor = 2 : i64, sc.parallel_access}
      %scan3A_334 = arith.constant 0 : i32
      scf.yield %scan3A_334 : i32
    }
    %scan3A_58 = arith.constant 32 : i32
    %mul3A_59 = arith.constant 128 : i32
    %mul3A_60 = arith.muli %add3A, %mul3A_59 : i32
    %add3A_61 = arith.constant 16 : i32
    %add3A_62 = arith.addi %mul3A_60, %add3A_61 : i32
    %dma_start3A_63 = arith.constant 0 : i32
    %dma_start3A_64 = tpu.memref_slice %arg4[%add3A_62, %dma_start3A_63] : memref<4096x1536xf32, #tpu.memory_space<hbm>> -> memref<16x1536xf32, #tpu.memory_space<hbm>>
    %dma_start3A_65 = arith.constant 0 : i32
    %dma_start3A_66 = tpu.memref_slice %arg4[%add3A_62, %dma_start3A_65] : memref<4096x1536xf32, #tpu.memory_space<hbm>> -> memref<16x1536xf32, #tpu.memory_space<hbm>>
    tpu.enqueue_dma source(%arg10 : memref<16x1536xf32, #tpu.memory_space<vmem>>) target(%dma_start3A_66 : memref<16x1536xf32, #tpu.memory_space<hbm>>) target_semaphore(%arg14 : memref<!tpu.dma_semaphore, #tpu.memory_space<semaphore_mem>>)
    %mul3A_67 = arith.constant 128 : i32
    %mul3A_68 = arith.muli %add3A, %mul3A_67 : i32
    %add3A_69 = arith.constant 48 : i32
    %add3A_70 = arith.addi %mul3A_68, %add3A_69 : i32
    %dma_start3A_71 = arith.constant 0 : i32
    %dma_start3A_72 = tpu.memref_slice %arg2[%add3A_70, %dma_start3A_71] : memref<4096x512xf32, #tpu.memory_space<hbm>> -> memref<16x512xf32, #tpu.memory_space<hbm>>
    %dma_start3A_73 = arith.constant 0 : i32
    %dma_start3A_74 = tpu.memref_slice %arg2[%add3A_70, %dma_start3A_73] : memref<4096x512xf32, #tpu.memory_space<hbm>> -> memref<16x512xf32, #tpu.memory_space<hbm>>
    tpu.enqueue_dma source(%dma_start3A_74 : memref<16x512xf32, #tpu.memory_space<hbm>>) target(%arg8 : memref<16x512xf32, #tpu.memory_space<vmem>>) target_semaphore(%arg12 : memref<!tpu.dma_semaphore, #tpu.memory_space<semaphore_mem>>)
    %dma_wait3A_75 = arith.constant 0 : i32
    %dma_wait3A_76 = tpu.memref_slice %arg2[%add3A_43, %dma_wait3A_75] : memref<4096x512xf32, #tpu.memory_space<hbm>> -> memref<16x512xf32, #tpu.memory_space<hbm>>
    %dma_wait3A_77 = arith.constant 0 : i32
    %dma_wait3A_78 = tpu.memref_slice %arg2[%add3A_43, %dma_wait3A_77] : memref<4096x512xf32, #tpu.memory_space<hbm>> -> memref<16x512xf32, #tpu.memory_space<hbm>>
    tpu.wait_dma2 semaphore(%arg11 : memref<!tpu.dma_semaphore, #tpu.memory_space<semaphore_mem>>) src(%dma_wait3A_78 : memref<16x512xf32, #tpu.memory_space<hbm>>) dst(%arg7 : memref<16x512xf32, #tpu.memory_space<vmem>>)
    %dma_wait3A_79 = arith.constant 0 : i32
    %dma_wait3A_80 = tpu.memref_slice %arg4[%add3A_35, %dma_wait3A_79] : memref<4096x1536xf32, #tpu.memory_space<hbm>> -> memref<16x1536xf32, #tpu.memory_space<hbm>>
    %dma_wait3A_81 = arith.constant 0 : i32
    %dma_wait3A_82 = tpu.memref_slice %arg4[%add3A_35, %dma_wait3A_81] : memref<4096x1536xf32, #tpu.memory_space<hbm>> -> memref<16x1536xf32, #tpu.memory_space<hbm>>
    tpu.wait_dma2 semaphore(%arg13 : memref<!tpu.dma_semaphore, #tpu.memory_space<semaphore_mem>>) src(%arg9 : memref<16x1536xf32, #tpu.memory_space<vmem>>) dst(%dma_wait3A_82 : memref<16x1536xf32, #tpu.memory_space<hbm>>)
    %scan3A_83 = arith.constant 0 : i32
    %scan3A_84 = arith.constant 0 : i32
    %scan3A_85 = arith.constant 32 : i32
    %scan3A_86 = arith.addi %scan3A_84, %scan3A_85 : i32
    %scan3A_87 = arith.constant 1 : i32
    %scan3A_88 = scf.for %scan3A_253 = %scan3A_84 to %scan3A_86 step %scan3A_87 iter_args(%scan3A_254 = %scan3A_83) -> (i32)  : i32 {
      %mul3A_255 = arith.constant 16 : i32
      %mul3A_256 = arith.muli %scan3A_253, %mul3A_255 : i32
      %add3A_257 = vector.broadcast %mul3A_256 : i32 to vector<16xi32>
      %add3A_258 = arith.addi %add3A_257, %iota3A : vector<16xi32>
      %mul3A_259 = arith.constant 3 : i32
      %mul3A_260 = vector.broadcast %mul3A_259 : i32 to vector<16xi32>
      %mul3A_261 = arith.muli %add3A_258, %mul3A_260 : vector<16xi32>
      %add3A_262 = arith.constant 1 : i32
      %add3A_263 = vector.broadcast %add3A_262 : i32 to vector<16xi32>
      %add3A_264 = arith.addi %mul3A_261, %add3A_263 : vector<16xi32>
      %rem3A = arith.constant 512 : i32
      %rem3A_265 = vector.broadcast %rem3A : i32 to vector<16xi32>
      %rem3A_266 = arith.remsi %add3A_264, %rem3A_265 : vector<16xi32>
      %add3A_267 = arith.constant 2 : i32
      %add3A_268 = vector.broadcast %add3A_267 : i32 to vector<16xi32>
      %add3A_269 = arith.addi %mul3A_261, %add3A_268 : vector<16xi32>
      %rem3A_270 = arith.constant 512 : i32
      %rem3A_271 = vector.broadcast %rem3A_270 : i32 to vector<16xi32>
      %rem3A_272 = arith.remsi %add3A_269, %rem3A_271 : vector<16xi32>
      %add3A_273 = arith.constant 3 : i32
      %add3A_274 = vector.broadcast %add3A_273 : i32 to vector<16xi32>
      %add3A_275 = arith.addi %mul3A_261, %add3A_274 : vector<16xi32>
      %rem3A_276 = arith.constant 512 : i32
      %rem3A_277 = vector.broadcast %rem3A_276 : i32 to vector<16xi32>
      %rem3A_278 = arith.remsi %add3A_275, %rem3A_277 : vector<16xi32>
      %mul3A_279 = arith.constant 16 : i32
      %mul3A_280 = arith.muli %scan3A_253, %mul3A_279 : i32
      %add3A_281 = arith.constant 0 : i32
      %add3A_282 = arith.addi %add3A_281, %mul3A_280 : i32
      %get3A = arith.index_cast %add3A_282 : i32 to index
      %get3A_283 = tpu.vector_load %arg6[%get3A] {strides = array<i32>} : memref<4608xf32, #tpu.memory_space<vmem>>, vector<16xf32>,
      %mul3A_284 = arith.constant 16 : i32
      %mul3A_285 = arith.muli %scan3A_253, %mul3A_284 : i32
      %add3A_286 = arith.constant 512 : i32
      %add3A_287 = arith.addi %add3A_286, %mul3A_285 : i32
      %get3A_288 = arith.index_cast %add3A_287 : i32 to index
      %get3A_289 = tpu.vector_load %arg6[%get3A_288] {strides = array<i32>} : memref<4608xf32, #tpu.memory_space<vmem>>, vector<16xf32>,
      %mul3A_290 = arith.constant 16 : i32
      %mul3A_291 = arith.muli %scan3A_253, %mul3A_290 : i32
      %add3A_292 = arith.constant 1024 : i32
      %add3A_293 = arith.addi %add3A_292, %mul3A_291 : i32
      %get3A_294 = arith.index_cast %add3A_293 : i32 to index
      %get3A_295 = tpu.vector_load %arg6[%get3A_294] {strides = array<i32>} : memref<4608xf32, #tpu.memory_space<vmem>>, vector<16xf32>,
      %mul3A_296 = arith.constant 16 : i32
      %mul3A_297 = arith.muli %scan3A_253, %mul3A_296 : i32
      %add3A_298 = arith.constant 1536 : i32
      %add3A_299 = arith.addi %add3A_298, %mul3A_297 : i32
      %get3A_300 = arith.index_cast %add3A_299 : i32 to index
      %get3A_301 = tpu.vector_load %arg6[%get3A_300] {strides = array<i32>} : memref<4608xf32, #tpu.memory_space<vmem>>, vector<16xf32>,
      %mul3A_302 = arith.constant 16 : i32
      %mul3A_303 = arith.muli %scan3A_253, %mul3A_302 : i32
      %add3A_304 = arith.constant 2048 : i32
      %add3A_305 = arith.addi %add3A_304, %mul3A_303 : i32
      %get3A_306 = arith.index_cast %add3A_305 : i32 to index
      %get3A_307 = tpu.vector_load %arg6[%get3A_306] {strides = array<i32>} : memref<4608xf32, #tpu.memory_space<vmem>>, vector<16xf32>,
      %mul3A_308 = arith.constant 16 : i32
      %mul3A_309 = arith.muli %scan3A_253, %mul3A_308 : i32
      %add3A_310 = arith.constant 2560 : i32
      %add3A_311 = arith.addi %add3A_310, %mul3A_309 : i32
      %get3A_312 = arith.index_cast %add3A_311 : i32 to index
      %get3A_313 = tpu.vector_load %arg6[%get3A_312] {strides = array<i32>} : memref<4608xf32, #tpu.memory_space<vmem>>, vector<16xf32>,
      %mul3A_314 = arith.constant 16 : i32
      %mul3A_315 = arith.muli %scan3A_253, %mul3A_314 : i32
      %add3A_316 = arith.constant 3072 : i32
      %add3A_317 = arith.addi %add3A_316, %mul3A_315 : i32
      %get3A_318 = arith.index_cast %add3A_317 : i32 to index
      %get3A_319 = tpu.vector_load %arg6[%get3A_318] {strides = array<i32>} : memref<4608xf32, #tpu.memory_space<vmem>>, vector<16xf32>,
      %mul3A_320 = arith.constant 16 : i32
      %mul3A_321 = arith.muli %scan3A_253, %mul3A_320 : i32
      %add3A_322 = arith.constant 3584 : i32
      %add3A_323 = arith.addi %add3A_322, %mul3A_321 : i32
      %get3A_324 = arith.index_cast %add3A_323 : i32 to index
      %get3A_325 = tpu.vector_load %arg6[%get3A_324] {strides = array<i32>} : memref<4608xf32, #tpu.memory_space<vmem>>, vector<16xf32>,
      %mul3A_326 = arith.constant 16 : i32
      %mul3A_327 = arith.muli %scan3A_253, %mul3A_326 : i32
      %add3A_328 = arith.constant 4096 : i32
      %add3A_329 = arith.addi %add3A_328, %mul3A_327 : i32
      %get3A_330 = arith.index_cast %add3A_329 : i32 to index
      %get3A_331 = tpu.vector_load %arg6[%get3A_330] {strides = array<i32>} : memref<4608xf32, #tpu.memory_space<vmem>>, vector<16xf32>,
      %parallel_loop3A = arith.constant 0 : i32
      %parallel_loop3A_332 = arith.constant 16 : i32
      %parallel_loop3A_333 = arith.constant 1 : i32
      scf.for %parallel_loop3A_335 = %parallel_loop3A to %parallel_loop3A_332 step %parallel_loop3A_333  : i32 {
        %parallel_loop3A_336 = vector.broadcast %parallel_loop3A_335 : i32 to vector<16xi32>
        %parallel_loop3A_337 = tpu.vector_load_idx %arg7[%parallel_loop3A_336, %rem3A_266] : memref<16x512xf32, #tpu.memory_space<vmem>>[vector<16xi32>, vector<16xi32>], vector<16xf32>,
        %parallel_loop3A_338 = tpu.vector_load_idx %arg7[%parallel_loop3A_336, %rem3A_272] : memref<16x512xf32, #tpu.memory_space<vmem>>[vector<16xi32>, vector<16xi32>], vector<16xf32>,
        %parallel_loop3A_339 = tpu.vector_load_idx %arg7[%parallel_loop3A_336, %rem3A_278] : memref<16x512xf32, #tpu.memory_space<vmem>>[vector<16xi32>, vector<16xi32>], vector<16xf32>,
        %parallel_loop3A_340 = arith.mulf %parallel_loop3A_337, %parallel_loop3A_338 : vector<16xf32>
        %parallel_loop3A_341 = arith.mulf %get3A_319, %parallel_loop3A_340 : vector<16xf32>
        %parallel_loop3A_342 = arith.mulf %parallel_loop3A_337, %parallel_loop3A_339 : vector<16xf32>
        %parallel_loop3A_343 = arith.mulf %get3A_325, %parallel_loop3A_342 : vector<16xf32>
        %parallel_loop3A_344 = arith.addf %parallel_loop3A_341, %parallel_loop3A_343 : vector<16xf32>
        %parallel_loop3A_345 = arith.mulf %parallel_loop3A_338, %parallel_loop3A_339 : vector<16xf32>
        %parallel_loop3A_346 = arith.mulf %get3A_331, %parallel_loop3A_345 : vector<16xf32>
        %parallel_loop3A_347 = arith.addf %parallel_loop3A_344, %parallel_loop3A_346 : vector<16xf32>
        %parallel_loop3A_348 = arith.mulf %get3A_283, %parallel_loop3A_337 : vector<16xf32>
        %parallel_loop3A_349 = arith.mulf %get3A_289, %parallel_loop3A_338 : vector<16xf32>
        %parallel_loop3A_350 = arith.addf %parallel_loop3A_348, %parallel_loop3A_349 : vector<16xf32>
        %parallel_loop3A_351 = arith.mulf %get3A_295, %parallel_loop3A_339 : vector<16xf32>
        %parallel_loop3A_352 = arith.addf %parallel_loop3A_350, %parallel_loop3A_351 : vector<16xf32>
        %parallel_loop3A_353 = arith.mulf %get3A_301, %parallel_loop3A_337 : vector<16xf32>
        %parallel_loop3A_354 = arith.mulf %get3A_307, %parallel_loop3A_338 : vector<16xf32>
        %parallel_loop3A_355 = arith.addf %parallel_loop3A_353, %parallel_loop3A_354 : vector<16xf32>
        %parallel_loop3A_356 = arith.mulf %get3A_313, %parallel_loop3A_339 : vector<16xf32>
        %parallel_loop3A_357 = arith.addf %parallel_loop3A_355, %parallel_loop3A_356 : vector<16xf32>
        %parallel_loop3A_358 = arith.addf %parallel_loop3A_357, %parallel_loop3A_347 : vector<16xf32>
        %parallel_loop3A_359 = arith.addf %parallel_loop3A_337, %parallel_loop3A_338 : vector<16xf32>
        %parallel_loop3A_360 = arith.addf %parallel_loop3A_359, %parallel_loop3A_339 : vector<16xf32>
        %parallel_loop3A_361 = arith.subf %parallel_loop3A_360, %parallel_loop3A_352 : vector<16xf32>
        %parallel_loop3A_362 = arith.subf %parallel_loop3A_361, %parallel_loop3A_358 : vector<16xf32>
        tpu.vector_store_idx %arg9[%parallel_loop3A_336, %mul3A_261], %parallel_loop3A_352 : memref<16x1536xf32, #tpu.memory_space<vmem>>[vector<16xi32>, vector<16xi32>], vector<16xf32>,
        %parallel_loop3A_363 = arith.constant 1 : i32
        %parallel_loop3A_364 = vector.broadcast %parallel_loop3A_363 : i32 to vector<16xi32>
        %parallel_loop3A_365 = arith.addi %mul3A_261, %parallel_loop3A_364 : vector<16xi32>
        tpu.vector_store_idx %arg9[%parallel_loop3A_336, %parallel_loop3A_365], %parallel_loop3A_358 : memref<16x1536xf32, #tpu.memory_space<vmem>>[vector<16xi32>, vector<16xi32>], vector<16xf32>,
        %parallel_loop3A_366 = arith.constant 2 : i32
        %parallel_loop3A_367 = vector.broadcast %parallel_loop3A_366 : i32 to vector<16xi32>
        %parallel_loop3A_368 = arith.addi %mul3A_261, %parallel_loop3A_367 : vector<16xi32>
        tpu.vector_store_idx %arg9[%parallel_loop3A_336, %parallel_loop3A_368], %parallel_loop3A_362 : memref<16x1536xf32, #tpu.memory_space<vmem>>[vector<16xi32>, vector<16xi32>], vector<16xf32>,
      } {sc.loop_unroll_factor = 2 : i64, sc.parallel_access}
      %scan3A_334 = arith.constant 0 : i32
      scf.yield %scan3A_334 : i32
    }
    %scan3A_89 = arith.constant 32 : i32
    %mul3A_90 = arith.constant 128 : i32
    %mul3A_91 = arith.muli %add3A, %mul3A_90 : i32
    %add3A_92 = arith.constant 32 : i32
    %add3A_93 = arith.addi %mul3A_91, %add3A_92 : i32
    %dma_start3A_94 = arith.constant 0 : i32
    %dma_start3A_95 = tpu.memref_slice %arg4[%add3A_93, %dma_start3A_94] : memref<4096x1536xf32, #tpu.memory_space<hbm>> -> memref<16x1536xf32, #tpu.memory_space<hbm>>
    %dma_start3A_96 = arith.constant 0 : i32
    %dma_start3A_97 = tpu.memref_slice %arg4[%add3A_93, %dma_start3A_96] : memref<4096x1536xf32, #tpu.memory_space<hbm>> -> memref<16x1536xf32, #tpu.memory_space<hbm>>
    tpu.enqueue_dma source(%arg9 : memref<16x1536xf32, #tpu.memory_space<vmem>>) target(%dma_start3A_97 : memref<16x1536xf32, #tpu.memory_space<hbm>>) target_semaphore(%arg13 : memref<!tpu.dma_semaphore, #tpu.memory_space<semaphore_mem>>)
    %mul3A_98 = arith.constant 128 : i32
    %mul3A_99 = arith.muli %add3A, %mul3A_98 : i32
    %add3A_100 = arith.constant 64 : i32
    %add3A_101 = arith.addi %mul3A_99, %add3A_100 : i32
    %dma_start3A_102 = arith.constant 0 : i32
    %dma_start3A_103 = tpu.memref_slice %arg2[%add3A_101, %dma_start3A_102] : memref<4096x512xf32, #tpu.memory_space<hbm>> -> memref<16x512xf32, #tpu.memory_space<hbm>>
    %dma_start3A_104 = arith.constant 0 : i32
    %dma_start3A_105 = tpu.memref_slice %arg2[%add3A_101, %dma_start3A_104] : memref<4096x512xf32, #tpu.memory_space<hbm>> -> memref<16x512xf32, #tpu.memory_space<hbm>>
    tpu.enqueue_dma source(%dma_start3A_105 : memref<16x512xf32, #tpu.memory_space<hbm>>) target(%arg7 : memref<16x512xf32, #tpu.memory_space<vmem>>) target_semaphore(%arg11 : memref<!tpu.dma_semaphore, #tpu.memory_space<semaphore_mem>>)
    %dma_wait3A_106 = arith.constant 0 : i32
    %dma_wait3A_107 = tpu.memref_slice %arg2[%add3A_70, %dma_wait3A_106] : memref<4096x512xf32, #tpu.memory_space<hbm>> -> memref<16x512xf32, #tpu.memory_space<hbm>>
    %dma_wait3A_108 = arith.constant 0 : i32
    %dma_wait3A_109 = tpu.memref_slice %arg2[%add3A_70, %dma_wait3A_108] : memref<4096x512xf32, #tpu.memory_space<hbm>> -> memref<16x512xf32, #tpu.memory_space<hbm>>
    tpu.wait_dma2 semaphore(%arg12 : memref<!tpu.dma_semaphore, #tpu.memory_space<semaphore_mem>>) src(%dma_wait3A_109 : memref<16x512xf32, #tpu.memory_space<hbm>>) dst(%arg8 : memref<16x512xf32, #tpu.memory_space<vmem>>)
    %dma_wait3A_110 = arith.constant 0 : i32
    %dma_wait3A_111 = tpu.memref_slice %arg4[%add3A_62, %dma_wait3A_110] : memref<4096x1536xf32, #tpu.memory_space<hbm>> -> memref<16x1536xf32, #tpu.memory_space<hbm>>
    %dma_wait3A_112 = arith.constant 0 : i32
    %dma_wait3A_113 = tpu.memref_slice %arg4[%add3A_62, %dma_wait3A_112] : memref<4096x1536xf32, #tpu.memory_space<hbm>> -> memref<16x1536xf32, #tpu.memory_space<hbm>>
    tpu.wait_dma2 semaphore(%arg14 : memref<!tpu.dma_semaphore, #tpu.memory_space<semaphore_mem>>) src(%arg10 : memref<16x1536xf32, #tpu.memory_space<vmem>>) dst(%dma_wait3A_113 : memref<16x1536xf32, #tpu.memory_space<hbm>>)
    %scan3A_114 = arith.constant 0 : i32
    %scan3A_115 = arith.constant 0 : i32
    %scan3A_116 = arith.constant 32 : i32
    %scan3A_117 = arith.addi %scan3A_115, %scan3A_116 : i32
    %scan3A_118 = arith.constant 1 : i32
    %scan3A_119 = scf.for %scan3A_253 = %scan3A_115 to %scan3A_117 step %scan3A_118 iter_args(%scan3A_254 = %scan3A_114) -> (i32)  : i32 {
      %mul3A_255 = arith.constant 16 : i32
      %mul3A_256 = arith.muli %scan3A_253, %mul3A_255 : i32
      %add3A_257 = vector.broadcast %mul3A_256 : i32 to vector<16xi32>
      %add3A_258 = arith.addi %add3A_257, %iota3A : vector<16xi32>
      %mul3A_259 = arith.constant 3 : i32
      %mul3A_260 = vector.broadcast %mul3A_259 : i32 to vector<16xi32>
      %mul3A_261 = arith.muli %add3A_258, %mul3A_260 : vector<16xi32>
      %add3A_262 = arith.constant 1 : i32
      %add3A_263 = vector.broadcast %add3A_262 : i32 to vector<16xi32>
      %add3A_264 = arith.addi %mul3A_261, %add3A_263 : vector<16xi32>
      %rem3A = arith.constant 512 : i32
      %rem3A_265 = vector.broadcast %rem3A : i32 to vector<16xi32>
      %rem3A_266 = arith.remsi %add3A_264, %rem3A_265 : vector<16xi32>
      %add3A_267 = arith.constant 2 : i32
      %add3A_268 = vector.broadcast %add3A_267 : i32 to vector<16xi32>
      %add3A_269 = arith.addi %mul3A_261, %add3A_268 : vector<16xi32>
      %rem3A_270 = arith.constant 512 : i32
      %rem3A_271 = vector.broadcast %rem3A_270 : i32 to vector<16xi32>
      %rem3A_272 = arith.remsi %add3A_269, %rem3A_271 : vector<16xi32>
      %add3A_273 = arith.constant 3 : i32
      %add3A_274 = vector.broadcast %add3A_273 : i32 to vector<16xi32>
      %add3A_275 = arith.addi %mul3A_261, %add3A_274 : vector<16xi32>
      %rem3A_276 = arith.constant 512 : i32
      %rem3A_277 = vector.broadcast %rem3A_276 : i32 to vector<16xi32>
      %rem3A_278 = arith.remsi %add3A_275, %rem3A_277 : vector<16xi32>
      %mul3A_279 = arith.constant 16 : i32
      %mul3A_280 = arith.muli %scan3A_253, %mul3A_279 : i32
      %add3A_281 = arith.constant 0 : i32
      %add3A_282 = arith.addi %add3A_281, %mul3A_280 : i32
      %get3A = arith.index_cast %add3A_282 : i32 to index
      %get3A_283 = tpu.vector_load %arg6[%get3A] {strides = array<i32>} : memref<4608xf32, #tpu.memory_space<vmem>>, vector<16xf32>,
      %mul3A_284 = arith.constant 16 : i32
      %mul3A_285 = arith.muli %scan3A_253, %mul3A_284 : i32
      %add3A_286 = arith.constant 512 : i32
      %add3A_287 = arith.addi %add3A_286, %mul3A_285 : i32
      %get3A_288 = arith.index_cast %add3A_287 : i32 to index
      %get3A_289 = tpu.vector_load %arg6[%get3A_288] {strides = array<i32>} : memref<4608xf32, #tpu.memory_space<vmem>>, vector<16xf32>,
      %mul3A_290 = arith.constant 16 : i32
      %mul3A_291 = arith.muli %scan3A_253, %mul3A_290 : i32
      %add3A_292 = arith.constant 1024 : i32
      %add3A_293 = arith.addi %add3A_292, %mul3A_291 : i32
      %get3A_294 = arith.index_cast %add3A_293 : i32 to index
      %get3A_295 = tpu.vector_load %arg6[%get3A_294] {strides = array<i32>} : memref<4608xf32, #tpu.memory_space<vmem>>, vector<16xf32>,
      %mul3A_296 = arith.constant 16 : i32
      %mul3A_297 = arith.muli %scan3A_253, %mul3A_296 : i32
      %add3A_298 = arith.constant 1536 : i32
      %add3A_299 = arith.addi %add3A_298, %mul3A_297 : i32
      %get3A_300 = arith.index_cast %add3A_299 : i32 to index
      %get3A_301 = tpu.vector_load %arg6[%get3A_300] {strides = array<i32>} : memref<4608xf32, #tpu.memory_space<vmem>>, vector<16xf32>,
      %mul3A_302 = arith.constant 16 : i32
      %mul3A_303 = arith.muli %scan3A_253, %mul3A_302 : i32
      %add3A_304 = arith.constant 2048 : i32
      %add3A_305 = arith.addi %add3A_304, %mul3A_303 : i32
      %get3A_306 = arith.index_cast %add3A_305 : i32 to index
      %get3A_307 = tpu.vector_load %arg6[%get3A_306] {strides = array<i32>} : memref<4608xf32, #tpu.memory_space<vmem>>, vector<16xf32>,
      %mul3A_308 = arith.constant 16 : i32
      %mul3A_309 = arith.muli %scan3A_253, %mul3A_308 : i32
      %add3A_310 = arith.constant 2560 : i32
      %add3A_311 = arith.addi %add3A_310, %mul3A_309 : i32
      %get3A_312 = arith.index_cast %add3A_311 : i32 to index
      %get3A_313 = tpu.vector_load %arg6[%get3A_312] {strides = array<i32>} : memref<4608xf32, #tpu.memory_space<vmem>>, vector<16xf32>,
      %mul3A_314 = arith.constant 16 : i32
      %mul3A_315 = arith.muli %scan3A_253, %mul3A_314 : i32
      %add3A_316 = arith.constant 3072 : i32
      %add3A_317 = arith.addi %add3A_316, %mul3A_315 : i32
      %get3A_318 = arith.index_cast %add3A_317 : i32 to index
      %get3A_319 = tpu.vector_load %arg6[%get3A_318] {strides = array<i32>} : memref<4608xf32, #tpu.memory_space<vmem>>, vector<16xf32>,
      %mul3A_320 = arith.constant 16 : i32
      %mul3A_321 = arith.muli %scan3A_253, %mul3A_320 : i32
      %add3A_322 = arith.constant 3584 : i32
      %add3A_323 = arith.addi %add3A_322, %mul3A_321 : i32
      %get3A_324 = arith.index_cast %add3A_323 : i32 to index
      %get3A_325 = tpu.vector_load %arg6[%get3A_324] {strides = array<i32>} : memref<4608xf32, #tpu.memory_space<vmem>>, vector<16xf32>,
      %mul3A_326 = arith.constant 16 : i32
      %mul3A_327 = arith.muli %scan3A_253, %mul3A_326 : i32
      %add3A_328 = arith.constant 4096 : i32
      %add3A_329 = arith.addi %add3A_328, %mul3A_327 : i32
      %get3A_330 = arith.index_cast %add3A_329 : i32 to index
      %get3A_331 = tpu.vector_load %arg6[%get3A_330] {strides = array<i32>} : memref<4608xf32, #tpu.memory_space<vmem>>, vector<16xf32>,
      %parallel_loop3A = arith.constant 0 : i32
      %parallel_loop3A_332 = arith.constant 16 : i32
      %parallel_loop3A_333 = arith.constant 1 : i32
      scf.for %parallel_loop3A_335 = %parallel_loop3A to %parallel_loop3A_332 step %parallel_loop3A_333  : i32 {
        %parallel_loop3A_336 = vector.broadcast %parallel_loop3A_335 : i32 to vector<16xi32>
        %parallel_loop3A_337 = tpu.vector_load_idx %arg8[%parallel_loop3A_336, %rem3A_266] : memref<16x512xf32, #tpu.memory_space<vmem>>[vector<16xi32>, vector<16xi32>], vector<16xf32>,
        %parallel_loop3A_338 = tpu.vector_load_idx %arg8[%parallel_loop3A_336, %rem3A_272] : memref<16x512xf32, #tpu.memory_space<vmem>>[vector<16xi32>, vector<16xi32>], vector<16xf32>,
        %parallel_loop3A_339 = tpu.vector_load_idx %arg8[%parallel_loop3A_336, %rem3A_278] : memref<16x512xf32, #tpu.memory_space<vmem>>[vector<16xi32>, vector<16xi32>], vector<16xf32>,
        %parallel_loop3A_340 = arith.mulf %parallel_loop3A_337, %parallel_loop3A_338 : vector<16xf32>
        %parallel_loop3A_341 = arith.mulf %get3A_319, %parallel_loop3A_340 : vector<16xf32>
        %parallel_loop3A_342 = arith.mulf %parallel_loop3A_337, %parallel_loop3A_339 : vector<16xf32>
        %parallel_loop3A_343 = arith.mulf %get3A_325, %parallel_loop3A_342 : vector<16xf32>
        %parallel_loop3A_344 = arith.addf %parallel_loop3A_341, %parallel_loop3A_343 : vector<16xf32>
        %parallel_loop3A_345 = arith.mulf %parallel_loop3A_338, %parallel_loop3A_339 : vector<16xf32>
        %parallel_loop3A_346 = arith.mulf %get3A_331, %parallel_loop3A_345 : vector<16xf32>
        %parallel_loop3A_347 = arith.addf %parallel_loop3A_344, %parallel_loop3A_346 : vector<16xf32>
        %parallel_loop3A_348 = arith.mulf %get3A_283, %parallel_loop3A_337 : vector<16xf32>
        %parallel_loop3A_349 = arith.mulf %get3A_289, %parallel_loop3A_338 : vector<16xf32>
        %parallel_loop3A_350 = arith.addf %parallel_loop3A_348, %parallel_loop3A_349 : vector<16xf32>
        %parallel_loop3A_351 = arith.mulf %get3A_295, %parallel_loop3A_339 : vector<16xf32>
        %parallel_loop3A_352 = arith.addf %parallel_loop3A_350, %parallel_loop3A_351 : vector<16xf32>
        %parallel_loop3A_353 = arith.mulf %get3A_301, %parallel_loop3A_337 : vector<16xf32>
        %parallel_loop3A_354 = arith.mulf %get3A_307, %parallel_loop3A_338 : vector<16xf32>
        %parallel_loop3A_355 = arith.addf %parallel_loop3A_353, %parallel_loop3A_354 : vector<16xf32>
        %parallel_loop3A_356 = arith.mulf %get3A_313, %parallel_loop3A_339 : vector<16xf32>
        %parallel_loop3A_357 = arith.addf %parallel_loop3A_355, %parallel_loop3A_356 : vector<16xf32>
        %parallel_loop3A_358 = arith.addf %parallel_loop3A_357, %parallel_loop3A_347 : vector<16xf32>
        %parallel_loop3A_359 = arith.addf %parallel_loop3A_337, %parallel_loop3A_338 : vector<16xf32>
        %parallel_loop3A_360 = arith.addf %parallel_loop3A_359, %parallel_loop3A_339 : vector<16xf32>
        %parallel_loop3A_361 = arith.subf %parallel_loop3A_360, %parallel_loop3A_352 : vector<16xf32>
        %parallel_loop3A_362 = arith.subf %parallel_loop3A_361, %parallel_loop3A_358 : vector<16xf32>
        tpu.vector_store_idx %arg10[%parallel_loop3A_336, %mul3A_261], %parallel_loop3A_352 : memref<16x1536xf32, #tpu.memory_space<vmem>>[vector<16xi32>, vector<16xi32>], vector<16xf32>,
        %parallel_loop3A_363 = arith.constant 1 : i32
        %parallel_loop3A_364 = vector.broadcast %parallel_loop3A_363 : i32 to vector<16xi32>
        %parallel_loop3A_365 = arith.addi %mul3A_261, %parallel_loop3A_364 : vector<16xi32>
        tpu.vector_store_idx %arg10[%parallel_loop3A_336, %parallel_loop3A_365], %parallel_loop3A_358 : memref<16x1536xf32, #tpu.memory_space<vmem>>[vector<16xi32>, vector<16xi32>], vector<16xf32>,
        %parallel_loop3A_366 = arith.constant 2 : i32
        %parallel_loop3A_367 = vector.broadcast %parallel_loop3A_366 : i32 to vector<16xi32>
        %parallel_loop3A_368 = arith.addi %mul3A_261, %parallel_loop3A_367 : vector<16xi32>
        tpu.vector_store_idx %arg10[%parallel_loop3A_336, %parallel_loop3A_368], %parallel_loop3A_362 : memref<16x1536xf32, #tpu.memory_space<vmem>>[vector<16xi32>, vector<16xi32>], vector<16xf32>,
      } {sc.loop_unroll_factor = 2 : i64, sc.parallel_access}
      %scan3A_334 = arith.constant 0 : i32
      scf.yield %scan3A_334 : i32
    }
    %scan3A_120 = arith.constant 32 : i32
    %mul3A_121 = arith.constant 128 : i32
    %mul3A_122 = arith.muli %add3A, %mul3A_121 : i32
    %add3A_123 = arith.constant 48 : i32
    %add3A_124 = arith.addi %mul3A_122, %add3A_123 : i32
    %dma_start3A_125 = arith.constant 0 : i32
    %dma_start3A_126 = tpu.memref_slice %arg4[%add3A_124, %dma_start3A_125] : memref<4096x1536xf32, #tpu.memory_space<hbm>> -> memref<16x1536xf32, #tpu.memory_space<hbm>>
    %dma_start3A_127 = arith.constant 0 : i32
    %dma_start3A_128 = tpu.memref_slice %arg4[%add3A_124, %dma_start3A_127] : memref<4096x1536xf32, #tpu.memory_space<hbm>> -> memref<16x1536xf32, #tpu.memory_space<hbm>>
    tpu.enqueue_dma source(%arg10 : memref<16x1536xf32, #tpu.memory_space<vmem>>) target(%dma_start3A_128 : memref<16x1536xf32, #tpu.memory_space<hbm>>) target_semaphore(%arg14 : memref<!tpu.dma_semaphore, #tpu.memory_space<semaphore_mem>>)
    %mul3A_129 = arith.constant 128 : i32
    %mul3A_130 = arith.muli %add3A, %mul3A_129 : i32
    %add3A_131 = arith.constant 80 : i32
    %add3A_132 = arith.addi %mul3A_130, %add3A_131 : i32
    %dma_start3A_133 = arith.constant 0 : i32
    %dma_start3A_134 = tpu.memref_slice %arg2[%add3A_132, %dma_start3A_133] : memref<4096x512xf32, #tpu.memory_space<hbm>> -> memref<16x512xf32, #tpu.memory_space<hbm>>
    %dma_start3A_135 = arith.constant 0 : i32
    %dma_start3A_136 = tpu.memref_slice %arg2[%add3A_132, %dma_start3A_135] : memref<4096x512xf32, #tpu.memory_space<hbm>> -> memref<16x512xf32, #tpu.memory_space<hbm>>
    tpu.enqueue_dma source(%dma_start3A_136 : memref<16x512xf32, #tpu.memory_space<hbm>>) target(%arg8 : memref<16x512xf32, #tpu.memory_space<vmem>>) target_semaphore(%arg12 : memref<!tpu.dma_semaphore, #tpu.memory_space<semaphore_mem>>)
    %dma_wait3A_137 = arith.constant 0 : i32
    %dma_wait3A_138 = tpu.memref_slice %arg2[%add3A_101, %dma_wait3A_137] : memref<4096x512xf32, #tpu.memory_space<hbm>> -> memref<16x512xf32, #tpu.memory_space<hbm>>
    %dma_wait3A_139 = arith.constant 0 : i32
    %dma_wait3A_140 = tpu.memref_slice %arg2[%add3A_101, %dma_wait3A_139] : memref<4096x512xf32, #tpu.memory_space<hbm>> -> memref<16x512xf32, #tpu.memory_space<hbm>>
    tpu.wait_dma2 semaphore(%arg11 : memref<!tpu.dma_semaphore, #tpu.memory_space<semaphore_mem>>) src(%dma_wait3A_140 : memref<16x512xf32, #tpu.memory_space<hbm>>) dst(%arg7 : memref<16x512xf32, #tpu.memory_space<vmem>>)
    %dma_wait3A_141 = arith.constant 0 : i32
    %dma_wait3A_142 = tpu.memref_slice %arg4[%add3A_93, %dma_wait3A_141] : memref<4096x1536xf32, #tpu.memory_space<hbm>> -> memref<16x1536xf32, #tpu.memory_space<hbm>>
    %dma_wait3A_143 = arith.constant 0 : i32
    %dma_wait3A_144 = tpu.memref_slice %arg4[%add3A_93, %dma_wait3A_143] : memref<4096x1536xf32, #tpu.memory_space<hbm>> -> memref<16x1536xf32, #tpu.memory_space<hbm>>
    tpu.wait_dma2 semaphore(%arg13 : memref<!tpu.dma_semaphore, #tpu.memory_space<semaphore_mem>>) src(%arg9 : memref<16x1536xf32, #tpu.memory_space<vmem>>) dst(%dma_wait3A_144 : memref<16x1536xf32, #tpu.memory_space<hbm>>)
    %scan3A_145 = arith.constant 0 : i32
    %scan3A_146 = arith.constant 0 : i32
    %scan3A_147 = arith.constant 32 : i32
    %scan3A_148 = arith.addi %scan3A_146, %scan3A_147 : i32
    %scan3A_149 = arith.constant 1 : i32
    %scan3A_150 = scf.for %scan3A_253 = %scan3A_146 to %scan3A_148 step %scan3A_149 iter_args(%scan3A_254 = %scan3A_145) -> (i32)  : i32 {
      %mul3A_255 = arith.constant 16 : i32
      %mul3A_256 = arith.muli %scan3A_253, %mul3A_255 : i32
      %add3A_257 = vector.broadcast %mul3A_256 : i32 to vector<16xi32>
      %add3A_258 = arith.addi %add3A_257, %iota3A : vector<16xi32>
      %mul3A_259 = arith.constant 3 : i32
      %mul3A_260 = vector.broadcast %mul3A_259 : i32 to vector<16xi32>
      %mul3A_261 = arith.muli %add3A_258, %mul3A_260 : vector<16xi32>
      %add3A_262 = arith.constant 1 : i32
      %add3A_263 = vector.broadcast %add3A_262 : i32 to vector<16xi32>
      %add3A_264 = arith.addi %mul3A_261, %add3A_263 : vector<16xi32>
      %rem3A = arith.constant 512 : i32
      %rem3A_265 = vector.broadcast %rem3A : i32 to vector<16xi32>
      %rem3A_266 = arith.remsi %add3A_264, %rem3A_265 : vector<16xi32>
      %add3A_267 = arith.constant 2 : i32
      %add3A_268 = vector.broadcast %add3A_267 : i32 to vector<16xi32>
      %add3A_269 = arith.addi %mul3A_261, %add3A_268 : vector<16xi32>
      %rem3A_270 = arith.constant 512 : i32
      %rem3A_271 = vector.broadcast %rem3A_270 : i32 to vector<16xi32>
      %rem3A_272 = arith.remsi %add3A_269, %rem3A_271 : vector<16xi32>
      %add3A_273 = arith.constant 3 : i32
      %add3A_274 = vector.broadcast %add3A_273 : i32 to vector<16xi32>
      %add3A_275 = arith.addi %mul3A_261, %add3A_274 : vector<16xi32>
      %rem3A_276 = arith.constant 512 : i32
      %rem3A_277 = vector.broadcast %rem3A_276 : i32 to vector<16xi32>
      %rem3A_278 = arith.remsi %add3A_275, %rem3A_277 : vector<16xi32>
      %mul3A_279 = arith.constant 16 : i32
      %mul3A_280 = arith.muli %scan3A_253, %mul3A_279 : i32
      %add3A_281 = arith.constant 0 : i32
      %add3A_282 = arith.addi %add3A_281, %mul3A_280 : i32
      %get3A = arith.index_cast %add3A_282 : i32 to index
      %get3A_283 = tpu.vector_load %arg6[%get3A] {strides = array<i32>} : memref<4608xf32, #tpu.memory_space<vmem>>, vector<16xf32>,
      %mul3A_284 = arith.constant 16 : i32
      %mul3A_285 = arith.muli %scan3A_253, %mul3A_284 : i32
      %add3A_286 = arith.constant 512 : i32
      %add3A_287 = arith.addi %add3A_286, %mul3A_285 : i32
      %get3A_288 = arith.index_cast %add3A_287 : i32 to index
      %get3A_289 = tpu.vector_load %arg6[%get3A_288] {strides = array<i32>} : memref<4608xf32, #tpu.memory_space<vmem>>, vector<16xf32>,
      %mul3A_290 = arith.constant 16 : i32
      %mul3A_291 = arith.muli %scan3A_253, %mul3A_290 : i32
      %add3A_292 = arith.constant 1024 : i32
      %add3A_293 = arith.addi %add3A_292, %mul3A_291 : i32
      %get3A_294 = arith.index_cast %add3A_293 : i32 to index
      %get3A_295 = tpu.vector_load %arg6[%get3A_294] {strides = array<i32>} : memref<4608xf32, #tpu.memory_space<vmem>>, vector<16xf32>,
      %mul3A_296 = arith.constant 16 : i32
      %mul3A_297 = arith.muli %scan3A_253, %mul3A_296 : i32
      %add3A_298 = arith.constant 1536 : i32
      %add3A_299 = arith.addi %add3A_298, %mul3A_297 : i32
      %get3A_300 = arith.index_cast %add3A_299 : i32 to index
      %get3A_301 = tpu.vector_load %arg6[%get3A_300] {strides = array<i32>} : memref<4608xf32, #tpu.memory_space<vmem>>, vector<16xf32>,
      %mul3A_302 = arith.constant 16 : i32
      %mul3A_303 = arith.muli %scan3A_253, %mul3A_302 : i32
      %add3A_304 = arith.constant 2048 : i32
      %add3A_305 = arith.addi %add3A_304, %mul3A_303 : i32
      %get3A_306 = arith.index_cast %add3A_305 : i32 to index
      %get3A_307 = tpu.vector_load %arg6[%get3A_306] {strides = array<i32>} : memref<4608xf32, #tpu.memory_space<vmem>>, vector<16xf32>,
      %mul3A_308 = arith.constant 16 : i32
      %mul3A_309 = arith.muli %scan3A_253, %mul3A_308 : i32
      %add3A_310 = arith.constant 2560 : i32
      %add3A_311 = arith.addi %add3A_310, %mul3A_309 : i32
      %get3A_312 = arith.index_cast %add3A_311 : i32 to index
      %get3A_313 = tpu.vector_load %arg6[%get3A_312] {strides = array<i32>} : memref<4608xf32, #tpu.memory_space<vmem>>, vector<16xf32>,
      %mul3A_314 = arith.constant 16 : i32
      %mul3A_315 = arith.muli %scan3A_253, %mul3A_314 : i32
      %add3A_316 = arith.constant 3072 : i32
      %add3A_317 = arith.addi %add3A_316, %mul3A_315 : i32
      %get3A_318 = arith.index_cast %add3A_317 : i32 to index
      %get3A_319 = tpu.vector_load %arg6[%get3A_318] {strides = array<i32>} : memref<4608xf32, #tpu.memory_space<vmem>>, vector<16xf32>,
      %mul3A_320 = arith.constant 16 : i32
      %mul3A_321 = arith.muli %scan3A_253, %mul3A_320 : i32
      %add3A_322 = arith.constant 3584 : i32
      %add3A_323 = arith.addi %add3A_322, %mul3A_321 : i32
      %get3A_324 = arith.index_cast %add3A_323 : i32 to index
      %get3A_325 = tpu.vector_load %arg6[%get3A_324] {strides = array<i32>} : memref<4608xf32, #tpu.memory_space<vmem>>, vector<16xf32>,
      %mul3A_326 = arith.constant 16 : i32
      %mul3A_327 = arith.muli %scan3A_253, %mul3A_326 : i32
      %add3A_328 = arith.constant 4096 : i32
      %add3A_329 = arith.addi %add3A_328, %mul3A_327 : i32
      %get3A_330 = arith.index_cast %add3A_329 : i32 to index
      %get3A_331 = tpu.vector_load %arg6[%get3A_330] {strides = array<i32>} : memref<4608xf32, #tpu.memory_space<vmem>>, vector<16xf32>,
      %parallel_loop3A = arith.constant 0 : i32
      %parallel_loop3A_332 = arith.constant 16 : i32
      %parallel_loop3A_333 = arith.constant 1 : i32
      scf.for %parallel_loop3A_335 = %parallel_loop3A to %parallel_loop3A_332 step %parallel_loop3A_333  : i32 {
        %parallel_loop3A_336 = vector.broadcast %parallel_loop3A_335 : i32 to vector<16xi32>
        %parallel_loop3A_337 = tpu.vector_load_idx %arg7[%parallel_loop3A_336, %rem3A_266] : memref<16x512xf32, #tpu.memory_space<vmem>>[vector<16xi32>, vector<16xi32>], vector<16xf32>,
        %parallel_loop3A_338 = tpu.vector_load_idx %arg7[%parallel_loop3A_336, %rem3A_272] : memref<16x512xf32, #tpu.memory_space<vmem>>[vector<16xi32>, vector<16xi32>], vector<16xf32>,
        %parallel_loop3A_339 = tpu.vector_load_idx %arg7[%parallel_loop3A_336, %rem3A_278] : memref<16x512xf32, #tpu.memory_space<vmem>>[vector<16xi32>, vector<16xi32>], vector<16xf32>,
        %parallel_loop3A_340 = arith.mulf %parallel_loop3A_337, %parallel_loop3A_338 : vector<16xf32>
        %parallel_loop3A_341 = arith.mulf %get3A_319, %parallel_loop3A_340 : vector<16xf32>
        %parallel_loop3A_342 = arith.mulf %parallel_loop3A_337, %parallel_loop3A_339 : vector<16xf32>
        %parallel_loop3A_343 = arith.mulf %get3A_325, %parallel_loop3A_342 : vector<16xf32>
        %parallel_loop3A_344 = arith.addf %parallel_loop3A_341, %parallel_loop3A_343 : vector<16xf32>
        %parallel_loop3A_345 = arith.mulf %parallel_loop3A_338, %parallel_loop3A_339 : vector<16xf32>
        %parallel_loop3A_346 = arith.mulf %get3A_331, %parallel_loop3A_345 : vector<16xf32>
        %parallel_loop3A_347 = arith.addf %parallel_loop3A_344, %parallel_loop3A_346 : vector<16xf32>
        %parallel_loop3A_348 = arith.mulf %get3A_283, %parallel_loop3A_337 : vector<16xf32>
        %parallel_loop3A_349 = arith.mulf %get3A_289, %parallel_loop3A_338 : vector<16xf32>
        %parallel_loop3A_350 = arith.addf %parallel_loop3A_348, %parallel_loop3A_349 : vector<16xf32>
        %parallel_loop3A_351 = arith.mulf %get3A_295, %parallel_loop3A_339 : vector<16xf32>
        %parallel_loop3A_352 = arith.addf %parallel_loop3A_350, %parallel_loop3A_351 : vector<16xf32>
        %parallel_loop3A_353 = arith.mulf %get3A_301, %parallel_loop3A_337 : vector<16xf32>
        %parallel_loop3A_354 = arith.mulf %get3A_307, %parallel_loop3A_338 : vector<16xf32>
        %parallel_loop3A_355 = arith.addf %parallel_loop3A_353, %parallel_loop3A_354 : vector<16xf32>
        %parallel_loop3A_356 = arith.mulf %get3A_313, %parallel_loop3A_339 : vector<16xf32>
        %parallel_loop3A_357 = arith.addf %parallel_loop3A_355, %parallel_loop3A_356 : vector<16xf32>
        %parallel_loop3A_358 = arith.addf %parallel_loop3A_357, %parallel_loop3A_347 : vector<16xf32>
        %parallel_loop3A_359 = arith.addf %parallel_loop3A_337, %parallel_loop3A_338 : vector<16xf32>
        %parallel_loop3A_360 = arith.addf %parallel_loop3A_359, %parallel_loop3A_339 : vector<16xf32>
        %parallel_loop3A_361 = arith.subf %parallel_loop3A_360, %parallel_loop3A_352 : vector<16xf32>
        %parallel_loop3A_362 = arith.subf %parallel_loop3A_361, %parallel_loop3A_358 : vector<16xf32>
        tpu.vector_store_idx %arg9[%parallel_loop3A_336, %mul3A_261], %parallel_loop3A_352 : memref<16x1536xf32, #tpu.memory_space<vmem>>[vector<16xi32>, vector<16xi32>], vector<16xf32>,
        %parallel_loop3A_363 = arith.constant 1 : i32
        %parallel_loop3A_364 = vector.broadcast %parallel_loop3A_363 : i32 to vector<16xi32>
        %parallel_loop3A_365 = arith.addi %mul3A_261, %parallel_loop3A_364 : vector<16xi32>
        tpu.vector_store_idx %arg9[%parallel_loop3A_336, %parallel_loop3A_365], %parallel_loop3A_358 : memref<16x1536xf32, #tpu.memory_space<vmem>>[vector<16xi32>, vector<16xi32>], vector<16xf32>,
        %parallel_loop3A_366 = arith.constant 2 : i32
        %parallel_loop3A_367 = vector.broadcast %parallel_loop3A_366 : i32 to vector<16xi32>
        %parallel_loop3A_368 = arith.addi %mul3A_261, %parallel_loop3A_367 : vector<16xi32>
        tpu.vector_store_idx %arg9[%parallel_loop3A_336, %parallel_loop3A_368], %parallel_loop3A_362 : memref<16x1536xf32, #tpu.memory_space<vmem>>[vector<16xi32>, vector<16xi32>], vector<16xf32>,
      } {sc.loop_unroll_factor = 2 : i64, sc.parallel_access}
      %scan3A_334 = arith.constant 0 : i32
      scf.yield %scan3A_334 : i32
    }
    %scan3A_151 = arith.constant 32 : i32
    %mul3A_152 = arith.constant 128 : i32
    %mul3A_153 = arith.muli %add3A, %mul3A_152 : i32
    %add3A_154 = arith.constant 64 : i32
    %add3A_155 = arith.addi %mul3A_153, %add3A_154 : i32
    %dma_start3A_156 = arith.constant 0 : i32
    %dma_start3A_157 = tpu.memref_slice %arg4[%add3A_155, %dma_start3A_156] : memref<4096x1536xf32, #tpu.memory_space<hbm>> -> memref<16x1536xf32, #tpu.memory_space<hbm>>
    %dma_start3A_158 = arith.constant 0 : i32
    %dma_start3A_159 = tpu.memref_slice %arg4[%add3A_155, %dma_start3A_158] : memref<4096x1536xf32, #tpu.memory_space<hbm>> -> memref<16x1536xf32, #tpu.memory_space<hbm>>
    tpu.enqueue_dma source(%arg9 : memref<16x1536xf32, #tpu.memory_space<vmem>>) target(%dma_start3A_159 : memref<16x1536xf32, #tpu.memory_space<hbm>>) target_semaphore(%arg13 : memref<!tpu.dma_semaphore, #tpu.memory_space<semaphore_mem>>)
    %mul3A_160 = arith.constant 128 : i32
    %mul3A_161 = arith.muli %add3A, %mul3A_160 : i32
    %add3A_162 = arith.constant 96 : i32
    %add3A_163 = arith.addi %mul3A_161, %add3A_162 : i32
    %dma_start3A_164 = arith.constant 0 : i32
    %dma_start3A_165 = tpu.memref_slice %arg2[%add3A_163, %dma_start3A_164] : memref<4096x512xf32, #tpu.memory_space<hbm>> -> memref<16x512xf32, #tpu.memory_space<hbm>>
    %dma_start3A_166 = arith.constant 0 : i32
    %dma_start3A_167 = tpu.memref_slice %arg2[%add3A_163, %dma_start3A_166] : memref<4096x512xf32, #tpu.memory_space<hbm>> -> memref<16x512xf32, #tpu.memory_space<hbm>>
    tpu.enqueue_dma source(%dma_start3A_167 : memref<16x512xf32, #tpu.memory_space<hbm>>) target(%arg7 : memref<16x512xf32, #tpu.memory_space<vmem>>) target_semaphore(%arg11 : memref<!tpu.dma_semaphore, #tpu.memory_space<semaphore_mem>>)
    %dma_wait3A_168 = arith.constant 0 : i32
    %dma_wait3A_169 = tpu.memref_slice %arg2[%add3A_132, %dma_wait3A_168] : memref<4096x512xf32, #tpu.memory_space<hbm>> -> memref<16x512xf32, #tpu.memory_space<hbm>>
    %dma_wait3A_170 = arith.constant 0 : i32
    %dma_wait3A_171 = tpu.memref_slice %arg2[%add3A_132, %dma_wait3A_170] : memref<4096x512xf32, #tpu.memory_space<hbm>> -> memref<16x512xf32, #tpu.memory_space<hbm>>
    tpu.wait_dma2 semaphore(%arg12 : memref<!tpu.dma_semaphore, #tpu.memory_space<semaphore_mem>>) src(%dma_wait3A_171 : memref<16x512xf32, #tpu.memory_space<hbm>>) dst(%arg8 : memref<16x512xf32, #tpu.memory_space<vmem>>)
    %dma_wait3A_172 = arith.constant 0 : i32
    %dma_wait3A_173 = tpu.memref_slice %arg4[%add3A_124, %dma_wait3A_172] : memref<4096x1536xf32, #tpu.memory_space<hbm>> -> memref<16x1536xf32, #tpu.memory_space<hbm>>
    %dma_wait3A_174 = arith.constant 0 : i32
    %dma_wait3A_175 = tpu.memref_slice %arg4[%add3A_124, %dma_wait3A_174] : memref<4096x1536xf32, #tpu.memory_space<hbm>> -> memref<16x1536xf32, #tpu.memory_space<hbm>>
    tpu.wait_dma2 semaphore(%arg14 : memref<!tpu.dma_semaphore, #tpu.memory_space<semaphore_mem>>) src(%arg10 : memref<16x1536xf32, #tpu.memory_space<vmem>>) dst(%dma_wait3A_175 : memref<16x1536xf32, #tpu.memory_space<hbm>>)
    %scan3A_176 = arith.constant 0 : i32
    %scan3A_177 = arith.constant 0 : i32
    %scan3A_178 = arith.constant 32 : i32
    %scan3A_179 = arith.addi %scan3A_177, %scan3A_178 : i32
    %scan3A_180 = arith.constant 1 : i32
    %scan3A_181 = scf.for %scan3A_253 = %scan3A_177 to %scan3A_179 step %scan3A_180 iter_args(%scan3A_254 = %scan3A_176) -> (i32)  : i32 {
      %mul3A_255 = arith.constant 16 : i32
      %mul3A_256 = arith.muli %scan3A_253, %mul3A_255 : i32
      %add3A_257 = vector.broadcast %mul3A_256 : i32 to vector<16xi32>
      %add3A_258 = arith.addi %add3A_257, %iota3A : vector<16xi32>
      %mul3A_259 = arith.constant 3 : i32
      %mul3A_260 = vector.broadcast %mul3A_259 : i32 to vector<16xi32>
      %mul3A_261 = arith.muli %add3A_258, %mul3A_260 : vector<16xi32>
      %add3A_262 = arith.constant 1 : i32
      %add3A_263 = vector.broadcast %add3A_262 : i32 to vector<16xi32>
      %add3A_264 = arith.addi %mul3A_261, %add3A_263 : vector<16xi32>
      %rem3A = arith.constant 512 : i32
      %rem3A_265 = vector.broadcast %rem3A : i32 to vector<16xi32>
      %rem3A_266 = arith.remsi %add3A_264, %rem3A_265 : vector<16xi32>
      %add3A_267 = arith.constant 2 : i32
      %add3A_268 = vector.broadcast %add3A_267 : i32 to vector<16xi32>
      %add3A_269 = arith.addi %mul3A_261, %add3A_268 : vector<16xi32>
      %rem3A_270 = arith.constant 512 : i32
      %rem3A_271 = vector.broadcast %rem3A_270 : i32 to vector<16xi32>
      %rem3A_272 = arith.remsi %add3A_269, %rem3A_271 : vector<16xi32>
      %add3A_273 = arith.constant 3 : i32
      %add3A_274 = vector.broadcast %add3A_273 : i32 to vector<16xi32>
      %add3A_275 = arith.addi %mul3A_261, %add3A_274 : vector<16xi32>
      %rem3A_276 = arith.constant 512 : i32
      %rem3A_277 = vector.broadcast %rem3A_276 : i32 to vector<16xi32>
      %rem3A_278 = arith.remsi %add3A_275, %rem3A_277 : vector<16xi32>
      %mul3A_279 = arith.constant 16 : i32
      %mul3A_280 = arith.muli %scan3A_253, %mul3A_279 : i32
      %add3A_281 = arith.constant 0 : i32
      %add3A_282 = arith.addi %add3A_281, %mul3A_280 : i32
      %get3A = arith.index_cast %add3A_282 : i32 to index
      %get3A_283 = tpu.vector_load %arg6[%get3A] {strides = array<i32>} : memref<4608xf32, #tpu.memory_space<vmem>>, vector<16xf32>,
      %mul3A_284 = arith.constant 16 : i32
      %mul3A_285 = arith.muli %scan3A_253, %mul3A_284 : i32
      %add3A_286 = arith.constant 512 : i32
      %add3A_287 = arith.addi %add3A_286, %mul3A_285 : i32
      %get3A_288 = arith.index_cast %add3A_287 : i32 to index
      %get3A_289 = tpu.vector_load %arg6[%get3A_288] {strides = array<i32>} : memref<4608xf32, #tpu.memory_space<vmem>>, vector<16xf32>,
      %mul3A_290 = arith.constant 16 : i32
      %mul3A_291 = arith.muli %scan3A_253, %mul3A_290 : i32
      %add3A_292 = arith.constant 1024 : i32
      %add3A_293 = arith.addi %add3A_292, %mul3A_291 : i32
      %get3A_294 = arith.index_cast %add3A_293 : i32 to index
      %get3A_295 = tpu.vector_load %arg6[%get3A_294] {strides = array<i32>} : memref<4608xf32, #tpu.memory_space<vmem>>, vector<16xf32>,
      %mul3A_296 = arith.constant 16 : i32
      %mul3A_297 = arith.muli %scan3A_253, %mul3A_296 : i32
      %add3A_298 = arith.constant 1536 : i32
      %add3A_299 = arith.addi %add3A_298, %mul3A_297 : i32
      %get3A_300 = arith.index_cast %add3A_299 : i32 to index
      %get3A_301 = tpu.vector_load %arg6[%get3A_300] {strides = array<i32>} : memref<4608xf32, #tpu.memory_space<vmem>>, vector<16xf32>,
      %mul3A_302 = arith.constant 16 : i32
      %mul3A_303 = arith.muli %scan3A_253, %mul3A_302 : i32
      %add3A_304 = arith.constant 2048 : i32
      %add3A_305 = arith.addi %add3A_304, %mul3A_303 : i32
      %get3A_306 = arith.index_cast %add3A_305 : i32 to index
      %get3A_307 = tpu.vector_load %arg6[%get3A_306] {strides = array<i32>} : memref<4608xf32, #tpu.memory_space<vmem>>, vector<16xf32>,
      %mul3A_308 = arith.constant 16 : i32
      %mul3A_309 = arith.muli %scan3A_253, %mul3A_308 : i32
      %add3A_310 = arith.constant 2560 : i32
      %add3A_311 = arith.addi %add3A_310, %mul3A_309 : i32
      %get3A_312 = arith.index_cast %add3A_311 : i32 to index
      %get3A_313 = tpu.vector_load %arg6[%get3A_312] {strides = array<i32>} : memref<4608xf32, #tpu.memory_space<vmem>>, vector<16xf32>,
      %mul3A_314 = arith.constant 16 : i32
      %mul3A_315 = arith.muli %scan3A_253, %mul3A_314 : i32
      %add3A_316 = arith.constant 3072 : i32
      %add3A_317 = arith.addi %add3A_316, %mul3A_315 : i32
      %get3A_318 = arith.index_cast %add3A_317 : i32 to index
      %get3A_319 = tpu.vector_load %arg6[%get3A_318] {strides = array<i32>} : memref<4608xf32, #tpu.memory_space<vmem>>, vector<16xf32>,
      %mul3A_320 = arith.constant 16 : i32
      %mul3A_321 = arith.muli %scan3A_253, %mul3A_320 : i32
      %add3A_322 = arith.constant 3584 : i32
      %add3A_323 = arith.addi %add3A_322, %mul3A_321 : i32
      %get3A_324 = arith.index_cast %add3A_323 : i32 to index
      %get3A_325 = tpu.vector_load %arg6[%get3A_324] {strides = array<i32>} : memref<4608xf32, #tpu.memory_space<vmem>>, vector<16xf32>,
      %mul3A_326 = arith.constant 16 : i32
      %mul3A_327 = arith.muli %scan3A_253, %mul3A_326 : i32
      %add3A_328 = arith.constant 4096 : i32
      %add3A_329 = arith.addi %add3A_328, %mul3A_327 : i32
      %get3A_330 = arith.index_cast %add3A_329 : i32 to index
      %get3A_331 = tpu.vector_load %arg6[%get3A_330] {strides = array<i32>} : memref<4608xf32, #tpu.memory_space<vmem>>, vector<16xf32>,
      %parallel_loop3A = arith.constant 0 : i32
      %parallel_loop3A_332 = arith.constant 16 : i32
      %parallel_loop3A_333 = arith.constant 1 : i32
      scf.for %parallel_loop3A_335 = %parallel_loop3A to %parallel_loop3A_332 step %parallel_loop3A_333  : i32 {
        %parallel_loop3A_336 = vector.broadcast %parallel_loop3A_335 : i32 to vector<16xi32>
        %parallel_loop3A_337 = tpu.vector_load_idx %arg8[%parallel_loop3A_336, %rem3A_266] : memref<16x512xf32, #tpu.memory_space<vmem>>[vector<16xi32>, vector<16xi32>], vector<16xf32>,
        %parallel_loop3A_338 = tpu.vector_load_idx %arg8[%parallel_loop3A_336, %rem3A_272] : memref<16x512xf32, #tpu.memory_space<vmem>>[vector<16xi32>, vector<16xi32>], vector<16xf32>,
        %parallel_loop3A_339 = tpu.vector_load_idx %arg8[%parallel_loop3A_336, %rem3A_278] : memref<16x512xf32, #tpu.memory_space<vmem>>[vector<16xi32>, vector<16xi32>], vector<16xf32>,
        %parallel_loop3A_340 = arith.mulf %parallel_loop3A_337, %parallel_loop3A_338 : vector<16xf32>
        %parallel_loop3A_341 = arith.mulf %get3A_319, %parallel_loop3A_340 : vector<16xf32>
        %parallel_loop3A_342 = arith.mulf %parallel_loop3A_337, %parallel_loop3A_339 : vector<16xf32>
        %parallel_loop3A_343 = arith.mulf %get3A_325, %parallel_loop3A_342 : vector<16xf32>
        %parallel_loop3A_344 = arith.addf %parallel_loop3A_341, %parallel_loop3A_343 : vector<16xf32>
        %parallel_loop3A_345 = arith.mulf %parallel_loop3A_338, %parallel_loop3A_339 : vector<16xf32>
        %parallel_loop3A_346 = arith.mulf %get3A_331, %parallel_loop3A_345 : vector<16xf32>
        %parallel_loop3A_347 = arith.addf %parallel_loop3A_344, %parallel_loop3A_346 : vector<16xf32>
        %parallel_loop3A_348 = arith.mulf %get3A_283, %parallel_loop3A_337 : vector<16xf32>
        %parallel_loop3A_349 = arith.mulf %get3A_289, %parallel_loop3A_338 : vector<16xf32>
        %parallel_loop3A_350 = arith.addf %parallel_loop3A_348, %parallel_loop3A_349 : vector<16xf32>
        %parallel_loop3A_351 = arith.mulf %get3A_295, %parallel_loop3A_339 : vector<16xf32>
        %parallel_loop3A_352 = arith.addf %parallel_loop3A_350, %parallel_loop3A_351 : vector<16xf32>
        %parallel_loop3A_353 = arith.mulf %get3A_301, %parallel_loop3A_337 : vector<16xf32>
        %parallel_loop3A_354 = arith.mulf %get3A_307, %parallel_loop3A_338 : vector<16xf32>
        %parallel_loop3A_355 = arith.addf %parallel_loop3A_353, %parallel_loop3A_354 : vector<16xf32>
        %parallel_loop3A_356 = arith.mulf %get3A_313, %parallel_loop3A_339 : vector<16xf32>
        %parallel_loop3A_357 = arith.addf %parallel_loop3A_355, %parallel_loop3A_356 : vector<16xf32>
        %parallel_loop3A_358 = arith.addf %parallel_loop3A_357, %parallel_loop3A_347 : vector<16xf32>
        %parallel_loop3A_359 = arith.addf %parallel_loop3A_337, %parallel_loop3A_338 : vector<16xf32>
        %parallel_loop3A_360 = arith.addf %parallel_loop3A_359, %parallel_loop3A_339 : vector<16xf32>
        %parallel_loop3A_361 = arith.subf %parallel_loop3A_360, %parallel_loop3A_352 : vector<16xf32>
        %parallel_loop3A_362 = arith.subf %parallel_loop3A_361, %parallel_loop3A_358 : vector<16xf32>
        tpu.vector_store_idx %arg10[%parallel_loop3A_336, %mul3A_261], %parallel_loop3A_352 : memref<16x1536xf32, #tpu.memory_space<vmem>>[vector<16xi32>, vector<16xi32>], vector<16xf32>,
        %parallel_loop3A_363 = arith.constant 1 : i32
        %parallel_loop3A_364 = vector.broadcast %parallel_loop3A_363 : i32 to vector<16xi32>
        %parallel_loop3A_365 = arith.addi %mul3A_261, %parallel_loop3A_364 : vector<16xi32>
        tpu.vector_store_idx %arg10[%parallel_loop3A_336, %parallel_loop3A_365], %parallel_loop3A_358 : memref<16x1536xf32, #tpu.memory_space<vmem>>[vector<16xi32>, vector<16xi32>], vector<16xf32>,
        %parallel_loop3A_366 = arith.constant 2 : i32
        %parallel_loop3A_367 = vector.broadcast %parallel_loop3A_366 : i32 to vector<16xi32>
        %parallel_loop3A_368 = arith.addi %mul3A_261, %parallel_loop3A_367 : vector<16xi32>
        tpu.vector_store_idx %arg10[%parallel_loop3A_336, %parallel_loop3A_368], %parallel_loop3A_362 : memref<16x1536xf32, #tpu.memory_space<vmem>>[vector<16xi32>, vector<16xi32>], vector<16xf32>,
      } {sc.loop_unroll_factor = 2 : i64, sc.parallel_access}
      %scan3A_334 = arith.constant 0 : i32
      scf.yield %scan3A_334 : i32
    }
    %scan3A_182 = arith.constant 32 : i32
    %mul3A_183 = arith.constant 128 : i32
    %mul3A_184 = arith.muli %add3A, %mul3A_183 : i32
    %add3A_185 = arith.constant 80 : i32
    %add3A_186 = arith.addi %mul3A_184, %add3A_185 : i32
    %dma_start3A_187 = arith.constant 0 : i32
    %dma_start3A_188 = tpu.memref_slice %arg4[%add3A_186, %dma_start3A_187] : memref<4096x1536xf32, #tpu.memory_space<hbm>> -> memref<16x1536xf32, #tpu.memory_space<hbm>>
    %dma_start3A_189 = arith.constant 0 : i32
    %dma_start3A_190 = tpu.memref_slice %arg4[%add3A_186, %dma_start3A_189] : memref<4096x1536xf32, #tpu.memory_space<hbm>> -> memref<16x1536xf32, #tpu.memory_space<hbm>>
    tpu.enqueue_dma source(%arg10 : memref<16x1536xf32, #tpu.memory_space<vmem>>) target(%dma_start3A_190 : memref<16x1536xf32, #tpu.memory_space<hbm>>) target_semaphore(%arg14 : memref<!tpu.dma_semaphore, #tpu.memory_space<semaphore_mem>>)
    %mul3A_191 = arith.constant 128 : i32
    %mul3A_192 = arith.muli %add3A, %mul3A_191 : i32
    %add3A_193 = arith.constant 112 : i32
    %add3A_194 = arith.addi %mul3A_192, %add3A_193 : i32
    %dma_start3A_195 = arith.constant 0 : i32
    %dma_start3A_196 = tpu.memref_slice %arg2[%add3A_194, %dma_start3A_195] : memref<4096x512xf32, #tpu.memory_space<hbm>> -> memref<16x512xf32, #tpu.memory_space<hbm>>
    %dma_start3A_197 = arith.constant 0 : i32
    %dma_start3A_198 = tpu.memref_slice %arg2[%add3A_194, %dma_start3A_197] : memref<4096x512xf32, #tpu.memory_space<hbm>> -> memref<16x512xf32, #tpu.memory_space<hbm>>
    tpu.enqueue_dma source(%dma_start3A_198 : memref<16x512xf32, #tpu.memory_space<hbm>>) target(%arg8 : memref<16x512xf32, #tpu.memory_space<vmem>>) target_semaphore(%arg12 : memref<!tpu.dma_semaphore, #tpu.memory_space<semaphore_mem>>)
    %dma_wait3A_199 = arith.constant 0 : i32
    %dma_wait3A_200 = tpu.memref_slice %arg2[%add3A_163, %dma_wait3A_199] : memref<4096x512xf32, #tpu.memory_space<hbm>> -> memref<16x512xf32, #tpu.memory_space<hbm>>
    %dma_wait3A_201 = arith.constant 0 : i32
    %dma_wait3A_202 = tpu.memref_slice %arg2[%add3A_163, %dma_wait3A_201] : memref<4096x512xf32, #tpu.memory_space<hbm>> -> memref<16x512xf32, #tpu.memory_space<hbm>>
    tpu.wait_dma2 semaphore(%arg11 : memref<!tpu.dma_semaphore, #tpu.memory_space<semaphore_mem>>) src(%dma_wait3A_202 : memref<16x512xf32, #tpu.memory_space<hbm>>) dst(%arg7 : memref<16x512xf32, #tpu.memory_space<vmem>>)
    %dma_wait3A_203 = arith.constant 0 : i32
    %dma_wait3A_204 = tpu.memref_slice %arg4[%add3A_155, %dma_wait3A_203] : memref<4096x1536xf32, #tpu.memory_space<hbm>> -> memref<16x1536xf32, #tpu.memory_space<hbm>>
    %dma_wait3A_205 = arith.constant 0 : i32
    %dma_wait3A_206 = tpu.memref_slice %arg4[%add3A_155, %dma_wait3A_205] : memref<4096x1536xf32, #tpu.memory_space<hbm>> -> memref<16x1536xf32, #tpu.memory_space<hbm>>
    tpu.wait_dma2 semaphore(%arg13 : memref<!tpu.dma_semaphore, #tpu.memory_space<semaphore_mem>>) src(%arg9 : memref<16x1536xf32, #tpu.memory_space<vmem>>) dst(%dma_wait3A_206 : memref<16x1536xf32, #tpu.memory_space<hbm>>)
    %scan3A_207 = arith.constant 0 : i32
    %scan3A_208 = arith.constant 0 : i32
    %scan3A_209 = arith.constant 32 : i32
    %scan3A_210 = arith.addi %scan3A_208, %scan3A_209 : i32
    %scan3A_211 = arith.constant 1 : i32
    %scan3A_212 = scf.for %scan3A_253 = %scan3A_208 to %scan3A_210 step %scan3A_211 iter_args(%scan3A_254 = %scan3A_207) -> (i32)  : i32 {
      %mul3A_255 = arith.constant 16 : i32
      %mul3A_256 = arith.muli %scan3A_253, %mul3A_255 : i32
      %add3A_257 = vector.broadcast %mul3A_256 : i32 to vector<16xi32>
      %add3A_258 = arith.addi %add3A_257, %iota3A : vector<16xi32>
      %mul3A_259 = arith.constant 3 : i32
      %mul3A_260 = vector.broadcast %mul3A_259 : i32 to vector<16xi32>
      %mul3A_261 = arith.muli %add3A_258, %mul3A_260 : vector<16xi32>
      %add3A_262 = arith.constant 1 : i32
      %add3A_263 = vector.broadcast %add3A_262 : i32 to vector<16xi32>
      %add3A_264 = arith.addi %mul3A_261, %add3A_263 : vector<16xi32>
      %rem3A = arith.constant 512 : i32
      %rem3A_265 = vector.broadcast %rem3A : i32 to vector<16xi32>
      %rem3A_266 = arith.remsi %add3A_264, %rem3A_265 : vector<16xi32>
      %add3A_267 = arith.constant 2 : i32
      %add3A_268 = vector.broadcast %add3A_267 : i32 to vector<16xi32>
      %add3A_269 = arith.addi %mul3A_261, %add3A_268 : vector<16xi32>
      %rem3A_270 = arith.constant 512 : i32
      %rem3A_271 = vector.broadcast %rem3A_270 : i32 to vector<16xi32>
      %rem3A_272 = arith.remsi %add3A_269, %rem3A_271 : vector<16xi32>
      %add3A_273 = arith.constant 3 : i32
      %add3A_274 = vector.broadcast %add3A_273 : i32 to vector<16xi32>
      %add3A_275 = arith.addi %mul3A_261, %add3A_274 : vector<16xi32>
      %rem3A_276 = arith.constant 512 : i32
      %rem3A_277 = vector.broadcast %rem3A_276 : i32 to vector<16xi32>
      %rem3A_278 = arith.remsi %add3A_275, %rem3A_277 : vector<16xi32>
      %mul3A_279 = arith.constant 16 : i32
      %mul3A_280 = arith.muli %scan3A_253, %mul3A_279 : i32
      %add3A_281 = arith.constant 0 : i32
      %add3A_282 = arith.addi %add3A_281, %mul3A_280 : i32
      %get3A = arith.index_cast %add3A_282 : i32 to index
      %get3A_283 = tpu.vector_load %arg6[%get3A] {strides = array<i32>} : memref<4608xf32, #tpu.memory_space<vmem>>, vector<16xf32>,
      %mul3A_284 = arith.constant 16 : i32
      %mul3A_285 = arith.muli %scan3A_253, %mul3A_284 : i32
      %add3A_286 = arith.constant 512 : i32
      %add3A_287 = arith.addi %add3A_286, %mul3A_285 : i32
      %get3A_288 = arith.index_cast %add3A_287 : i32 to index
      %get3A_289 = tpu.vector_load %arg6[%get3A_288] {strides = array<i32>} : memref<4608xf32, #tpu.memory_space<vmem>>, vector<16xf32>,
      %mul3A_290 = arith.constant 16 : i32
      %mul3A_291 = arith.muli %scan3A_253, %mul3A_290 : i32
      %add3A_292 = arith.constant 1024 : i32
      %add3A_293 = arith.addi %add3A_292, %mul3A_291 : i32
      %get3A_294 = arith.index_cast %add3A_293 : i32 to index
      %get3A_295 = tpu.vector_load %arg6[%get3A_294] {strides = array<i32>} : memref<4608xf32, #tpu.memory_space<vmem>>, vector<16xf32>,
      %mul3A_296 = arith.constant 16 : i32
      %mul3A_297 = arith.muli %scan3A_253, %mul3A_296 : i32
      %add3A_298 = arith.constant 1536 : i32
      %add3A_299 = arith.addi %add3A_298, %mul3A_297 : i32
      %get3A_300 = arith.index_cast %add3A_299 : i32 to index
      %get3A_301 = tpu.vector_load %arg6[%get3A_300] {strides = array<i32>} : memref<4608xf32, #tpu.memory_space<vmem>>, vector<16xf32>,
      %mul3A_302 = arith.constant 16 : i32
      %mul3A_303 = arith.muli %scan3A_253, %mul3A_302 : i32
      %add3A_304 = arith.constant 2048 : i32
      %add3A_305 = arith.addi %add3A_304, %mul3A_303 : i32
      %get3A_306 = arith.index_cast %add3A_305 : i32 to index
      %get3A_307 = tpu.vector_load %arg6[%get3A_306] {strides = array<i32>} : memref<4608xf32, #tpu.memory_space<vmem>>, vector<16xf32>,
      %mul3A_308 = arith.constant 16 : i32
      %mul3A_309 = arith.muli %scan3A_253, %mul3A_308 : i32
      %add3A_310 = arith.constant 2560 : i32
      %add3A_311 = arith.addi %add3A_310, %mul3A_309 : i32
      %get3A_312 = arith.index_cast %add3A_311 : i32 to index
      %get3A_313 = tpu.vector_load %arg6[%get3A_312] {strides = array<i32>} : memref<4608xf32, #tpu.memory_space<vmem>>, vector<16xf32>,
      %mul3A_314 = arith.constant 16 : i32
      %mul3A_315 = arith.muli %scan3A_253, %mul3A_314 : i32
      %add3A_316 = arith.constant 3072 : i32
      %add3A_317 = arith.addi %add3A_316, %mul3A_315 : i32
      %get3A_318 = arith.index_cast %add3A_317 : i32 to index
      %get3A_319 = tpu.vector_load %arg6[%get3A_318] {strides = array<i32>} : memref<4608xf32, #tpu.memory_space<vmem>>, vector<16xf32>,
      %mul3A_320 = arith.constant 16 : i32
      %mul3A_321 = arith.muli %scan3A_253, %mul3A_320 : i32
      %add3A_322 = arith.constant 3584 : i32
      %add3A_323 = arith.addi %add3A_322, %mul3A_321 : i32
      %get3A_324 = arith.index_cast %add3A_323 : i32 to index
      %get3A_325 = tpu.vector_load %arg6[%get3A_324] {strides = array<i32>} : memref<4608xf32, #tpu.memory_space<vmem>>, vector<16xf32>,
      %mul3A_326 = arith.constant 16 : i32
      %mul3A_327 = arith.muli %scan3A_253, %mul3A_326 : i32
      %add3A_328 = arith.constant 4096 : i32
      %add3A_329 = arith.addi %add3A_328, %mul3A_327 : i32
      %get3A_330 = arith.index_cast %add3A_329 : i32 to index
      %get3A_331 = tpu.vector_load %arg6[%get3A_330] {strides = array<i32>} : memref<4608xf32, #tpu.memory_space<vmem>>, vector<16xf32>,
      %parallel_loop3A = arith.constant 0 : i32
      %parallel_loop3A_332 = arith.constant 16 : i32
      %parallel_loop3A_333 = arith.constant 1 : i32
      scf.for %parallel_loop3A_335 = %parallel_loop3A to %parallel_loop3A_332 step %parallel_loop3A_333  : i32 {
        %parallel_loop3A_336 = vector.broadcast %parallel_loop3A_335 : i32 to vector<16xi32>
        %parallel_loop3A_337 = tpu.vector_load_idx %arg7[%parallel_loop3A_336, %rem3A_266] : memref<16x512xf32, #tpu.memory_space<vmem>>[vector<16xi32>, vector<16xi32>], vector<16xf32>,
        %parallel_loop3A_338 = tpu.vector_load_idx %arg7[%parallel_loop3A_336, %rem3A_272] : memref<16x512xf32, #tpu.memory_space<vmem>>[vector<16xi32>, vector<16xi32>], vector<16xf32>,
        %parallel_loop3A_339 = tpu.vector_load_idx %arg7[%parallel_loop3A_336, %rem3A_278] : memref<16x512xf32, #tpu.memory_space<vmem>>[vector<16xi32>, vector<16xi32>], vector<16xf32>,
        %parallel_loop3A_340 = arith.mulf %parallel_loop3A_337, %parallel_loop3A_338 : vector<16xf32>
        %parallel_loop3A_341 = arith.mulf %get3A_319, %parallel_loop3A_340 : vector<16xf32>
        %parallel_loop3A_342 = arith.mulf %parallel_loop3A_337, %parallel_loop3A_339 : vector<16xf32>
        %parallel_loop3A_343 = arith.mulf %get3A_325, %parallel_loop3A_342 : vector<16xf32>
        %parallel_loop3A_344 = arith.addf %parallel_loop3A_341, %parallel_loop3A_343 : vector<16xf32>
        %parallel_loop3A_345 = arith.mulf %parallel_loop3A_338, %parallel_loop3A_339 : vector<16xf32>
        %parallel_loop3A_346 = arith.mulf %get3A_331, %parallel_loop3A_345 : vector<16xf32>
        %parallel_loop3A_347 = arith.addf %parallel_loop3A_344, %parallel_loop3A_346 : vector<16xf32>
        %parallel_loop3A_348 = arith.mulf %get3A_283, %parallel_loop3A_337 : vector<16xf32>
        %parallel_loop3A_349 = arith.mulf %get3A_289, %parallel_loop3A_338 : vector<16xf32>
        %parallel_loop3A_350 = arith.addf %parallel_loop3A_348, %parallel_loop3A_349 : vector<16xf32>
        %parallel_loop3A_351 = arith.mulf %get3A_295, %parallel_loop3A_339 : vector<16xf32>
        %parallel_loop3A_352 = arith.addf %parallel_loop3A_350, %parallel_loop3A_351 : vector<16xf32>
        %parallel_loop3A_353 = arith.mulf %get3A_301, %parallel_loop3A_337 : vector<16xf32>
        %parallel_loop3A_354 = arith.mulf %get3A_307, %parallel_loop3A_338 : vector<16xf32>
        %parallel_loop3A_355 = arith.addf %parallel_loop3A_353, %parallel_loop3A_354 : vector<16xf32>
        %parallel_loop3A_356 = arith.mulf %get3A_313, %parallel_loop3A_339 : vector<16xf32>
        %parallel_loop3A_357 = arith.addf %parallel_loop3A_355, %parallel_loop3A_356 : vector<16xf32>
        %parallel_loop3A_358 = arith.addf %parallel_loop3A_357, %parallel_loop3A_347 : vector<16xf32>
        %parallel_loop3A_359 = arith.addf %parallel_loop3A_337, %parallel_loop3A_338 : vector<16xf32>
        %parallel_loop3A_360 = arith.addf %parallel_loop3A_359, %parallel_loop3A_339 : vector<16xf32>
        %parallel_loop3A_361 = arith.subf %parallel_loop3A_360, %parallel_loop3A_352 : vector<16xf32>
        %parallel_loop3A_362 = arith.subf %parallel_loop3A_361, %parallel_loop3A_358 : vector<16xf32>
        tpu.vector_store_idx %arg9[%parallel_loop3A_336, %mul3A_261], %parallel_loop3A_352 : memref<16x1536xf32, #tpu.memory_space<vmem>>[vector<16xi32>, vector<16xi32>], vector<16xf32>,
        %parallel_loop3A_363 = arith.constant 1 : i32
        %parallel_loop3A_364 = vector.broadcast %parallel_loop3A_363 : i32 to vector<16xi32>
        %parallel_loop3A_365 = arith.addi %mul3A_261, %parallel_loop3A_364 : vector<16xi32>
        tpu.vector_store_idx %arg9[%parallel_loop3A_336, %parallel_loop3A_365], %parallel_loop3A_358 : memref<16x1536xf32, #tpu.memory_space<vmem>>[vector<16xi32>, vector<16xi32>], vector<16xf32>,
        %parallel_loop3A_366 = arith.constant 2 : i32
        %parallel_loop3A_367 = vector.broadcast %parallel_loop3A_366 : i32 to vector<16xi32>
        %parallel_loop3A_368 = arith.addi %mul3A_261, %parallel_loop3A_367 : vector<16xi32>
        tpu.vector_store_idx %arg9[%parallel_loop3A_336, %parallel_loop3A_368], %parallel_loop3A_362 : memref<16x1536xf32, #tpu.memory_space<vmem>>[vector<16xi32>, vector<16xi32>], vector<16xf32>,
      } {sc.loop_unroll_factor = 2 : i64, sc.parallel_access}
      %scan3A_334 = arith.constant 0 : i32
      scf.yield %scan3A_334 : i32
    }
    %scan3A_213 = arith.constant 32 : i32
    %mul3A_214 = arith.constant 128 : i32
    %mul3A_215 = arith.muli %add3A, %mul3A_214 : i32
    %add3A_216 = arith.constant 96 : i32
    %add3A_217 = arith.addi %mul3A_215, %add3A_216 : i32
    %dma_start3A_218 = arith.constant 0 : i32
    %dma_start3A_219 = tpu.memref_slice %arg4[%add3A_217, %dma_start3A_218] : memref<4096x1536xf32, #tpu.memory_space<hbm>> -> memref<16x1536xf32, #tpu.memory_space<hbm>>
    %dma_start3A_220 = arith.constant 0 : i32
    %dma_start3A_221 = tpu.memref_slice %arg4[%add3A_217, %dma_start3A_220] : memref<4096x1536xf32, #tpu.memory_space<hbm>> -> memref<16x1536xf32, #tpu.memory_space<hbm>>
    tpu.enqueue_dma source(%arg9 : memref<16x1536xf32, #tpu.memory_space<vmem>>) target(%dma_start3A_221 : memref<16x1536xf32, #tpu.memory_space<hbm>>) target_semaphore(%arg13 : memref<!tpu.dma_semaphore, #tpu.memory_space<semaphore_mem>>)
    %dma_wait3A_222 = arith.constant 0 : i32
    %dma_wait3A_223 = tpu.memref_slice %arg2[%add3A_194, %dma_wait3A_222] : memref<4096x512xf32, #tpu.memory_space<hbm>> -> memref<16x512xf32, #tpu.memory_space<hbm>>
    %dma_wait3A_224 = arith.constant 0 : i32
    %dma_wait3A_225 = tpu.memref_slice %arg2[%add3A_194, %dma_wait3A_224] : memref<4096x512xf32, #tpu.memory_space<hbm>> -> memref<16x512xf32, #tpu.memory_space<hbm>>
    tpu.wait_dma2 semaphore(%arg12 : memref<!tpu.dma_semaphore, #tpu.memory_space<semaphore_mem>>) src(%dma_wait3A_225 : memref<16x512xf32, #tpu.memory_space<hbm>>) dst(%arg8 : memref<16x512xf32, #tpu.memory_space<vmem>>)
    %dma_wait3A_226 = arith.constant 0 : i32
    %dma_wait3A_227 = tpu.memref_slice %arg4[%add3A_186, %dma_wait3A_226] : memref<4096x1536xf32, #tpu.memory_space<hbm>> -> memref<16x1536xf32, #tpu.memory_space<hbm>>
    %dma_wait3A_228 = arith.constant 0 : i32
    %dma_wait3A_229 = tpu.memref_slice %arg4[%add3A_186, %dma_wait3A_228] : memref<4096x1536xf32, #tpu.memory_space<hbm>> -> memref<16x1536xf32, #tpu.memory_space<hbm>>
    tpu.wait_dma2 semaphore(%arg14 : memref<!tpu.dma_semaphore, #tpu.memory_space<semaphore_mem>>) src(%arg10 : memref<16x1536xf32, #tpu.memory_space<vmem>>) dst(%dma_wait3A_229 : memref<16x1536xf32, #tpu.memory_space<hbm>>)
    %scan3A_230 = arith.constant 0 : i32
    %scan3A_231 = arith.constant 0 : i32
    %scan3A_232 = arith.constant 32 : i32
    %scan3A_233 = arith.addi %scan3A_231, %scan3A_232 : i32
    %scan3A_234 = arith.constant 1 : i32
    %scan3A_235 = scf.for %scan3A_253 = %scan3A_231 to %scan3A_233 step %scan3A_234 iter_args(%scan3A_254 = %scan3A_230) -> (i32)  : i32 {
      %mul3A_255 = arith.constant 16 : i32
      %mul3A_256 = arith.muli %scan3A_253, %mul3A_255 : i32
      %add3A_257 = vector.broadcast %mul3A_256 : i32 to vector<16xi32>
      %add3A_258 = arith.addi %add3A_257, %iota3A : vector<16xi32>
      %mul3A_259 = arith.constant 3 : i32
      %mul3A_260 = vector.broadcast %mul3A_259 : i32 to vector<16xi32>
      %mul3A_261 = arith.muli %add3A_258, %mul3A_260 : vector<16xi32>
      %add3A_262 = arith.constant 1 : i32
      %add3A_263 = vector.broadcast %add3A_262 : i32 to vector<16xi32>
      %add3A_264 = arith.addi %mul3A_261, %add3A_263 : vector<16xi32>
      %rem3A = arith.constant 512 : i32
      %rem3A_265 = vector.broadcast %rem3A : i32 to vector<16xi32>
      %rem3A_266 = arith.remsi %add3A_264, %rem3A_265 : vector<16xi32>
      %add3A_267 = arith.constant 2 : i32
      %add3A_268 = vector.broadcast %add3A_267 : i32 to vector<16xi32>
      %add3A_269 = arith.addi %mul3A_261, %add3A_268 : vector<16xi32>
      %rem3A_270 = arith.constant 512 : i32
      %rem3A_271 = vector.broadcast %rem3A_270 : i32 to vector<16xi32>
      %rem3A_272 = arith.remsi %add3A_269, %rem3A_271 : vector<16xi32>
      %add3A_273 = arith.constant 3 : i32
      %add3A_274 = vector.broadcast %add3A_273 : i32 to vector<16xi32>
      %add3A_275 = arith.addi %mul3A_261, %add3A_274 : vector<16xi32>
      %rem3A_276 = arith.constant 512 : i32
      %rem3A_277 = vector.broadcast %rem3A_276 : i32 to vector<16xi32>
      %rem3A_278 = arith.remsi %add3A_275, %rem3A_277 : vector<16xi32>
      %mul3A_279 = arith.constant 16 : i32
      %mul3A_280 = arith.muli %scan3A_253, %mul3A_279 : i32
      %add3A_281 = arith.constant 0 : i32
      %add3A_282 = arith.addi %add3A_281, %mul3A_280 : i32
      %get3A = arith.index_cast %add3A_282 : i32 to index
      %get3A_283 = tpu.vector_load %arg6[%get3A] {strides = array<i32>} : memref<4608xf32, #tpu.memory_space<vmem>>, vector<16xf32>,
      %mul3A_284 = arith.constant 16 : i32
      %mul3A_285 = arith.muli %scan3A_253, %mul3A_284 : i32
      %add3A_286 = arith.constant 512 : i32
      %add3A_287 = arith.addi %add3A_286, %mul3A_285 : i32
      %get3A_288 = arith.index_cast %add3A_287 : i32 to index
      %get3A_289 = tpu.vector_load %arg6[%get3A_288] {strides = array<i32>} : memref<4608xf32, #tpu.memory_space<vmem>>, vector<16xf32>,
      %mul3A_290 = arith.constant 16 : i32
      %mul3A_291 = arith.muli %scan3A_253, %mul3A_290 : i32
      %add3A_292 = arith.constant 1024 : i32
      %add3A_293 = arith.addi %add3A_292, %mul3A_291 : i32
      %get3A_294 = arith.index_cast %add3A_293 : i32 to index
      %get3A_295 = tpu.vector_load %arg6[%get3A_294] {strides = array<i32>} : memref<4608xf32, #tpu.memory_space<vmem>>, vector<16xf32>,
      %mul3A_296 = arith.constant 16 : i32
      %mul3A_297 = arith.muli %scan3A_253, %mul3A_296 : i32
      %add3A_298 = arith.constant 1536 : i32
      %add3A_299 = arith.addi %add3A_298, %mul3A_297 : i32
      %get3A_300 = arith.index_cast %add3A_299 : i32 to index
      %get3A_301 = tpu.vector_load %arg6[%get3A_300] {strides = array<i32>} : memref<4608xf32, #tpu.memory_space<vmem>>, vector<16xf32>,
      %mul3A_302 = arith.constant 16 : i32
      %mul3A_303 = arith.muli %scan3A_253, %mul3A_302 : i32
      %add3A_304 = arith.constant 2048 : i32
      %add3A_305 = arith.addi %add3A_304, %mul3A_303 : i32
      %get3A_306 = arith.index_cast %add3A_305 : i32 to index
      %get3A_307 = tpu.vector_load %arg6[%get3A_306] {strides = array<i32>} : memref<4608xf32, #tpu.memory_space<vmem>>, vector<16xf32>,
      %mul3A_308 = arith.constant 16 : i32
      %mul3A_309 = arith.muli %scan3A_253, %mul3A_308 : i32
      %add3A_310 = arith.constant 2560 : i32
      %add3A_311 = arith.addi %add3A_310, %mul3A_309 : i32
      %get3A_312 = arith.index_cast %add3A_311 : i32 to index
      %get3A_313 = tpu.vector_load %arg6[%get3A_312] {strides = array<i32>} : memref<4608xf32, #tpu.memory_space<vmem>>, vector<16xf32>,
      %mul3A_314 = arith.constant 16 : i32
      %mul3A_315 = arith.muli %scan3A_253, %mul3A_314 : i32
      %add3A_316 = arith.constant 3072 : i32
      %add3A_317 = arith.addi %add3A_316, %mul3A_315 : i32
      %get3A_318 = arith.index_cast %add3A_317 : i32 to index
      %get3A_319 = tpu.vector_load %arg6[%get3A_318] {strides = array<i32>} : memref<4608xf32, #tpu.memory_space<vmem>>, vector<16xf32>,
      %mul3A_320 = arith.constant 16 : i32
      %mul3A_321 = arith.muli %scan3A_253, %mul3A_320 : i32
      %add3A_322 = arith.constant 3584 : i32
      %add3A_323 = arith.addi %add3A_322, %mul3A_321 : i32
      %get3A_324 = arith.index_cast %add3A_323 : i32 to index
      %get3A_325 = tpu.vector_load %arg6[%get3A_324] {strides = array<i32>} : memref<4608xf32, #tpu.memory_space<vmem>>, vector<16xf32>,
      %mul3A_326 = arith.constant 16 : i32
      %mul3A_327 = arith.muli %scan3A_253, %mul3A_326 : i32
      %add3A_328 = arith.constant 4096 : i32
      %add3A_329 = arith.addi %add3A_328, %mul3A_327 : i32
      %get3A_330 = arith.index_cast %add3A_329 : i32 to index
      %get3A_331 = tpu.vector_load %arg6[%get3A_330] {strides = array<i32>} : memref<4608xf32, #tpu.memory_space<vmem>>, vector<16xf32>,
      %parallel_loop3A = arith.constant 0 : i32
      %parallel_loop3A_332 = arith.constant 16 : i32
      %parallel_loop3A_333 = arith.constant 1 : i32
      scf.for %parallel_loop3A_335 = %parallel_loop3A to %parallel_loop3A_332 step %parallel_loop3A_333  : i32 {
        %parallel_loop3A_336 = vector.broadcast %parallel_loop3A_335 : i32 to vector<16xi32>
        %parallel_loop3A_337 = tpu.vector_load_idx %arg8[%parallel_loop3A_336, %rem3A_266] : memref<16x512xf32, #tpu.memory_space<vmem>>[vector<16xi32>, vector<16xi32>], vector<16xf32>,
        %parallel_loop3A_338 = tpu.vector_load_idx %arg8[%parallel_loop3A_336, %rem3A_272] : memref<16x512xf32, #tpu.memory_space<vmem>>[vector<16xi32>, vector<16xi32>], vector<16xf32>,
        %parallel_loop3A_339 = tpu.vector_load_idx %arg8[%parallel_loop3A_336, %rem3A_278] : memref<16x512xf32, #tpu.memory_space<vmem>>[vector<16xi32>, vector<16xi32>], vector<16xf32>,
        %parallel_loop3A_340 = arith.mulf %parallel_loop3A_337, %parallel_loop3A_338 : vector<16xf32>
        %parallel_loop3A_341 = arith.mulf %get3A_319, %parallel_loop3A_340 : vector<16xf32>
        %parallel_loop3A_342 = arith.mulf %parallel_loop3A_337, %parallel_loop3A_339 : vector<16xf32>
        %parallel_loop3A_343 = arith.mulf %get3A_325, %parallel_loop3A_342 : vector<16xf32>
        %parallel_loop3A_344 = arith.addf %parallel_loop3A_341, %parallel_loop3A_343 : vector<16xf32>
        %parallel_loop3A_345 = arith.mulf %parallel_loop3A_338, %parallel_loop3A_339 : vector<16xf32>
        %parallel_loop3A_346 = arith.mulf %get3A_331, %parallel_loop3A_345 : vector<16xf32>
        %parallel_loop3A_347 = arith.addf %parallel_loop3A_344, %parallel_loop3A_346 : vector<16xf32>
        %parallel_loop3A_348 = arith.mulf %get3A_283, %parallel_loop3A_337 : vector<16xf32>
        %parallel_loop3A_349 = arith.mulf %get3A_289, %parallel_loop3A_338 : vector<16xf32>
        %parallel_loop3A_350 = arith.addf %parallel_loop3A_348, %parallel_loop3A_349 : vector<16xf32>
        %parallel_loop3A_351 = arith.mulf %get3A_295, %parallel_loop3A_339 : vector<16xf32>
        %parallel_loop3A_352 = arith.addf %parallel_loop3A_350, %parallel_loop3A_351 : vector<16xf32>
        %parallel_loop3A_353 = arith.mulf %get3A_301, %parallel_loop3A_337 : vector<16xf32>
        %parallel_loop3A_354 = arith.mulf %get3A_307, %parallel_loop3A_338 : vector<16xf32>
        %parallel_loop3A_355 = arith.addf %parallel_loop3A_353, %parallel_loop3A_354 : vector<16xf32>
        %parallel_loop3A_356 = arith.mulf %get3A_313, %parallel_loop3A_339 : vector<16xf32>
        %parallel_loop3A_357 = arith.addf %parallel_loop3A_355, %parallel_loop3A_356 : vector<16xf32>
        %parallel_loop3A_358 = arith.addf %parallel_loop3A_357, %parallel_loop3A_347 : vector<16xf32>
        %parallel_loop3A_359 = arith.addf %parallel_loop3A_337, %parallel_loop3A_338 : vector<16xf32>
        %parallel_loop3A_360 = arith.addf %parallel_loop3A_359, %parallel_loop3A_339 : vector<16xf32>
        %parallel_loop3A_361 = arith.subf %parallel_loop3A_360, %parallel_loop3A_352 : vector<16xf32>
        %parallel_loop3A_362 = arith.subf %parallel_loop3A_361, %parallel_loop3A_358 : vector<16xf32>
        tpu.vector_store_idx %arg10[%parallel_loop3A_336, %mul3A_261], %parallel_loop3A_352 : memref<16x1536xf32, #tpu.memory_space<vmem>>[vector<16xi32>, vector<16xi32>], vector<16xf32>,
        %parallel_loop3A_363 = arith.constant 1 : i32
        %parallel_loop3A_364 = vector.broadcast %parallel_loop3A_363 : i32 to vector<16xi32>
        %parallel_loop3A_365 = arith.addi %mul3A_261, %parallel_loop3A_364 : vector<16xi32>
        tpu.vector_store_idx %arg10[%parallel_loop3A_336, %parallel_loop3A_365], %parallel_loop3A_358 : memref<16x1536xf32, #tpu.memory_space<vmem>>[vector<16xi32>, vector<16xi32>], vector<16xf32>,
        %parallel_loop3A_366 = arith.constant 2 : i32
        %parallel_loop3A_367 = vector.broadcast %parallel_loop3A_366 : i32 to vector<16xi32>
        %parallel_loop3A_368 = arith.addi %mul3A_261, %parallel_loop3A_367 : vector<16xi32>
        tpu.vector_store_idx %arg10[%parallel_loop3A_336, %parallel_loop3A_368], %parallel_loop3A_362 : memref<16x1536xf32, #tpu.memory_space<vmem>>[vector<16xi32>, vector<16xi32>], vector<16xf32>,
      } {sc.loop_unroll_factor = 2 : i64, sc.parallel_access}
      %scan3A_334 = arith.constant 0 : i32
      scf.yield %scan3A_334 : i32
    }
    %scan3A_236 = arith.constant 32 : i32
    %mul3A_237 = arith.constant 128 : i32
    %mul3A_238 = arith.muli %add3A, %mul3A_237 : i32
    %add3A_239 = arith.constant 112 : i32
    %add3A_240 = arith.addi %mul3A_238, %add3A_239 : i32
    %dma_start3A_241 = arith.constant 0 : i32
    %dma_start3A_242 = tpu.memref_slice %arg4[%add3A_240, %dma_start3A_241] : memref<4096x1536xf32, #tpu.memory_space<hbm>> -> memref<16x1536xf32, #tpu.memory_space<hbm>>
    %dma_start3A_243 = arith.constant 0 : i32
    %dma_start3A_244 = tpu.memref_slice %arg4[%add3A_240, %dma_start3A_243] : memref<4096x1536xf32, #tpu.memory_space<hbm>> -> memref<16x1536xf32, #tpu.memory_space<hbm>>
    tpu.enqueue_dma source(%arg10 : memref<16x1536xf32, #tpu.memory_space<vmem>>) target(%dma_start3A_244 : memref<16x1536xf32, #tpu.memory_space<hbm>>) target_semaphore(%arg14 : memref<!tpu.dma_semaphore, #tpu.memory_space<semaphore_mem>>)
    %dma_wait3A_245 = arith.constant 0 : i32
    %dma_wait3A_246 = tpu.memref_slice %arg4[%add3A_217, %dma_wait3A_245] : memref<4096x1536xf32, #tpu.memory_space<hbm>> -> memref<16x1536xf32, #tpu.memory_space<hbm>>
    %dma_wait3A_247 = arith.constant 0 : i32
    %dma_wait3A_248 = tpu.memref_slice %arg4[%add3A_217, %dma_wait3A_247] : memref<4096x1536xf32, #tpu.memory_space<hbm>> -> memref<16x1536xf32, #tpu.memory_space<hbm>>
    tpu.wait_dma2 semaphore(%arg13 : memref<!tpu.dma_semaphore, #tpu.memory_space<semaphore_mem>>) src(%arg9 : memref<16x1536xf32, #tpu.memory_space<vmem>>) dst(%dma_wait3A_248 : memref<16x1536xf32, #tpu.memory_space<hbm>>)
    %dma_wait3A_249 = arith.constant 0 : i32
    %dma_wait3A_250 = tpu.memref_slice %arg4[%add3A_240, %dma_wait3A_249] : memref<4096x1536xf32, #tpu.memory_space<hbm>> -> memref<16x1536xf32, #tpu.memory_space<hbm>>
    %dma_wait3A_251 = arith.constant 0 : i32
    %dma_wait3A_252 = tpu.memref_slice %arg4[%add3A_240, %dma_wait3A_251] : memref<4096x1536xf32, #tpu.memory_space<hbm>> -> memref<16x1536xf32, #tpu.memory_space<hbm>>
    tpu.wait_dma2 semaphore(%arg14 : memref<!tpu.dma_semaphore, #tpu.memory_space<semaphore_mem>>) src(%arg10 : memref<16x1536xf32, #tpu.memory_space<vmem>>) dst(%dma_wait3A_252 : memref<16x1536xf32, #tpu.memory_space<hbm>>)
    return
  }
}

</mosaic_0001>

<sc_bundles>
// kernel: kernel.3.cloned.1.call-start
scs
__scs_entry_jumppad:
0x0: {  	(pc) =	sbr.rel $0x88, $3  }
0x1: {  	(tag) =	ssettag $0x0;
	lr =	simm.s32 $0x1  }
0x2: {  	[smem:$0x3F9F] =	sst lr;
	_ =	strace $0xD0000000  }
0x3: {  	_ = 	snop  }
0x4: {  	_ = 	snop  }
0x5: {  	_ = 	snop  }
0x6: {  	_ = 	snop  }
0x7: {  	_ = 	snop  }
__scs_overlays_trampoline_lowered:
0x8: {  	[smem:$0x3FAE] =	sst s0  }
0x9: {  	[smem:$0x3FAF] =	sst s1  }
0xa: {  	[smem:$0x3FB0] =	sst s2  }
0xb: {  	[smem:$0x3FB1] =	sst s3  }
0xc: {  	[smem:$0x3FB2] =	sst s4  }
0xd: {  	[smem:$0x3FB3] =	sst s5  }
0xe: {  	[smem:$0x3FB4] =	sst s6  }
0xf: {  	[smem:$0x3FB5] =	sst s7  }
0x10: {  	[smem:$0x3FB6] =	sst s8  }
0x11: {  	[smem:$0x3FB7] =	sst s9;
	s0 =	simm.s32 @!p0 $0x0  }
0x12: {  	s1 =	sld [smem:$0x3F9D];
	s0 =	simm.s32 @p0 $0x1  }
0x13: {  	[smem:$0x3FB8] =	sst s0;
	s0 =	simm.s32 @!p1 $0x0  }
0x14: {  	s2 =	sld [smem:$0x3F9C];
	s0 =	simm.s32 @p1 $0x1  }
0x15: {  	[smem:$0x3FB9] =	sst s0;
	s0 =	simm.s32 @!p2 $0x0  }
0x16: {  	s3 =	sld [smem:$0x3FDB];
	s0 =	simm.s32 @p2 $0x1  }
0x17: {  	s4 =	simm.s32 $0x1BF5;
	[smem:$0x3FBB] =	sst s0  }
0x18: {  	s0 =	sld [smem:$0x3F9E];
	_ =	swait.ge [sflag:s4], $0x0  }
0x19: {  	s7 =	sld [smem:$0x3F9F]  }
0x1a: {  	s8 =	sadd.s32 $0xFFFFE003, lr  }
0x1b: {  	s9 =	sadd.s32 $0xFFFFFEF7, lr;
	s5 =	simm.s32 $0xFFFFFFFF;
	p2 =	slt.u32 s8, $0xFFFFF086  }
0x1c: {  	p1 =	slt.u32 s9, $0xF7A;
	s5 =	simm.s32 @!p2 $0x0  }
0x1d: {  	s5 =	simm.s32 @p1 $0x1;
	p0 =	seq.s32 s7, s2  }
0x1e: {  	s7 =	smul.u32 @!p0 $0xF7A, s2;
	p2 =	seq.s32 @!p0 s5, $0x0  }
0x1f: {  	s9 =	smul.u32 $0xF7A, s1;
	s8 =	simm.s32 @!p0 $0x1BF5;
	p2 =	por !p2, p0  }
0x20: {  	[sflag:s8] =	ssyncset.s32 @!p0 $0xFFFFF086;
	s6 =	sadd.s32 @!p0 s3, s7;
	s7 =	simm.s32 @!p0 $0x108  }
0x21: {  	s3 =	sadd.s32 s3, s9;
	s6 =	sadd.s32 @!p0 $0x88, s6;
	s7 =	simm.s32 @p2 $0x1082  }
0x22: {  	[simem:s7], [sflag:s8] =	dma.local @!p0 [hbm:s6], $0xF7A  }
0x23: {  	s9 =	sor.u32 $0xD0000000, s2;
	s6 =	simm.s32 $0x108;
	_ =	swait.ge @!p0 [sflag:s8], $0x0  }
0x24: {  	s3 =	sadd.s32 $0x88, s3;
	s6 =	simm.s32 @!p1 $0x1082;
	[sflag:s4] =	ssyncset.s32 $0xFFFFF086  }
0x25: {  	[simem:s6], [sflag:s4] =	dma.local [hbm:s3], $0xF7A  }
0x26: {  	[smem:$0x3F9F] =	sst s1;
	(tag) =	ssettag s2;
	_ =	strace s9  }
0x27: {  	s1 =	sld [smem:$0x3FAF]  }
0x28: {  	s2 =	sld [smem:$0x3FB0]  }
0x29: {  	s4 =	sld [smem:$0x3FB2]  }
0x2a: {  	p0 =	seq.s32 s5, $0x0;
	s5 =	sld [smem:$0x3FB3]  }
0x2b: {  	s6 =	sld [smem:$0x3FB4]  }
0x2c: {  	s7 =	sld [smem:$0x3FB5]  }
0x2d: {  	s3 =	simm.s32 $0x108;
	s8 =	sld [smem:$0x3FB6]  }
0x2e: {  	s3 =	simm.s32 @!p0 $0x1082;
	s9 =	sld [smem:$0x3FB7]  }
0x2f: {  	lr =	sadd.s32 s0, s3;
	s0 =	sld [smem:$0x3FAE]  }
0x30: {  	s3 =	sld [smem:$0x3FB1]  }
0x31: {  	[smem:$0x3FBA] =	sst s10  }
0x32: {  	s10 =	sld [smem:$0x3FB8];
	_ =	sdelay $0x3  }
0x33: {  	p0 =	seq.s32 s10, $0x1;
	s10 =	sld [smem:$0x3FBA];
	_ =	sdelay $0x3  }
0x34: {  	[smem:$0x3FBA] =	sst s10  }
0x35: {  	s10 =	sld [smem:$0x3FB9];
	_ =	sdelay $0x3  }
0x36: {  	p1 =	seq.s32 s10, $0x1;
	s10 =	sld [smem:$0x3FBA];
	_ =	sdelay $0x3  }
0x37: {  	[smem:$0x3FBA] =	sst s10  }
0x38: {  	s10 =	sld [smem:$0x3FBB]  }
0x39: {  	_ = 	snop;
	(pc) =	sbr.ind lr, $3  }
0x3a: {  	_ = 	snop  }
0x3b: {  	_ = 	snop  }
0x3c: {  	p2 =	seq.s32 s10, $0x1;
	s10 =	sld [smem:$0x3FBA]  }
0x3d: {  	_ =	shalt  }
0x3e: {  	_ =	shalt  }
0x3f: {  	_ =	shalt  }
0x40: {  	_ =	shalt  }
0x41: {  	_ =	shalt  }
0x42: {  	_ =	shalt  }
0x43: {  	_ =	shalt  }
0x44: {  	_ =	shalt  }
0x45: {  	_ =	shalt  }
0x46: {  	_ =	shalt  }
0x47: {  	_ =	shalt  }
0x48: {  	_ =	shalt  }
0x49: {  	_ =	shalt  }
0x4a: {  	_ =	shalt  }
0x4b: {  	_ =	shalt  }
0x4c: {  	_ =	shalt  }
0x4d: {  	_ =	shalt  }
0x4e: {  	_ =	shalt  }
0x4f: {  	_ =	shalt  }
0x50: {  	_ =	shalt  }
0x51: {  	_ =	shalt  }
0x52: {  	_ =	shalt  }
0x53: {  	_ =	shalt  }
0x54: {  	_ =	shalt  }
0x55: {  	_ =	shalt  }
0x56: {  	_ =	shalt  }
0x57: {  	_ =	shalt  }
0x58: {  	_ =	shalt  }
0x59: {  	_ =	shalt  }
0x5a: {  	_ =	shalt  }
0x5b: {  	_ =	shalt  }
0x5c: {  	_ =	shalt  }
0x5d: {  	_ =	shalt  }
0x5e: {  	_ =	shalt  }
0x5f: {  	_ =	shalt  }
0x60: {  	_ =	shalt  }
0x61: {  	_ =	shalt  }
0x62: {  	_ =	shalt  }
0x63: {  	_ =	shalt  }
0x64: {  	_ =	shalt  }
0x65: {  	_ =	shalt  }
0x66: {  	_ =	shalt  }
0x67: {  	_ =	shalt  }
0x68: {  	_ =	shalt  }
0x69: {  	_ =	shalt  }
0x6a: {  	_ =	shalt  }
0x6b: {  	_ =	shalt  }
0x6c: {  	_ =	shalt  }
0x6d: {  	_ =	shalt  }
0x6e: {  	_ =	shalt  }
0x6f: {  	_ =	shalt  }
0x70: {  	_ =	shalt  }
0x71: {  	_ =	shalt  }
0x72: {  	_ =	shalt  }
0x73: {  	_ =	shalt  }
0x74: {  	_ =	shalt  }
0x75: {  	_ =	shalt  }
0x76: {  	_ =	shalt  }
0x77: {  	_ =	shalt  }
0x78: {  	_ =	shalt  }
0x79: {  	_ =	shalt  }
0x7a: {  	_ =	shalt  }
0x7b: {  	_ =	shalt  }
0x7c: {  	_ =	shalt  }
0x7d: {  	_ =	shalt  }
0x7e: {  	_ =	shalt  }
0x7f: {  	_ =	shalt  }
0x80: {  	_ =	shalt  }
0x81: {  	_ =	shalt  }
0x82: {  	_ =	shalt  }
0x83: {  	_ =	shalt  }
0x84: {  	_ =	shalt  }
0x85: {  	_ =	shalt  }
0x86: {  	_ =	shalt  }
0x87: {  	_ =	shalt  }
.Lfunc_end0:
.L_simem_size_0:
called_computation_lowered:
.L_overlay_start_0:
0x88: {  	s2 =	sld [smem:$0x3FD9]  }
0x89: {  	s3 =	sld [smem:$0x3FFE];
	_ =	sdelay $0x1  }
0x8a: {  	s1 =	srdreg.scid  }
0x8b: {  	s0 =	sand.u32 $0x1, s1  }
0x8c: {  	s17 =	sshll.u32 s0, $0xA;
	s2 =	sadd.s32 s3, s2  }
0x8d: {  	s2 =	sadd.s32 s2, s17  }
0x8e: {  	[smem:$0x3FC6] =	sst s2  }
0x8f: {  	_ = 	snop  }
0x90: {  	s2 =	sld [smem:$0x3FC9]  }
0x91: {  	s18 =	sld [smem:$0x3FD0];
	(tm) =	ssettm $0x1  }
0x92: {  	s4 =	sld [smem:$0x3FFB];
	_ =	sdelay $0x3  }
0x93: {  	_ =	strace s4  }
0x94: {  	s4 =	sld [smem:$0x3FFC];
	_ =	sdelay $0x3  }
0x95: {  	_ =	strace s4  }
0x96: {  	s4 =	sld [smem:$0x3FFD];
	_ =	sdelay $0x3  }
0x97: {  	_ =	strace s4  }
0x98: {  	_ =	strace $0x8FFFFFFF  }
0x99: {  	s19 =	sld [smem:$0x3FDB];
	_ =	sdelay $0x1  }
0x9a: {  	s5 =	simm.s32 $_scs_section_size  }
0x9b: {  	s6 =	simm.s32 $_size__tile_overlayer_lowered;
	s7 =	simm.s32 $_tile_overlayer_lowered  }
0x9c: {  	s22 =	simm.s32 $0x1BFF;
	s21 =	sshll.u32 s7, $0x1;
	s4 =	sadd.s32 s5, s19  }
0x9d: {  	s8 =	simm.s32 $0x0;
	s20 =	sshll.u32 s6, $0x1;
	s6 =	sadd.s32 s21, s4  }
0x9e: {  	[timem:s8], [sflag:s22] =	dma.local [hbm:s6], s20  }
0x9f: {  	_ =	swait.ge [sflag:s22], s20  }
0xa0: {  	s5 =	ssub.s32 $0x0, s20;
	[sflag:s22] =	ssyncset.done $0x0  }
0xa1: {  	[sflag:s22] =	ssyncadd.s32 s5;
	_ =	sdelay $0x1  }
0xa2: {  	s23 =	simm.s32 $0x1B8B  }
0xa3: {  	_ =	swait.ge [sflag:s23], $0x1  }
0xa4: {  	[sflag:s23] =	ssyncset.done $0x0  }
0xa5: {  	s25 =	simm.s32 $0x1B8E;
	s24 =	sld [smem:$0x3FFE];
	[sflag:s23] =	ssyncadd.s32 $0xFFFFFFFF  }
0xa6: {  	s26 =	simm.s32 $execute0_lowered;
	[smem:$0x3FD2] =	sst s25  }
0xa7: {  	s6 =	sshll.u32 s26, $0x1;
	_ =	strace $0x80000046;
	[dreg:$0x1] =	wrdreg $0xFFFFFFFF  }
0xa8: {  	s28 =	simm.s32 $_size_execute0_lowered;
	s4 =	sadd.s32 s4, s6;
	[dreg:$0x0] =	wrdreg $0x0  }
0xa9: {  	s6 =	sshll.u32 s28, $0x1;
	[dreg:$0x2] =	wrdreg s4  }
0xaa: {  	[dreg:$0x3] =	wrdreg s6  }
0xab: {  	[dreg:$0x4] =	wrdreg $0xC0  }
0xac: {  	_ =	task [dreg:s8], $0x5FFFF  }
0xad: {  	[dreg:$0x1] =	wrdreg $0xFFFFFFFF  }
0xae: {  	[dreg:$0x0] =	wrdreg $0x60  }
0xaf: {  	[dreg:$0x2] =	wrdreg s2  }
0xb0: {  	[dreg:$0x3] =	wrdreg s24  }
0xb1: {  	[dreg:$0x4] =	wrdreg s18  }
0xb2: {  	[dreg:$0x5] =	wrdreg $0x9  }
0xb3: {  	_ =	task.clear_ibuf [dreg:s8], $0x6FFFF;
	_ =	strace $0x90000046  }
0xb4: {  	s29 =	simm.s32 $0x9;
	_ =	strace $0x80000048  }
0xb5: {  	_ =	swait.ge [sflag:s29], $0x1  }
0xb6: {  	[sflag:s29] =	ssyncadd.s32 $0xFFFFFFFF  }
0xb7: {  	_ =	strace $0x90000048  }
0xb8: {  	_ =	sfence  }
0xb9: {  	s30 =	sld [smem:$0x0];
	_ =	sdelay $0x2  }
0xba: {  	s31 =	sshll.u32 s1, $0xD;
	s1 =	sshrl.u32 s1, $0x2  }
0xbb: {  	s3 =	sand.u32 $0x4000, s31;
	s1 =	sadd.s32 s1, s30  }
0xbc: {  	s0 =	sor.u32 s3, s0;
	s1 =	sshll.u32 s1, $0x11  }
0xbd: {  	s0 =	sor.u32 s1, s0  }
0xbe: {  	s0 =	sadd.s32 $0x8F2B, s0  }
0xbf: {  	[sflag:s0] =	ssyncadd.remote.s32 $0x1  }
0xc0: {  	_ =	sfence.sel $0xFFFF  }
0xc1: {  	[dreg:$0x0] =	wrdreg $0xFFFFFFFF;
	(pc) =	sbr.abs _section_cstart, $3  }
0xc2: {  	[dreg:$0x1] =	wrdreg $0xFFFFFFFF  }
0xc3: {  	_ =	task.clear_ibuf [dreg:s8], $0x2FFFF;
	_ =	strace $0x9FFFFFFF  }
0xc4: {  	(tm) =	ssettm $0x7FFFFFFF  }
0xc5: {  	_ =	shalt  }
tec
execute0_lowered:
.L_overlay_start_1:
0x0: {  	(tag) =	ssettag $0x1  }
0x1: {  	s0 =	rddreg [dreg:$0x0]  }
0x2: {  	s1 =	rddreg [dreg:$0x1]  }
0x3: {  	s3 =	rddreg [dreg:$0x2]  }
0x4: {  	s4 =	srdreg.scid;
	s2 =	simm.s32 $0x0;
	s5 =	stileid.u32  }
0x5: {  	s28 =	simm.s32 $0xBE00;
	s29 =	simm.s32 $0x3;
	s30 =	simm.s32 $0x4  }
0x6: {  	s31 =	simm.s32 $0x0;
	s4 =	sand.u32 $0x1, s4;
	[smem:$0x7FF] =	sst s2  }
0x7: {  	s5 =	sshll.u32 s5, $0x8;
	s1 =	sadd.s32 $0x400, s1;
	s6 =	sshll.u32 s4, $0x7  }
0x8: {  	_ =	strace $0x80000047;
	s4 =	ssub.s32 $0x2, s4;
	s5 =	sor.u32 s6, s5  }
0x9: {  	[dreg:$0x4] =	wrdreg s1;
	s13 =	sshrl.u32 s4, $0x1;
	s15 =	sshrl.u32 s5, $0x3  }
0xa: {  	s1 =	ssub.s32 s4, s13;
	s14 =	sshll.u32 s5, $0x6;
	s16 =	sor.u32 $0x2, s15  }
0xb: {  	s4 =	sadd.s32 s0, s14;
	s18 =	smul.u32 $0x600, s15;
	s19 =	sor.u32 $0x4, s15  }
0xc: {  	s11 =	sor.u32 $0x6, s15;
	s21 =	sor.u32 $0x8, s15;
	s24 =	sor.u32 $0xC, s15  }
0xd: {  	[dreg:$0x5] =	wrdreg s4;
	s17 =	sshll.u32 s16, $0x9;
	s5 =	smul.u32 $0x600, s16  }
0xe: {  	s7 =	sshll.u32 s19, $0x9;
	s9 =	sshll.u32 s11, $0x9;
	s22 =	smul.u32 $0x600, s11  }
0xf: {  	s16 =	sor.u32 $0xA, s15;
	s23 =	sshll.u32 s21, $0x9;
	s26 =	sshll.u32 s24, $0x9  }
0x10: {  	s4 =	sadd.s32 s0, s17;
	s6 =	sadd.s32 s3, s18;
	s20 =	sadd.s32 s0, s7  }
0x11: {  	s9 =	sadd.s32 s0, s9;
	s13 =	sshll.u32 s16, $0x9;
	s11 =	sadd.s32 s0, s23  }
0x12: {  	s25 =	smul.u32 $0x600, s16;
	s17 =	sor.u32 $0xE, s15;
	[dreg:$0x6] =	wrdreg s4  }
0x13: {  	s15 =	sadd.s32 s0, s26;
	s23 =	simm.s32 $0x3E00;
	[dreg:$0x7] =	wrdreg s6  }
0x14: {  	v3 =	vlaneseq.u32;
	s26 =	simm.s32 $0x2;
	s4 =	smul.u32 $0x600, s19;
	[dreg:$0x8] =	wrdreg s20  }
0x15: {  	v0 =	vmul.u32 $0x6, v3;
	v3 =	vmul.u32 $0x3, v3;
	s8 =	sadd.s32 s3, s5;
	s12 =	sadd.s32 s3, s22;
	s13 =	sadd.s32 s0, s13  }
0x16: {  	s18 =	sshll.u32 s17, $0x9;
	s10 =	sadd.s32 s3, s4;
	s4 =	smul.u32 $0x600, s21  }
0x17: {  	v7 =	vadd.s32 $0x1, v3;
	[tilespmem:$0x1FFE0] =	vst v3;
	s19 =	smul.u32 $0x600, s17;
	s20 =	smax.u32 s1, $0x1;
	s22 =	simm.s32 $0x1E00  }
0x18: {  	[tilespmem:$0x1FFC0] =	vst v7;
	v7 =	vadd.s32 $0x2, v3;
	s16 =	sadd.s32 s3, s25;
	s14 =	sadd.s32 s3, s4;
	s4 =	smul.u32 $0x600, s24  }
0x19: {  	v1 =	vor.u32 $0x1, v0;
	v2 =	vadd.s32 $0x2, v0;
	v3 =	vadd.s32 $0x3, v3;
	[tilespmem:$0x1FFD0] =	vst v7;
	s17 =	sadd.s32 s0, s18;
	s25 =	simm.s32 $0x5E00;
	s19 =	sadd.s32 s3, s19  }
0x1a: {  	v4 =	vadd.s32 $0x3, v0;
	v5 =	vadd.s32 $0x4, v0;
	v6 =	vadd.s32 $0x5, v0;
	[tilespmem:$0x1FFF0] =	vst v3;
	s21 =	simm.s32 $0x5;
	s24 =	simm.s32 $0x1;
	s18 =	sadd.s32 s3, s4  }
.LBB2_1:
0x1b: {  	v10 =	vmov s2  }
0x1c: {  	v10 =	vmul.u32 $0x6, v10;
	_ =	sdelay $0x1  }
0x1d: {  	v10 =	vbroadcast v10, $0x0;
	_ =	sdelay $0x1  }
0x1e: {  	s0 =	rddreg [dreg:$0x4];
	v11 =	vadd.s32 v0, v10  }
0x1f: {  	[tilespmem:s2], [sflag:$0x5] =	stream.linear.gather [hbm4b:s0+s2], $0xC00, $0x38;
	v12 =	vadd.s32 v1, v10;
	[tilespmem:$0x11E00] =	vst v63  }
0x20: {  	_ =	swait.ge [sflag:s21], $0xC00;
	v13 =	vadd.s32 v2, v10  }
0x21: {  	[sflag:s21] =	ssyncset.done $0x0;
	v14 =	vadd.s32 v4, v10  }
0x22: {  	[sflag:s21] =	ssyncadd.s32 $0xFFFFF400;
	v15 =	vadd.s32 v5, v10  }
0x23: {  	v10 =	vadd.s32 v6, v10;
	v11 =	vld.idx.msk [tilespmem:v11+s2+$0x0], $0xffff  }
0x24: {  	v12 =	vld.idx.msk [tilespmem:v12+s2+$0x0], $0xffff  }
0x25: {  	v13 =	vld.idx.msk [tilespmem:v13+s2+$0x0], $0xffff  }
0x26: {  	v14 =	vld.idx.msk [tilespmem:v14+s2+$0x0], $0xffff  }
0x27: {  	v15 =	vld.idx.msk [tilespmem:v15+s2+$0x0], $0xffff  }
0x28: {  	v10 =	vld.idx.msk [tilespmem:v10+s2+$0x0], $0xffff  }
0x29: {  	v16 =	vmax.f32 v11, v12  }
0x2a: {  	v16 =	vmax.f32 v16, v13  }
0x2b: {  	v16 =	vmax.f32 v16, v14  }
0x2c: {  	v16 =	vmax.f32 v16, v15  }
0x2d: {  	v16 =	vmax.f32 v16, v10  }
0x2e: {  	v11 =	vsub.f32 v11, v16  }
0x2f: {  	v12 =	vsub.f32 v12, v16  }
0x30: {  	v11 =	vmul.f32 $1.442695020e+00, v11  }
0x31: {  	v13 =	vsub.f32 v13, v16;
	v12 =	vmul.f32 $1.442695020e+00, v12  }
0x32: {  	(erf) = vpow2.f32 v11  }
0x33: {  	v13 =	vmul.f32 $1.442695020e+00, v13;
	v11 =	vsub.f32 v14, v16;
	(erf) = vpow2.f32 v12;
	_ =	sdelay $0x1  }
0x34: {  	v12 =	vsub.f32 v15, v16;
	v11 =	vmul.f32 $1.442695020e+00, v11;
	(erf) = vpow2.f32 v13;
	_ =	sdelay $0x1  }
0x35: {  	v10 =	vsub.f32 v10, v16;
	v12 =	vmul.f32 $1.442695020e+00, v12;
	(erf) = vpow2.f32 v11;
	_ =	sdelay $0x1  }
0x36: {  	v10 =	vmul.f32 $1.442695020e+00, v10;
	(erf) = vpow2.f32 v12;
	_ =	sdelay $0x1  }
0x37: {  	v11 =	vpop (erf);
	(erf) = vpow2.f32 v10  }
0x38: {  	v12 =	vpop (erf)  }
0x39: {  	v18 =	vadd.f32 v12, v11  }
0x3a: {  	v13 =	vpop (erf)  }
0x3b: {  	v10 =	vadd.f32 v18, v13  }
0x3c: {  	v14 =	vpop (erf)  }
0x3d: {  	v10 =	vadd.f32 v10, v14  }
0x3e: {  	v15 =	vpop (erf)  }
0x3f: {  	v10 =	vadd.f32 v10, v15  }
0x40: {  	v19 =	vpop (erf)  }
0x41: {  	v10 =	vadd.f32 v10, v19;
	_ =	sdelay $0x1  }
0x42: {  	(erf) = vrcp.f32 v10  }
0x43: {  	v16 =	vsub.f32 $0.0e+00, v13  }
0x44: {  	v17 =	vsub.f32 v11, v12  }
0x45: {  	v16 =	vadd.f32 v16, v14;
	v10 =	vsub.f32 $0.0e+00, v11  }
0x46: {  	v17 =	vadd.f32 v17, v13  }
0x47: {  	v16 =	vsub.f32 v16, v15;
	v20 =	vadd.f32 v10, v12  }
0x48: {  	v10 =	vadd.f32 v13, v11;
	v11 =	vadd.f32 v14, v13  }
0x49: {  	v13 =	vsub.f32 v17, v14;
	v12 =	vadd.f32 v15, v12  }
0x4a: {  	v17 =	vadd.f32 v20, v15;
	v20 =	vadd.f32 v16, v19  }
0x4b: {  	s1 =	simm.s32 $0xC00;
	s3 =	simm.s32 $0x20;
	v14 =	vadd.f32 v19, v14;
	v16 =	vadd.f32 v19, v15;
	v15 =	vpop (erf)  }
0x4c: {  	s5 =	simm.s32 $0xC00;
	s4 =	simm.s32 $0x0;
	s0 =	simm.s32 $0x10;
	v17 =	vsub.f32 v17, v19;
	v19 =	vmul.f32 v15, v18;
	v18 =	vmul.f32 v15, v20  }
.LBB2_2:
0x4d: {  	p0 =	sne.s32 s3, $0x1F0  }
0x4e: {  	v20 =	vmov s0;
	v16 =	vmul.f32 v15, v16;
	s1 =	sadd.s32 $0x10, s1;
	s6 =	smov.u32 s3;
	s3 =	sadd.s32 $0x10, s3  }
0x4f: {  	v17 =	vmul.f32 v15, v17;
	s7 =	sand.u32 $0x1F0, s4;
	s4 =	smov.u32 s0;
	v20 =	vmul.u32 $0x6, v20;
	[tilespmem:s5+$0x0] =	vst v19;
	s0 =	smov.u32 s6  }
0x50: {  	v11 =	vmul.f32 v15, v11;
	v13 =	vmul.f32 v15, v13;
	s5 =	smov.u32 s1;
	[tilespmem:s7+$0x1C00] =	vst v18  }
0x51: {  	v10 =	vmul.f32 v15, v10;
	v18 =	vbroadcast v20, $0x0;
	[tilespmem:s7+$0x1A00] =	vst v17  }
0x52: {  	v14 =	vmul.f32 v15, v14;
	v12 =	vmul.f32 v15, v12;
	[tilespmem:s7+$0x1800] =	vst v13  }
0x53: {  	v13 =	vadd.s32 v0, v18;
	v15 =	vadd.s32 v1, v18;
	v17 =	vadd.s32 v2, v18;
	[tilespmem:s7+$0x1600] =	vst v10  }
0x54: {  	v10 =	vadd.s32 v4, v18;
	v19 =	vadd.s32 v5, v18;
	v18 =	vadd.s32 v6, v18;
	[tilespmem:s7+$0x1400] =	vst v12  }
0x55: {  	[tilespmem:s7+$0x1200] =	vst v14  }
0x56: {  	[tilespmem:s7+$0xE00] =	vst v11  }
0x57: {  	[tilespmem:s7+$0x1000] =	vst v16  }
0x58: {  	v11 =	vld.idx.msk [tilespmem:v13+s2+$0x0], $0xffff  }
0x59: {  	v12 =	vld.idx.msk [tilespmem:v15+s2+$0x0], $0xffff  }
0x5a: {  	v13 =	vld.idx.msk [tilespmem:v17+s2+$0x0], $0xffff  }
0x5b: {  	v10 =	vld.idx.msk [tilespmem:v10+s2+$0x0], $0xffff  }
0x5c: {  	v14 =	vld.idx.msk [tilespmem:v19+s2+$0x0], $0xffff  }
0x5d: {  	v15 =	vld.idx.msk [tilespmem:v18+s2+$0x0], $0xffff;
	_ =	sdelay $0x1  }
0x5e: {  	v16 =	vmax.f32 v11, v12  }
0x5f: {  	v16 =	vmax.f32 v16, v13  }
0x60: {  	v16 =	vmax.f32 v16, v10  }
0x61: {  	v16 =	vmax.f32 v16, v14  }
0x62: {  	v16 =	vmax.f32 v16, v15  }
0x63: {  	v11 =	vsub.f32 v11, v16;
	v12 =	vsub.f32 v12, v16  }
0x64: {  	v13 =	vsub.f32 v13, v16;
	v10 =	vsub.f32 v10, v16  }
0x65: {  	v14 =	vsub.f32 v14, v16;
	v11 =	vmul.f32 $1.442695020e+00, v11;
	v12 =	vmul.f32 $1.442695020e+00, v12  }
0x66: {  	v15 =	vsub.f32 v15, v16;
	v13 =	vmul.f32 $1.442695020e+00, v13;
	v10 =	vmul.f32 $1.442695020e+00, v10  }
0x67: {  	v14 =	vmul.f32 $1.442695020e+00, v14;
	(erf) = vpow2.f32 v11  }
0x68: {  	v11 =	vmul.f32 $1.442695020e+00, v15;
	(erf) = vpow2.f32 v12;
	_ =	sdelay $0x1  }
0x69: {  	(erf) = vpow2.f32 v13;
	_ =	sdelay $0x1  }
0x6a: {  	(erf) = vpow2.f32 v10;
	_ =	sdelay $0x1  }
0x6b: {  	(erf) = vpow2.f32 v14;
	_ =	sdelay $0x1  }
0x6c: {  	v10 =	vpop (erf);
	(erf) = vpow2.f32 v11  }
0x6d: {  	v3 =	vsub.f32 $0.0e+00, v10;
	v12 =	vpop (erf)  }
0x6e: {  	v18 =	vadd.f32 v12, v10;
	v13 =	vsub.f32 v10, v12  }
0x6f: {  	v14 =	vadd.f32 v3, v12;
	v11 =	vpop (erf)  }
0x70: {  	v15 =	vadd.f32 v18, v11;
	v16 =	vsub.f32 $0.0e+00, v11  }
0x71: {  	v10 =	vadd.f32 v11, v10;
	v13 =	vadd.f32 v13, v11;
	v19 =	vpop (erf)  }
0x72: {  	v15 =	vadd.f32 v15, v19;
	v16 =	vadd.f32 v16, v19  }
0x73: {  	v11 =	vadd.f32 v19, v11;
	v13 =	vsub.f32 v13, v19;
	v17 =	vpop (erf)  }
0x74: {  	v15 =	vadd.f32 v15, v17;
	v16 =	vsub.f32 v16, v17  }
0x75: {  	v12 =	vadd.f32 v17, v12;
	v14 =	vadd.f32 v14, v17;
	v20 =	vpop (erf)  }
0x76: {  	v15 =	vadd.f32 v15, v20;
	v21 =	vadd.f32 v16, v20  }
0x77: {  	v16 =	vadd.f32 v20, v17;
	v17 =	vsub.f32 v14, v20  }
0x78: {  	v14 =	vadd.f32 v20, v19;
	(erf) = vrcp.f32 v15;
	_ =	sdelay $0x5  }
.Ltmp0:
0x79: {  	(pc) =	sbr.rel @p0 .LBB2_2-.Ltmp0, $3  }
0x7a: {  	_ =	sdelay $0x1  }
0x7b: {  	v15 =	vpop (erf)  }
0x7c: {  	v19 =	vmul.f32 v15, v18;
	v18 =	vmul.f32 v15, v21  }
0x7d: {  	v20 =	vmov s0  }
0x7e: {  	v17 =	vmul.f32 v15, v17;
	s3 =	sand.u32 $0x1F0, s4;
	v20 =	vmul.u32 $0x6, v20;
	[tilespmem:s5+$0x0] =	vst v19  }
0x7f: {  	v13 =	vmul.f32 v15, v13;
	[tilespmem:s3+$0x1C00] =	vst v18  }
0x80: {  	v10 =	vmul.f32 v15, v10;
	[tilespmem:s3+$0x1A00] =	vst v17;
	v33 =	vbroadcast v20, $0x0  }
0x81: {  	v12 =	vmul.f32 v15, v12;
	[tilespmem:s3+$0x1800] =	vst v13  }
0x82: {  	v34 =	vmul.f32 v15, v14;
	[tilespmem:s3+$0x1600] =	vst v10;
	v35 =	vadd.s32 v0, v33  }
0x83: {  	v36 =	vmul.f32 v15, v11;
	[tilespmem:s3+$0x1400] =	vst v12;
	v37 =	vadd.s32 v1, v33  }
0x84: {  	v38 =	vmul.f32 v15, v16;
	[tilespmem:s3+$0x1200] =	vst v34;
	v39 =	vadd.s32 v2, v33  }
0x85: {  	[tilespmem:s3+$0xE00] =	vst v36;
	v40 =	vadd.s32 v4, v33  }
0x86: {  	[tilespmem:s3+$0x1000] =	vst v38;
	v41 =	vadd.s32 v5, v33  }
0x87: {  	v42 =	vadd.s32 v6, v33;
	v14 =	vld.idx.msk [tilespmem:v35+s2+$0x0], $0xffff  }
0x88: {  	v11 =	vld.idx.msk [tilespmem:v37+s2+$0x0], $0xffff  }
0x89: {  	v15 =	vld.idx.msk [tilespmem:v39+s2+$0x0], $0xffff  }
0x8a: {  	v13 =	vld.idx.msk [tilespmem:v40+s2+$0x0], $0xffff  }
0x8b: {  	v10 =	vld.idx.msk [tilespmem:v41+s2+$0x0], $0xffff  }
0x8c: {  	v12 =	vld.idx.msk [tilespmem:v42+s2+$0x0], $0xffff  }
0x8d: {  	v43 =	vmax.f32 v14, v11  }
0x8e: {  	v16 =	vmax.f32 v43, v15  }
0x8f: {  	v16 =	vmax.f32 v16, v13  }
0x90: {  	v16 =	vmax.f32 v16, v10  }
0x91: {  	v16 =	vmax.f32 v16, v12  }
0x92: {  	v14 =	vsub.f32 v14, v16  }
0x93: {  	v11 =	vsub.f32 v11, v16  }
0x94: {  	v14 =	vmul.f32 $1.442695020e+00, v14  }
0x95: {  	v15 =	vsub.f32 v15, v16;
	v11 =	vmul.f32 $1.442695020e+00, v11  }
0x96: {  	(erf) = vpow2.f32 v14  }
0x97: {  	v13 =	vsub.f32 v13, v16;
	v44 =	vmul.f32 $1.442695020e+00, v15;
	(erf) = vpow2.f32 v11;
	_ =	sdelay $0x1  }
0x98: {  	v10 =	vsub.f32 v10, v16;
	v45 =	vmul.f32 $1.442695020e+00, v13;
	(erf) = vpow2.f32 v44;
	_ =	sdelay $0x1  }
0x99: {  	v12 =	vsub.f32 v12, v16;
	v10 =	vmul.f32 $1.442695020e+00, v10;
	(erf) = vpow2.f32 v45;
	_ =	sdelay $0x1  }
0x9a: {  	v46 =	vmul.f32 $1.442695020e+00, v12;
	(erf) = vpow2.f32 v10;
	_ =	sdelay $0x1  }
0x9b: {  	v47 =	vpop (erf);
	(erf) = vpow2.f32 v46  }
0x9c: {  	v48 =	vpop (erf)  }
0x9d: {  	v49 =	vadd.f32 v48, v47  }
0x9e: {  	v50 =	vpop (erf)  }
0x9f: {  	v51 =	vadd.f32 v49, v50  }
0xa0: {  	v52 =	vpop (erf)  }
0xa1: {  	v14 =	vadd.f32 v51, v52  }
0xa2: {  	v53 =	vpop (erf)  }
0xa3: {  	v14 =	vadd.f32 v14, v53  }
0xa4: {  	v54 =	vpop (erf)  }
0xa5: {  	v14 =	vadd.f32 v14, v54;
	_ =	sdelay $0x1  }
0xa6: {  	(erf) = vrcp.f32 v14;
	_ =	sdelay $0x2  }
0xa7: {  	v55 =	vsub.f32 $0.0e+00, v50  }
0xa8: {  	v56 =	vsub.f32 $0.0e+00, v47  }
0xa9: {  	v14 =	vadd.f32 v55, v52  }
0xaa: {  	v18 =	vadd.f32 v56, v48  }
0xab: {  	v57 =	vsub.f32 v47, v48;
	v14 =	vsub.f32 v14, v53  }
0xac: {  	v18 =	vadd.f32 v18, v53  }
0xad: {  	v19 =	vadd.f32 v57, v50;
	v14 =	vadd.f32 v14, v54;
	v58 =	vpop (erf)  }
0xae: {  	v18 =	vsub.f32 v18, v54;
	v12 =	vmul.f32 v58, v49  }
0xaf: {  	s1 =	sadd.s32 $0x10, s1;
	v19 =	vsub.f32 v19, v52;
	v14 =	vmul.f32 v58, v14  }
0xb0: {  	s5 =	sand.u32 $0x1F0, s0;
	v10 =	vadd.f32 v50, v47;
	v18 =	vmul.f32 v58, v18;
	[tilespmem:s1+$0x0] =	vst v12  }
0xb1: {  	v11 =	vadd.f32 v53, v48;
	v59 =	vmul.f32 v58, v19;
	[tilespmem:s5+$0x1C00] =	vst v14  }
0xb2: {  	v13 =	vadd.f32 v52, v50;
	v10 =	vmul.f32 v58, v10;
	[tilespmem:s5+$0x1A00] =	vst v18  }
0xb3: {  	v61 =	vadd.f32 v54, v53;
	v11 =	vmul.f32 v58, v11;
	[tilespmem:s5+$0x1800] =	vst v59  }
0xb4: {  	v60 =	vadd.f32 v54, v52;
	v62 =	vmul.f32 v58, v13;
	[tilespmem:s5+$0x1600] =	vst v10  }
0xb5: {  	v63 =	vmul.f32 v58, v61;
	[tilespmem:s5+$0x1400] =	vst v11  }
0xb6: {  	v14 =	vmul.f32 v58, v60;
	[tilespmem:s5+$0xE00] =	vst v62  }
0xb7: {  	[tilespmem:s5+$0x1000] =	vst v63  }
0xb8: {  	s6 =	rddreg [dreg:$0x5];
	s0 =	simm.s32 $0x0;
	[tilespmem:s5+$0x1200] =	vst v14  }
0xb9: {  	[tilespmem:s22], [sflag:$0x1] =	stream.linear.gather [hbm4b:s6+s0], $0x2000, $0x38;
	[tilespmem:$0x11E00] =	vst v63  }
0xba: {  	s7 =	rddreg [dreg:$0x6]  }
0xbb: {  	[tilespmem:s23], [sflag:$0x2] =	stream.linear.gather [hbm4b:s7+s0], $0x2000, $0x38;
	[tilespmem:$0x11E00] =	vst v63  }
0xbc: {  	_ =	swait.ge [sflag:s24], $0x2000  }
0xbd: {  	[sflag:s24] =	ssyncset.done $0x0  }
0xbe: {  	s1 =	simm.s32 $0x0;
	[sflag:s24] =	ssyncadd.s32 $0xFFFFE000  }
.LBB2_4:
0xbf: {  	s3 =	sshll.u32 s1, $0x4  }
0xc0: {  	v3 =	vld [tilespmem:$0x1FFC0];
	v10 =	vmov s3  }
0xc1: {  	v10 =	vmul.u32 $0x3, v10;
	_ =	sdelay $0x1  }
0xc2: {  	v19 =	vbroadcast v10, $0x0;
	_ =	sdelay $0x1  }
0xc3: {  	v10 =	vadd.s32 v3, v19;
	v3 =	vld [tilespmem:$0x1FFD0];
	_ =	sdelay $0x1  }
0xc4: {  	s4 =	simm.s32 $0x1  }
0xc5: {  	v16 =	vmov s4  }
0xc6: {  	v25 =	vshrl.u32 v16, $0x3  }
0xc7: {  	v16 =	vshll.u32 v16, $0x7;
	v22 =	vshll.u32 v10, $0x3;
	v12 =	vadd.s32 v3, v19;
	v3 =	vld [tilespmem:$0x1FFF0]  }
0xc8: {  	v20 =	vshll.u32 v25, $0xC;
	v11 =	vand.u32 $0x7F, v10;
	v13 =	vand.u32 $0xC00, v22  }
0xc9: {  	s7 =	simm.s32 $0x2;
	v23 =	vshll.u32 v12, $0x3;
	v10 =	vand.u32 $0x7F, v12;
	v12 =	vor.u32 v13, v11  }
0xca: {  	s6 =	simm.s32 $0x3;
	v55 =	vmov s7;
	v27 =	vand.u32 $0x380, v16;
	v18 =	vor.u32 v12, v20  }
0xcb: {  	v53 =	vmov s6;
	v59 =	vshrl.u32 v55, $0x3;
	v26 =	vor.u32 v27, v18  }
0xcc: {  	v25 =	vmul.u32 $0x3000, v25;
	v15 =	vand.u32 $0xC00, v23;
	v14 =	vadd.s32 v3, v19  }
0xcd: {  	v62 =	vshll.u32 v59, $0xC;
	v13 =	vor.u32 v15, v10;
	v3 =	vld [tilespmem:$0x1FFE0];
	v15 =	vshll.u32 v14, $0x3  }
0xce: {  	v23 =	vand.u32 $0x7FFFFC00, v23;
	v14 =	vand.u32 $0x7F, v14;
	v15 =	vand.u32 $0xC00, v15  }
0xcf: {  	v7 =	vor.u32 v13, v62;
	v14 =	vor.u32 v15, v14;
	v15 =	vmov s0  }
0xd0: {  	v35 =	vld.idx.msk [tilespmem:v26+s22+$0x0], $0xffff;
	v26 =	vand.u32 $0x7FFFFC00, v22;
	v21 =	vshrl.u32 v15, $0x3;
	v16 =	vor.u32 v14, v20  }
0xd1: {  	v17 =	vld [tilespmem:s3+$0xC00];
	s3 =	sand.u32 $0x1F0, s3;
	v15 =	vshll.u32 v15, $0x7;
	v24 =	vshll.u32 v21, $0xC;
	v30 =	vor.u32 v27, v16  }
0xd2: {  	v18 =	vld [tilespmem:s3+$0x1000];
	v29 =	vand.u32 $0x300, v15;
	v15 =	vor.u32 v13, v20;
	v19 =	vadd.s32 v3, v19  }
0xd3: {  	v16 =	vld [tilespmem:s3+$0x1200];
	v34 =	vmul.u32 $0x3000, v21;
	v28 =	vor.u32 v14, v24;
	v32 =	vor.u32 v27, v15  }
0xd4: {  	v20 =	vld [tilespmem:s3+$0x1600];
	v31 =	vor.u32 v13, v24;
	v24 =	vor.u32 v12, v24;
	v28 =	vor.u32 v29, v28  }
0xd5: {  	v15 =	vld [tilespmem:s3+$0x1A00];
	v21 =	vand.u32 $0x7F, v19;
	v19 =	vshll.u32 v19, $0x3;
	v31 =	vor.u32 v29, v31  }
0xd6: {  	v33 =	vor.u32 v29, v24;
	v24 =	vand.u32 $0x7FFFFC00, v19;
	v19 =	vadd.s32 v23, v34;
	v37 =	vld.idx.msk [tilespmem:v30+s22+$0x0], $0xffff  }
0xd7: {  	v8 =	vor.u32 v14, v62;
	v22 =	vadd.s32 v24, v34;
	v19 =	vor.u32 v29, v19;
	v30 =	vld [tilespmem:s3+$0xE00]  }
0xd8: {  	v40 =	vmul.f32 v35, v17;
	v63 =	vor.u32 v29, v22;
	v22 =	vadd.s32 v24, v25;
	v38 =	vld.idx.msk [tilespmem:v32+s22+$0x0], $0xffff  }
0xd9: {  	v19 =	vor.u32 v10, v19;
	v22 =	vor.u32 v27, v22;
	v47 =	vmul.f32 v35, v16;
	v36 =	vld.idx.msk [tilespmem:v28+s22+$0x0], $0xffff  }
0xda: {  	v39 =	vld.idx.msk [tilespmem:v31+s22+$0x0], $0xffff;
	v31 =	vadd.s32 v23, v25;
	v28 =	vadd.s32 v26, v34;
	v34 =	vor.u32 v21, v22  }
0xdb: {  	v33 =	vld.idx.msk [tilespmem:v33+s22+$0x0], $0xffff;
	v22 =	vor.u32 v29, v28;
	v29 =	vadd.s32 v26, v25;
	v41 =	vmul.f32 v37, v35  }
0xdc: {  	v31 =	vor.u32 v27, v31;
	v43 =	vmul.f32 v37, v20;
	v42 =	vmul.f32 v37, v18  }
0xdd: {  	v28 =	vld [tilespmem:s3+$0x1400];
	v22 =	vor.u32 v11, v22;
	v46 =	vmul.f32 v38, v35;
	v58 =	vmul.f32 v38, v30  }
0xde: {  	v25 =	vld [tilespmem:s3+$0x1800];
	v44 =	vor.u32 v27, v29;
	v61 =	vmul.f32 v37, v38;
	v45 =	vmul.f32 v36, v20  }
0xdf: {  	v27 =	vor.u32 v21, v63;
	v41 =	vmul.f32 v41, v15;
	v48 =	vmul.f32 v36, v18  }
0xe0: {  	v31 =	vor.u32 v10, v31;
	v50 =	vmul.f32 v36, v33;
	v51 =	vmul.f32 v33, v17  }
0xe1: {  	v29 =	vld [tilespmem:s3+$0x1C00];
	v56 =	vor.u32 v11, v44;
	v44 =	vmul.f32 v39, v30;
	v3 =	vmul.f32 v33, v16  }
0xe2: {  	v49 =	vadd.f32 v39, v33;
	v33 =	vmul.f32 v39, v33;
	v52 =	vmul.f32 v39, v28  }
0xe3: {  	v46 =	vmul.f32 v46, v25;
	v40 =	vadd.f32 v58, v40;
	v58 =	vmul.u32 $0x3000, v59  }
0xe4: {  	v59 =	vadd.f32 v38, v35;
	v32 =	vadd.f32 v36, v49;
	v36 =	vmul.f32 v36, v39  }
0xe5: {  	v49 =	vmul.f32 v38, v28;
	v50 =	vmul.f32 v50, v15;
	v44 =	vadd.f32 v44, v51  }
0xe6: {  	v9 =	vadd.f32 v41, v46;
	v41 =	vshll.u32 v55, $0x7;
	v55 =	vmul.f32 v61, v29  }
0xe7: {  	v46 =	vor.u32 v12, v62;
	v40 =	vadd.f32 v42, v40;
	v35 =	vadd.s32 v24, v58  }
0xe8: {  	v42 =	vadd.s32 v23, v58;
	v3 =	vadd.f32 v52, v3;
	v59 =	vadd.f32 v37, v59  }
0xe9: {  	v54 =	vmul.f32 v36, v29;
	v36 =	vshrl.u32 v53, $0x3;
	v61 =	vand.u32 $0x300, v41  }
0xea: {  	v53 =	vshll.u32 v53, $0x7;
	v57 =	vshll.u32 v36, $0xC;
	v8 =	vor.u32 v61, v8  }
0xeb: {  	v53 =	vand.u32 $0x380, v53;
	v7 =	vor.u32 v61, v7;
	v60 =	vor.u32 v12, v57  }
0xec: {  	v38 =	vadd.f32 v49, v47;
	v63 =	vor.u32 v14, v57;
	v39 =	vor.u32 v53, v60  }
0xed: {  	v46 =	vor.u32 v61, v46;
	v57 =	vor.u32 v13, v57;
	v41 =	vor.u32 v53, v63  }
0xee: {  	v42 =	vor.u32 v61, v42;
	[tilespmem:v34+s25+$0x0] =	vst.idx.msk $0xffff, v40;
	v57 =	vor.u32 v53, v57;
	v60 =	vmul.u32 $0x3000, v36  }
0xef: {  	v62 =	vor.u32 v61, v35;
	v3 =	vadd.f32 v45, v3;
	v9 =	vadd.f32 v9, v55;
	v8 =	vld.idx.msk [tilespmem:v8+s22+$0x0], $0xffff  }
0xf0: {  	v40 =	vsub.f32 v59, v40;
	v35 =	vor.u32 v10, v42;
	v51 =	vadd.s32 v24, v60;
	v42 =	vld.idx.msk [tilespmem:v7+s22+$0x0], $0xffff  }
0xf1: {  	v36 =	vmul.f32 v33, v25;
	v63 =	vor.u32 v53, v51;
	v51 =	vadd.s32 v26, v58;
	v34 =	vld.idx.msk [tilespmem:v39+s22+$0x0], $0xffff  }
0xf2: {  	v49 =	vadd.s32 v23, v60;
	v58 =	vadd.f32 v43, v38;
	v7 =	vor.u32 v61, v51;
	v33 =	vld.idx.msk [tilespmem:v41+s22+$0x0], $0xffff  }
0xf3: {  	v41 =	vadd.f32 v48, v44;
	v48 =	vadd.f32 v50, v36;
	v39 =	vld.idx.msk [tilespmem:v57+s22+$0x0], $0xffff;
	v36 =	vor.u32 v21, v63  }
0xf4: {  	v57 =	vadd.s32 v26, v60;
	v44 =	vld.idx.msk [tilespmem:v46+s22+$0x0], $0xffff;
	v43 =	vor.u32 v11, v7;
	v9 =	vadd.f32 v9, v58  }
0xf5: {  	v58 =	vor.u32 v53, v49;
	v60 =	vor.u32 v53, v57;
	v37 =	vmul.f32 v8, v20  }
0xf6: {  	v53 =	vor.u32 v21, v62;
	v49 =	vmul.f32 v42, v28;
	v59 =	vmul.f32 v8, v42  }
0xf7: {  	v57 =	vsub.f32 v40, v9;
	v46 =	vmul.f32 v34, v17;
	v7 =	vmul.f32 v33, v34  }
0xf8: {  	[tilespmem:v56+s25+$0x0] =	vst.idx.msk $0xffff, v9;
	v38 =	vmul.f32 v33, v20;
	v47 =	vmul.f32 v33, v18  }
0xf9: {  	v61 =	vmul.f32 v39, v34;
	v45 =	vmul.f32 v34, v16;
	v63 =	vadd.f32 v42, v44  }
0xfa: {  	v52 =	vmul.f32 v8, v44;
	v51 =	vmul.f32 v7, v15;
	v7 =	vadd.f32 v48, v54  }
0xfb: {  	v40 =	vor.u32 v11, v60;
	v50 =	vmul.f32 v44, v17;
	v48 =	vmul.f32 v8, v18  }
0xfc: {  	s3 =	simm.s32 $0x4;
	v55 =	vadd.f32 v8, v63;
	v56 =	vmul.f32 v61, v25;
	v54 =	vadd.f32 v7, v3  }
.LBB2_5:
0xfd: {  	s4 =	sadd.s32 $0x1, s3  }
0xfe: {  	p0 =	slt.u32 s3, $0xE;
	v3 =	vmul.f32 v42, v30;
	v7 =	vmul.f32 v39, v28;
	v8 =	vsub.f32 v32, v41;
	v32 =	vmovc v55;
	s5 =	smov.u32 s3;
	s3 =	sadd.s32 $0x2, s3  }
0xff: {  	v9 =	vmov s4;
	v55 =	vmul.f32 v59, v29;
	[tilespmem:v31+s25+$0x0] =	vst.idx.msk $0xffff, v57;
	v31 =	vor.u32 v10, v58  }
0x100: {  	v57 =	vshrl.u32 v9, $0x3;
	v9 =	vshll.u32 v9, $0x7;
	v8 =	vsub.f32 v8, v54;
	[tilespmem:v27+s25+$0x0] =	vst.idx.msk $0xffff, v41;
	v27 =	vmovc v53  }
0x101: {  	v58 =	vmul.f32 v39, v30;
	v41 =	vmov s5;
	v53 =	vshll.u32 v57, $0xC;
	[tilespmem:v22+s25+$0x0] =	vst.idx.msk $0xffff, v54;
	v22 =	vmovc v43  }
0x102: {  	v59 =	vmul.f32 v33, v39;
	v43 =	vshrl.u32 v41, $0x3;
	v54 =	vor.u32 v12, v53;
	[tilespmem:v19+s25+$0x0] =	vst.idx.msk $0xffff, v8  }
0x103: {  	v61 =	vmul.f32 v44, v16;
	v8 =	vshll.u32 v43, $0xC;
	v60 =	vor.u32 v14, v53;
	v19 =	vmovc v35  }
0x104: {  	v51 =	vadd.f32 v51, v56;
	v35 =	vor.u32 v13, v8;
	v62 =	vor.u32 v14, v8  }
0x105: {  	v41 =	vshll.u32 v41, $0x7;
	v9 =	vand.u32 $0x380, v9;
	v56 =	vmul.f32 v59, v29  }
0x106: {  	v42 =	vmul.f32 v42, v44;
	v53 =	vor.u32 v13, v53;
	v8 =	vor.u32 v12, v8  }
0x107: {  	v44 =	vmul.f32 v52, v15;
	v59 =	vand.u32 $0x300, v41;
	v41 =	vor.u32 v9, v54  }
0x108: {  	v46 =	vadd.f32 v58, v46;
	v52 =	vor.u32 v9, v60;
	v8 =	vor.u32 v59, v8  }
0x109: {  	v43 =	vmul.u32 $0x3000, v43;
	v54 =	vor.u32 v59, v35;
	v58 =	vor.u32 v59, v62  }
0x10a: {  	v53 =	vor.u32 v9, v53;
	v60 =	vadd.f32 v47, v46;
	v62 =	vadd.f32 v39, v34  }
0x10b: {  	v46 =	vmul.u32 $0x3000, v57;
	v35 =	vadd.s32 v24, v43;
	v34 =	vadd.s32 v23, v43  }
0x10c: {  	v3 =	vadd.f32 v3, v50;
	v39 =	vor.u32 v59, v34;
	v34 =	vld.idx.msk [tilespmem:v41+s22+$0x0], $0xffff;
	[tilespmem:v36+s25+$0x0] =	vst.idx.msk $0xffff, v60  }
0x10d: {  	v57 =	vor.u32 v59, v35;
	v35 =	vor.u32 v10, v39;
	v36 =	vmul.f32 v42, v25;
	v50 =	vld.idx.msk [tilespmem:v52+s22+$0x0], $0xffff  }
0x10e: {  	v42 =	vadd.s32 v24, v46;
	v41 =	vadd.f32 v48, v3;
	v3 =	vadd.f32 v7, v45;
	v63 =	vld.idx.msk [tilespmem:v58+s22+$0x0], $0xffff  }
0x10f: {  	v7 =	vor.u32 v9, v42;
	v45 =	vadd.f32 v44, v36;
	v39 =	vld.idx.msk [tilespmem:v53+s22+$0x0], $0xffff;
	v53 =	vadd.s32 v23, v46  }
0x110: {  	v43 =	vadd.s32 v26, v43;
	v36 =	vor.u32 v21, v7;
	v7 =	vadd.f32 v49, v61;
	v42 =	vld.idx.msk [tilespmem:v54+s22+$0x0], $0xffff  }
0x111: {  	v48 =	vadd.s32 v26, v46;
	v3 =	vadd.f32 v38, v3;
	v44 =	vld.idx.msk [tilespmem:v8+s22+$0x0], $0xffff;
	v8 =	vor.u32 v59, v43  }
0x112: {  	v7 =	vadd.f32 v37, v7;
	v46 =	vmul.f32 v34, v17;
	v43 =	vor.u32 v11, v8  }
0x113: {  	v49 =	vadd.f32 v51, v56;
	v8 =	vmul.f32 v50, v34;
	v38 =	vmul.f32 v50, v20  }
0x114: {  	v52 =	vadd.f32 v33, v62;
	v61 =	vor.u32 v9, v48;
	v47 =	vmul.f32 v50, v18;
	v33 =	vmovc v50  }
0x115: {  	v37 =	vmul.f32 v63, v20;
	v51 =	vmul.f32 v8, v15;
	v8 =	vadd.f32 v45, v55  }
0x116: {  	v3 =	vadd.f32 v49, v3;
	v56 =	vmul.f32 v39, v34;
	v45 =	vmul.f32 v34, v16  }
.Ltmp1:
0x117: {  	v49 =	vsub.f32 v52, v60;
	v48 =	vmul.f32 v63, v18;
	v55 =	vadd.f32 v42, v44;
	(pc) =	sbr.rel @p0 .LBB2_5-.Ltmp1, $4  }
0x118: {  	v58 =	vor.u32 v9, v53;
	v52 =	vmul.f32 v63, v44;
	v54 =	vadd.f32 v8, v7  }
0x119: {  	v53 =	vor.u32 v21, v57;
	v57 =	vsub.f32 v49, v3;
	v50 =	vmul.f32 v44, v17  }
0x11a: {  	v49 =	vmul.f32 v42, v28;
	v55 =	vadd.f32 v63, v55;
	[tilespmem:v40+s25+$0x0] =	vst.idx.msk $0xffff, v3  }
0x11b: {  	v59 =	vmul.f32 v63, v42;
	v56 =	vmul.f32 v56, v25;
	v40 =	vor.u32 v11, v61  }
0x11c: {  	v3 =	vmul.f32 v42, v30;
	v7 =	vmul.f32 v39, v28;
	v8 =	vsub.f32 v32, v41  }
0x11d: {  	v9 =	vor.u32 v10, v58;
	v58 =	vmul.f32 v39, v30;
	v11 =	vmul.f32 v33, v39  }
0x11e: {  	v13 =	vmul.f32 v44, v16;
	v60 =	vmul.f32 v42, v44;
	v17 =	vadd.f32 v39, v34  }
0x11f: {  	v15 =	vmul.f32 v52, v15;
	v14 =	vadd.f32 v51, v56;
	v8 =	vsub.f32 v8, v54  }
0x120: {  	[tilespmem:v31+s25+$0x0] =	vst.idx.msk $0xffff, v57;
	v10 =	vadd.f32 v58, v46;
	v3 =	vadd.f32 v3, v50  }
0x121: {  	v11 =	vmul.f32 v11, v29;
	v7 =	vadd.f32 v7, v45;
	v61 =	vadd.f32 v33, v17  }
0x122: {  	v16 =	vmul.f32 v60, v25;
	v13 =	vadd.f32 v49, v13;
	v10 =	vadd.f32 v47, v10  }
0x123: {  	[tilespmem:v27+s25+$0x0] =	vst.idx.msk $0xffff, v41;
	v7 =	vadd.f32 v38, v7;
	v11 =	vadd.f32 v14, v11  }
0x124: {  	v12 =	vmul.f32 v59, v29;
	v3 =	vadd.f32 v48, v3;
	v15 =	vadd.f32 v15, v16  }
0x125: {  	[tilespmem:v22+s25+$0x0] =	vst.idx.msk $0xffff, v54;
	v7 =	vadd.f32 v11, v7;
	v62 =	vsub.f32 v61, v10  }
0x126: {  	s1 =	sadd.s32 $0x1, s1;
	[tilespmem:v19+s25+$0x0] =	vst.idx.msk $0xffff, v8;
	v8 =	vadd.f32 v37, v13;
	v12 =	vadd.f32 v15, v12  }
0x127: {  	p0 =	sne.s32 s1, $0x20;
	[tilespmem:v36+s25+$0x0] =	vst.idx.msk $0xffff, v10;
	v63 =	vsub.f32 v62, v7  }
.Ltmp2:
0x128: {  	v8 =	vadd.f32 v12, v8;
	[tilespmem:v40+s25+$0x0] =	vst.idx.msk $0xffff, v7;
	v7 =	vsub.f32 v55, v3;
	(pc) =	sbr.rel @p0 .LBB2_4-.Ltmp2, $4  }
0x129: {  	[tilespmem:v53+s25+$0x0] =	vst.idx.msk $0xffff, v3  }
0x12a: {  	[tilespmem:v9+s25+$0x0] =	vst.idx.msk $0xffff, v63;
	v7 =	vsub.f32 v7, v8  }
0x12b: {  	[tilespmem:v43+s25+$0x0] =	vst.idx.msk $0xffff, v8  }
0x12c: {  	[tilespmem:v35+s25+$0x0] =	vst.idx.msk $0xffff, v7  }
0x12d: {  	s0 =	simm.s32 $0x0;
	s1 =	rddreg [dreg:$0x7]  }
0x12e: {  	[hbm4b:s1+s0] =	stream.linear.scatter [tilespmem:s25], [sflag:$0x3], $0x6000, $0x38;
	[tilespmem:$0x11E00] =	vst v63  }
0x12f: {  	s7 =	rddreg [dreg:$0x8]  }
0x130: {  	[tilespmem:s22], [sflag:$0x1] =	stream.linear.gather [hbm4b:s7+s0], $0x2000, $0x38;
	[tilespmem:$0x11E00] =	vst v63  }
0x131: {  	_ =	swait.ge [sflag:s26], $0x2000  }
0x132: {  	[sflag:s26] =	ssyncset.done $0x0  }
0x133: {  	s1 =	simm.s32 $0x0;
	[sflag:s26] =	ssyncadd.s32 $0xFFFFE000  }
.LBB2_8:
0x134: {  	s3 =	sshll.u32 s1, $0x4;
	v7 =	vld [tilespmem:$0x1FFC0]  }
0x135: {  	v8 =	vld [tilespmem:$0x1FFD0];
	v3 =	vmov s3  }
0x136: {  	v9 =	vld [tilespmem:$0x1FFF0];
	v3 =	vmul.u32 $0x3, v3;
	_ =	sdelay $0x1  }
0x137: {  	v3 =	vbroadcast v3, $0x0  }
0x138: {  	s4 =	simm.s32 $0x1  }
0x139: {  	v15 =	vmov s4;
	v8 =	vadd.s32 v8, v3  }
0x13a: {  	v7 =	vadd.s32 v7, v3;
	v9 =	vadd.s32 v9, v3;
	v19 =	vshll.u32 v8, $0x3  }
0x13b: {  	v11 =	vand.u32 $0x7F, v7;
	v10 =	vand.u32 $0x7F, v8;
	v8 =	vand.u32 $0xC00, v19  }
0x13c: {  	v7 =	vshll.u32 v7, $0x3;
	v13 =	vor.u32 v8, v10;
	v8 =	vshll.u32 v9, $0x3  }
0x13d: {  	v12 =	vand.u32 $0xC00, v7;
	v9 =	vand.u32 $0x7F, v9;
	v8 =	vand.u32 $0xC00, v8  }
0x13e: {  	v12 =	vor.u32 v12, v11;
	v14 =	vor.u32 v8, v9;
	v8 =	vshrl.u32 v15, $0x3  }
0x13f: {  	v9 =	vmov s0;
	v15 =	vshll.u32 v15, $0x7;
	v20 =	vshll.u32 v8, $0xC  }
0x140: {  	v21 =	vshrl.u32 v9, $0x3;
	v27 =	vand.u32 $0x380, v15;
	v9 =	vshll.u32 v9, $0x7  }
0x141: {  	v16 =	vor.u32 v12, v20;
	v22 =	vshll.u32 v21, $0xC;
	v15 =	vor.u32 v14, v20  }
0x142: {  	v17 =	vld [tilespmem:s3+$0xC00];
	s3 =	sand.u32 $0x1F0, s3;
	v9 =	vand.u32 $0x300, v9;
	v23 =	vor.u32 v27, v16;
	v24 =	vor.u32 v14, v22  }
0x143: {  	s7 =	simm.s32 $0x2;
	v18 =	vld [tilespmem:s3+$0x1000];
	v25 =	vor.u32 v27, v15;
	v26 =	vor.u32 v9, v24;
	v24 =	vor.u32 v13, v22  }
0x144: {  	s6 =	simm.s32 $0x3;
	v51 =	vmov s7;
	v29 =	vor.u32 v9, v24;
	v24 =	vld [tilespmem:$0x1FFE0]  }
0x145: {  	v50 =	vmov s6;
	v55 =	vshrl.u32 v51, $0x3;
	v16 =	vld [tilespmem:s3+$0x1200];
	v15 =	vor.u32 v13, v20  }
0x146: {  	v58 =	vshll.u32 v55, $0xC;
	v55 =	vmul.u32 $0x3000, v55;
	v20 =	vld [tilespmem:s3+$0x1600];
	v28 =	vor.u32 v27, v15  }
0x147: {  	v61 =	vor.u32 v13, v58;
	v8 =	vmul.u32 $0x3000, v8;
	v22 =	vor.u32 v12, v22;
	v33 =	vld.idx.msk [tilespmem:v23+s23+$0x0], $0xffff  }
0x148: {  	v62 =	vor.u32 v14, v58;
	v30 =	vmul.u32 $0x3000, v21;
	v22 =	vor.u32 v9, v22;
	v37 =	vld.idx.msk [tilespmem:v25+s23+$0x0], $0xffff  }
0x149: {  	v23 =	vand.u32 $0x7FFFFC00, v19;
	v31 =	vld.idx.msk [tilespmem:v26+s23+$0x0], $0xffff;
	v26 =	vand.u32 $0x7FFFFC00, v7;
	v3 =	vadd.s32 v24, v3  }
0x14a: {  	v15 =	vld [tilespmem:s3+$0x1A00];
	v32 =	vadd.s32 v23, v8;
	v21 =	vand.u32 $0x7F, v3;
	v3 =	vshll.u32 v3, $0x3  }
0x14b: {  	v34 =	vld.idx.msk [tilespmem:v28+s23+$0x0], $0xffff;
	v25 =	vadd.s32 v26, v30;
	v47 =	vor.u32 v27, v32;
	v24 =	vand.u32 $0x7FFFFC00, v3  }
0x14c: {  	v28 =	vld [tilespmem:s3+$0x1400];
	v3 =	vadd.s32 v23, v30;
	v7 =	vadd.s32 v24, v30;
	v38 =	vmul.f32 v33, v17  }
0x14d: {  	v35 =	vld.idx.msk [tilespmem:v29+s23+$0x0], $0xffff;
	v3 =	vor.u32 v9, v3;
	v29 =	vmul.f32 v37, v33;
	v40 =	vmul.f32 v37, v20  }
0x14e: {  	v36 =	vld.idx.msk [tilespmem:v22+s23+$0x0], $0xffff;
	v42 =	vmul.f32 v33, v16;
	v7 =	vor.u32 v9, v7;
	v19 =	vor.u32 v10, v3  }
0x14f: {  	v3 =	vadd.s32 v24, v8;
	v9 =	vor.u32 v9, v25;
	v45 =	vmul.f32 v31, v20  }
0x150: {  	v8 =	vadd.s32 v26, v8;
	v41 =	vmul.f32 v34, v33;
	v43 =	vmul.f32 v31, v18  }
0x151: {  	v49 =	vmul.f32 v34, v28;
	v57 =	vmul.f32 v37, v34;
	v3 =	vor.u32 v27, v3  }
0x152: {  	v30 =	vld [tilespmem:s3+$0xE00];
	v22 =	vor.u32 v11, v9;
	v9 =	vmul.f32 v37, v18;
	v8 =	vor.u32 v27, v8  }
0x153: {  	v25 =	vld [tilespmem:s3+$0x1800];
	v39 =	vmul.f32 v29, v15;
	v44 =	vadd.f32 v35, v36;
	v46 =	vmul.f32 v31, v36  }
0x154: {  	v29 =	vld [tilespmem:s3+$0x1C00];
	v27 =	vor.u32 v21, v7;
	v7 =	vmul.f32 v35, v28;
	v60 =	vmul.f32 v36, v16  }
0x155: {  	v48 =	vmul.f32 v36, v17;
	v36 =	vmul.f32 v35, v36;
	v3 =	vor.u32 v21, v3  }
0x156: {  	v32 =	vadd.f32 v31, v44;
	v31 =	vmul.f32 v31, v35;
	v7 =	vadd.f32 v7, v60  }
0x157: {  	v8 =	vor.u32 v11, v8;
	v44 =	vmul.f32 v35, v30;
	v54 =	vmul.f32 v34, v30  }
0x158: {  	v41 =	vmul.f32 v41, v25;
	v36 =	vmul.f32 v36, v25;
	v7 =	vadd.f32 v45, v7  }
0x159: {  	v52 =	vmul.f32 v31, v29;
	v31 =	vor.u32 v10, v47;
	v47 =	vshrl.u32 v50, $0x3  }
0x15a: {  	v50 =	vshll.u32 v50, $0x7;
	v38 =	vadd.f32 v54, v38;
	v44 =	vadd.f32 v44, v48  }
0x15b: {  	v53 =	vshll.u32 v47, $0xC;
	v63 =	vadd.f32 v39, v41;
	v39 =	vshll.u32 v51, $0x7  }
0x15c: {  	v50 =	vand.u32 $0x380, v50;
	v51 =	vmul.f32 v57, v29;
	v41 =	vor.u32 v12, v58  }
0x15d: {  	v56 =	vor.u32 v12, v53;
	v59 =	vor.u32 v14, v53;
	v53 =	vor.u32 v13, v53  }
0x15e: {  	v57 =	vand.u32 $0x300, v39;
	v39 =	vmul.f32 v46, v15;
	v35 =	vor.u32 v50, v56  }
0x15f: {  	v9 =	vadd.f32 v9, v38;
	v46 =	vor.u32 v57, v41;
	v41 =	vor.u32 v50, v59  }
0x160: {  	v38 =	vmul.u32 $0x3000, v47;
	v54 =	vor.u32 v57, v61;
	v56 =	vor.u32 v57, v62  }
0x161: {  	v53 =	vor.u32 v50, v53;
	v61 =	vadd.s32 v24, v55;
	v62 =	vadd.s32 v23, v55  }
0x162: {  	[tilespmem:v3+s28+$0x0] =	vst.idx.msk $0xffff, v9;
	v3 =	vor.u32 v57, v61;
	v61 =	vadd.s32 v24, v38  }
0x163: {  	v58 =	vadd.f32 v34, v33;
	v59 =	vor.u32 v57, v62;
	v62 =	vor.u32 v50, v61;
	v34 =	vld.idx.msk [tilespmem:v35+s23+$0x0], $0xffff  }
0x164: {  	v48 =	vadd.f32 v39, v36;
	v36 =	vor.u32 v21, v62;
	v62 =	vadd.s32 v26, v38;
	v33 =	vld.idx.msk [tilespmem:v41+s23+$0x0], $0xffff  }
0x165: {  	v60 =	vor.u32 v50, v62;
	v35 =	vor.u32 v10, v59;
	v41 =	vadd.f32 v43, v44;
	v56 =	vld.idx.msk [tilespmem:v56+s23+$0x0], $0xffff  }
0x166: {  	v43 =	vadd.f32 v49, v42;
	v49 =	vadd.s32 v23, v38;
	v39 =	vld.idx.msk [tilespmem:v53+s23+$0x0], $0xffff;
	v59 =	vadd.s32 v26, v55  }
0x167: {  	v53 =	vadd.f32 v37, v58;
	v55 =	vadd.f32 v48, v52;
	v61 =	vor.u32 v57, v59  }
0x168: {  	v44 =	vld.idx.msk [tilespmem:v46+s23+$0x0], $0xffff;
	v59 =	vadd.f32 v63, v51;
	v58 =	vor.u32 v50, v49;
	v40 =	vadd.f32 v40, v43  }
0x169: {  	v42 =	vld.idx.msk [tilespmem:v54+s23+$0x0], $0xffff;
	v43 =	vor.u32 v11, v61;
	v46 =	vmul.f32 v34, v17;
	v57 =	vmul.f32 v33, v34  }
0x16a: {  	v9 =	vsub.f32 v53, v9;
	v38 =	vmul.f32 v33, v20;
	v47 =	vmul.f32 v33, v18  }
0x16b: {  	v54 =	vadd.f32 v55, v7;
	v37 =	vmul.f32 v56, v20;
	v61 =	vmul.f32 v39, v34  }
0x16c: {  	v53 =	vor.u32 v21, v3;
	v45 =	vmul.f32 v34, v16;
	v48 =	vmul.f32 v56, v18  }
0x16d: {  	v40 =	vadd.f32 v59, v40;
	v52 =	vmul.f32 v56, v44;
	v50 =	vmul.f32 v44, v17  }
0x16e: {  	v63 =	vadd.f32 v42, v44;
	v49 =	vmul.f32 v42, v28;
	v59 =	vmul.f32 v56, v42  }
0x16f: {  	[tilespmem:v8+s28+$0x0] =	vst.idx.msk $0xffff, v40;
	v51 =	vmul.f32 v57, v15;
	v57 =	vsub.f32 v9, v40  }
0x170: {  	s3 =	simm.s32 $0x4;
	v55 =	vadd.f32 v56, v63;
	v56 =	vmul.f32 v61, v25;
	v40 =	vor.u32 v11, v60  }
.LBB2_9:
0x171: {  	s4 =	sadd.s32 $0x1, s3  }
0x172: {  	p0 =	slt.u32 s3, $0xE;
	v3 =	vmul.f32 v42, v30;
	v7 =	vmul.f32 v39, v28;
	v8 =	vsub.f32 v32, v41;
	v32 =	vmovc v55;
	s5 =	smov.u32 s3;
	s3 =	sadd.s32 $0x2, s3  }
0x173: {  	v9 =	vmov s4;
	v55 =	vmul.f32 v59, v29;
	[tilespmem:v31+s28+$0x0] =	vst.idx.msk $0xffff, v57;
	v31 =	vor.u32 v10, v58  }
0x174: {  	v57 =	vshrl.u32 v9, $0x3;
	v9 =	vshll.u32 v9, $0x7;
	v8 =	vsub.f32 v8, v54;
	[tilespmem:v27+s28+$0x0] =	vst.idx.msk $0xffff, v41;
	v27 =	vmovc v53  }
0x175: {  	v58 =	vmul.f32 v39, v30;
	v41 =	vmov s5;
	v53 =	vshll.u32 v57, $0xC;
	[tilespmem:v22+s28+$0x0] =	vst.idx.msk $0xffff, v54;
	v22 =	vmovc v43  }
0x176: {  	v59 =	vmul.f32 v33, v39;
	v43 =	vshrl.u32 v41, $0x3;
	v54 =	vor.u32 v12, v53;
	[tilespmem:v19+s28+$0x0] =	vst.idx.msk $0xffff, v8  }
0x177: {  	v61 =	vmul.f32 v44, v16;
	v8 =	vshll.u32 v43, $0xC;
	v60 =	vor.u32 v14, v53;
	v19 =	vmovc v35  }
0x178: {  	v51 =	vadd.f32 v51, v56;
	v35 =	vor.u32 v13, v8;
	v62 =	vor.u32 v14, v8  }
0x179: {  	v41 =	vshll.u32 v41, $0x7;
	v9 =	vand.u32 $0x380, v9;
	v56 =	vmul.f32 v59, v29  }
0x17a: {  	v42 =	vmul.f32 v42, v44;
	v53 =	vor.u32 v13, v53;
	v8 =	vor.u32 v12, v8  }
0x17b: {  	v44 =	vmul.f32 v52, v15;
	v59 =	vand.u32 $0x300, v41;
	v41 =	vor.u32 v9, v54  }
0x17c: {  	v46 =	vadd.f32 v58, v46;
	v52 =	vor.u32 v9, v60;
	v8 =	vor.u32 v59, v8  }
0x17d: {  	v43 =	vmul.u32 $0x3000, v43;
	v54 =	vor.u32 v59, v35;
	v58 =	vor.u32 v59, v62  }
0x17e: {  	v53 =	vor.u32 v9, v53;
	v60 =	vadd.f32 v47, v46;
	v62 =	vadd.f32 v39, v34  }
0x17f: {  	v46 =	vmul.u32 $0x3000, v57;
	v35 =	vadd.s32 v24, v43;
	v34 =	vadd.s32 v23, v43  }
0x180: {  	v3 =	vadd.f32 v3, v50;
	v39 =	vor.u32 v59, v34;
	v34 =	vld.idx.msk [tilespmem:v41+s23+$0x0], $0xffff;
	[tilespmem:v36+s28+$0x0] =	vst.idx.msk $0xffff, v60  }
0x181: {  	v57 =	vor.u32 v59, v35;
	v35 =	vor.u32 v10, v39;
	v36 =	vmul.f32 v42, v25;
	v50 =	vld.idx.msk [tilespmem:v52+s23+$0x0], $0xffff  }
0x182: {  	v42 =	vadd.s32 v24, v46;
	v41 =	vadd.f32 v48, v3;
	v3 =	vadd.f32 v7, v45;
	v63 =	vld.idx.msk [tilespmem:v58+s23+$0x0], $0xffff  }
0x183: {  	v7 =	vor.u32 v9, v42;
	v45 =	vadd.f32 v44, v36;
	v39 =	vld.idx.msk [tilespmem:v53+s23+$0x0], $0xffff;
	v53 =	vadd.s32 v23, v46  }
0x184: {  	v43 =	vadd.s32 v26, v43;
	v36 =	vor.u32 v21, v7;
	v7 =	vadd.f32 v49, v61;
	v42 =	vld.idx.msk [tilespmem:v54+s23+$0x0], $0xffff  }
0x185: {  	v48 =	vadd.s32 v26, v46;
	v3 =	vadd.f32 v38, v3;
	v44 =	vld.idx.msk [tilespmem:v8+s23+$0x0], $0xffff;
	v8 =	vor.u32 v59, v43  }
0x186: {  	v7 =	vadd.f32 v37, v7;
	v46 =	vmul.f32 v34, v17;
	v43 =	vor.u32 v11, v8  }
0x187: {  	v49 =	vadd.f32 v51, v56;
	v8 =	vmul.f32 v50, v34;
	v38 =	vmul.f32 v50, v20  }
0x188: {  	v52 =	vadd.f32 v33, v62;
	v61 =	vor.u32 v9, v48;
	v47 =	vmul.f32 v50, v18;
	v33 =	vmovc v50  }
0x189: {  	v37 =	vmul.f32 v63, v20;
	v51 =	vmul.f32 v8, v15;
	v8 =	vadd.f32 v45, v55  }
0x18a: {  	v3 =	vadd.f32 v49, v3;
	v56 =	vmul.f32 v39, v34;
	v45 =	vmul.f32 v34, v16  }
.Ltmp3:
0x18b: {  	v49 =	vsub.f32 v52, v60;
	v48 =	vmul.f32 v63, v18;
	v55 =	vadd.f32 v42, v44;
	(pc) =	sbr.rel @p0 .LBB2_9-.Ltmp3, $4  }
0x18c: {  	v58 =	vor.u32 v9, v53;
	v52 =	vmul.f32 v63, v44;
	v54 =	vadd.f32 v8, v7  }
0x18d: {  	v53 =	vor.u32 v21, v57;
	v57 =	vsub.f32 v49, v3;
	v50 =	vmul.f32 v44, v17  }
0x18e: {  	v49 =	vmul.f32 v42, v28;
	v55 =	vadd.f32 v63, v55;
	[tilespmem:v40+s28+$0x0] =	vst.idx.msk $0xffff, v3  }
0x18f: {  	v59 =	vmul.f32 v63, v42;
	v56 =	vmul.f32 v56, v25;
	v40 =	vor.u32 v11, v61  }
0x190: {  	v3 =	vmul.f32 v42, v30;
	v7 =	vmul.f32 v39, v28;
	v8 =	vsub.f32 v32, v41  }
0x191: {  	v9 =	vor.u32 v10, v58;
	v58 =	vmul.f32 v39, v30;
	v11 =	vmul.f32 v33, v39  }
0x192: {  	v13 =	vmul.f32 v44, v16;
	v60 =	vmul.f32 v42, v44;
	v17 =	vadd.f32 v39, v34  }
0x193: {  	v15 =	vmul.f32 v52, v15;
	v14 =	vadd.f32 v51, v56;
	v8 =	vsub.f32 v8, v54  }
0x194: {  	[tilespmem:v31+s28+$0x0] =	vst.idx.msk $0xffff, v57;
	v10 =	vadd.f32 v58, v46;
	v3 =	vadd.f32 v3, v50  }
0x195: {  	v11 =	vmul.f32 v11, v29;
	v7 =	vadd.f32 v7, v45;
	v61 =	vadd.f32 v33, v17  }
0x196: {  	v16 =	vmul.f32 v60, v25;
	v13 =	vadd.f32 v49, v13;
	v10 =	vadd.f32 v47, v10  }
0x197: {  	[tilespmem:v27+s28+$0x0] =	vst.idx.msk $0xffff, v41;
	v7 =	vadd.f32 v38, v7;
	v11 =	vadd.f32 v14, v11  }
0x198: {  	v12 =	vmul.f32 v59, v29;
	v3 =	vadd.f32 v48, v3;
	v15 =	vadd.f32 v15, v16  }
0x199: {  	[tilespmem:v22+s28+$0x0] =	vst.idx.msk $0xffff, v54;
	v7 =	vadd.f32 v11, v7;
	v62 =	vsub.f32 v61, v10  }
0x19a: {  	s1 =	sadd.s32 $0x1, s1;
	[tilespmem:v19+s28+$0x0] =	vst.idx.msk $0xffff, v8;
	v8 =	vadd.f32 v37, v13;
	v12 =	vadd.f32 v15, v12  }
0x19b: {  	p0 =	sne.s32 s1, $0x20;
	[tilespmem:v36+s28+$0x0] =	vst.idx.msk $0xffff, v10;
	v63 =	vsub.f32 v62, v7  }
.Ltmp4:
0x19c: {  	v8 =	vadd.f32 v12, v8;
	[tilespmem:v40+s28+$0x0] =	vst.idx.msk $0xffff, v7;
	v7 =	vsub.f32 v55, v3;
	(pc) =	sbr.rel @p0 .LBB2_8-.Ltmp4, $4  }
0x19d: {  	[tilespmem:v53+s28+$0x0] =	vst.idx.msk $0xffff, v3  }
0x19e: {  	[tilespmem:v9+s28+$0x0] =	vst.idx.msk $0xffff, v63;
	v7 =	vsub.f32 v7, v8  }
0x19f: {  	[tilespmem:v43+s28+$0x0] =	vst.idx.msk $0xffff, v8  }
0x1a0: {  	[tilespmem:v35+s28+$0x0] =	vst.idx.msk $0xffff, v7  }
0x1a1: {  	s0 =	simm.s32 $0x0  }
0x1a2: {  	[hbm4b:s8+s0] =	stream.linear.scatter [tilespmem:s28], [sflag:$0x4], $0x6000, $0x38;
	[tilespmem:$0x11E00] =	vst v63  }
0x1a3: {  	_ = 	snop  }
0x1a4: {  	[tilespmem:s23], [sflag:$0x2] =	stream.linear.gather [hbm4b:s9+s0], $0x2000, $0x38;
	[tilespmem:$0x11E00] =	vst v63  }
0x1a5: {  	_ =	swait.ge [sflag:s24], $0x2000  }
0x1a6: {  	[sflag:s24] =	ssyncset.done $0x0  }
0x1a7: {  	[sflag:s24] =	ssyncadd.s32 $0xFFFFE000  }
0x1a8: {  	_ =	swait.ge [sflag:s29], $0x6000  }
0x1a9: {  	[sflag:s29] =	ssyncset.done $0x0  }
0x1aa: {  	s1 =	simm.s32 $0x0;
	[sflag:s29] =	ssyncadd.s32 $0xFFFFA000  }
.LBB2_12:
0x1ab: {  	s3 =	sshll.u32 s1, $0x4;
	v7 =	vld [tilespmem:$0x1FFC0]  }
0x1ac: {  	v8 =	vld [tilespmem:$0x1FFD0];
	v3 =	vmov s3  }
0x1ad: {  	v9 =	vld [tilespmem:$0x1FFF0];
	v3 =	vmul.u32 $0x3, v3;
	_ =	sdelay $0x1  }
0x1ae: {  	v3 =	vbroadcast v3, $0x0  }
0x1af: {  	s4 =	simm.s32 $0x1  }
0x1b0: {  	v15 =	vmov s4;
	v8 =	vadd.s32 v8, v3  }
0x1b1: {  	v7 =	vadd.s32 v7, v3;
	v9 =	vadd.s32 v9, v3;
	v19 =	vshll.u32 v8, $0x3  }
0x1b2: {  	v11 =	vand.u32 $0x7F, v7;
	v10 =	vand.u32 $0x7F, v8;
	v8 =	vand.u32 $0xC00, v19  }
0x1b3: {  	v7 =	vshll.u32 v7, $0x3;
	v13 =	vor.u32 v8, v10;
	v8 =	vshll.u32 v9, $0x3  }
0x1b4: {  	v12 =	vand.u32 $0xC00, v7;
	v9 =	vand.u32 $0x7F, v9;
	v8 =	vand.u32 $0xC00, v8  }
0x1b5: {  	v12 =	vor.u32 v12, v11;
	v14 =	vor.u32 v8, v9;
	v8 =	vshrl.u32 v15, $0x3  }
0x1b6: {  	v9 =	vmov s0;
	v15 =	vshll.u32 v15, $0x7;
	v20 =	vshll.u32 v8, $0xC  }
0x1b7: {  	v21 =	vshrl.u32 v9, $0x3;
	v27 =	vand.u32 $0x380, v15;
	v9 =	vshll.u32 v9, $0x7  }
0x1b8: {  	v16 =	vor.u32 v12, v20;
	v22 =	vshll.u32 v21, $0xC;
	v15 =	vor.u32 v14, v20  }
0x1b9: {  	v17 =	vld [tilespmem:s3+$0xC00];
	s3 =	sand.u32 $0x1F0, s3;
	v9 =	vand.u32 $0x300, v9;
	v23 =	vor.u32 v27, v16;
	v24 =	vor.u32 v14, v22  }
0x1ba: {  	s7 =	simm.s32 $0x2;
	v18 =	vld [tilespmem:s3+$0x1000];
	v25 =	vor.u32 v27, v15;
	v26 =	vor.u32 v9, v24;
	v24 =	vor.u32 v13, v22  }
0x1bb: {  	s6 =	simm.s32 $0x3;
	v51 =	vmov s7;
	v29 =	vor.u32 v9, v24;
	v24 =	vld [tilespmem:$0x1FFE0]  }
0x1bc: {  	v50 =	vmov s6;
	v55 =	vshrl.u32 v51, $0x3;
	v16 =	vld [tilespmem:s3+$0x1200];
	v15 =	vor.u32 v13, v20  }
0x1bd: {  	v58 =	vshll.u32 v55, $0xC;
	v55 =	vmul.u32 $0x3000, v55;
	v20 =	vld [tilespmem:s3+$0x1600];
	v28 =	vor.u32 v27, v15  }
0x1be: {  	v61 =	vor.u32 v13, v58;
	v8 =	vmul.u32 $0x3000, v8;
	v22 =	vor.u32 v12, v22;
	v33 =	vld.idx.msk [tilespmem:v23+s22+$0x0], $0xffff  }
0x1bf: {  	v62 =	vor.u32 v14, v58;
	v30 =	vmul.u32 $0x3000, v21;
	v22 =	vor.u32 v9, v22;
	v37 =	vld.idx.msk [tilespmem:v25+s22+$0x0], $0xffff  }
0x1c0: {  	v23 =	vand.u32 $0x7FFFFC00, v19;
	v31 =	vld.idx.msk [tilespmem:v26+s22+$0x0], $0xffff;
	v26 =	vand.u32 $0x7FFFFC00, v7;
	v3 =	vadd.s32 v24, v3  }
0x1c1: {  	v15 =	vld [tilespmem:s3+$0x1A00];
	v32 =	vadd.s32 v23, v8;
	v21 =	vand.u32 $0x7F, v3;
	v3 =	vshll.u32 v3, $0x3  }
0x1c2: {  	v34 =	vld.idx.msk [tilespmem:v28+s22+$0x0], $0xffff;
	v25 =	vadd.s32 v26, v30;
	v47 =	vor.u32 v27, v32;
	v24 =	vand.u32 $0x7FFFFC00, v3  }
0x1c3: {  	v28 =	vld [tilespmem:s3+$0x1400];
	v3 =	vadd.s32 v23, v30;
	v7 =	vadd.s32 v24, v30;
	v38 =	vmul.f32 v33, v17  }
0x1c4: {  	v35 =	vld.idx.msk [tilespmem:v29+s22+$0x0], $0xffff;
	v3 =	vor.u32 v9, v3;
	v29 =	vmul.f32 v37, v33;
	v40 =	vmul.f32 v37, v20  }
0x1c5: {  	v36 =	vld.idx.msk [tilespmem:v22+s22+$0x0], $0xffff;
	v42 =	vmul.f32 v33, v16;
	v7 =	vor.u32 v9, v7;
	v19 =	vor.u32 v10, v3  }
0x1c6: {  	v3 =	vadd.s32 v24, v8;
	v9 =	vor.u32 v9, v25;
	v45 =	vmul.f32 v31, v20  }
0x1c7: {  	v8 =	vadd.s32 v26, v8;
	v41 =	vmul.f32 v34, v33;
	v43 =	vmul.f32 v31, v18  }
0x1c8: {  	v49 =	vmul.f32 v34, v28;
	v57 =	vmul.f32 v37, v34;
	v3 =	vor.u32 v27, v3  }
0x1c9: {  	v30 =	vld [tilespmem:s3+$0xE00];
	v22 =	vor.u32 v11, v9;
	v9 =	vmul.f32 v37, v18;
	v8 =	vor.u32 v27, v8  }
0x1ca: {  	v25 =	vld [tilespmem:s3+$0x1800];
	v39 =	vmul.f32 v29, v15;
	v44 =	vadd.f32 v35, v36;
	v46 =	vmul.f32 v31, v36  }
0x1cb: {  	v29 =	vld [tilespmem:s3+$0x1C00];
	v27 =	vor.u32 v21, v7;
	v7 =	vmul.f32 v35, v28;
	v60 =	vmul.f32 v36, v16  }
0x1cc: {  	v48 =	vmul.f32 v36, v17;
	v36 =	vmul.f32 v35, v36;
	v3 =	vor.u32 v21, v3  }
0x1cd: {  	v32 =	vadd.f32 v31, v44;
	v31 =	vmul.f32 v31, v35;
	v7 =	vadd.f32 v7, v60  }
0x1ce: {  	v8 =	vor.u32 v11, v8;
	v44 =	vmul.f32 v35, v30;
	v54 =	vmul.f32 v34, v30  }
0x1cf: {  	v41 =	vmul.f32 v41, v25;
	v36 =	vmul.f32 v36, v25;
	v7 =	vadd.f32 v45, v7  }
0x1d0: {  	v52 =	vmul.f32 v31, v29;
	v31 =	vor.u32 v10, v47;
	v47 =	vshrl.u32 v50, $0x3  }
0x1d1: {  	v50 =	vshll.u32 v50, $0x7;
	v38 =	vadd.f32 v54, v38;
	v44 =	vadd.f32 v44, v48  }
0x1d2: {  	v53 =	vshll.u32 v47, $0xC;
	v63 =	vadd.f32 v39, v41;
	v39 =	vshll.u32 v51, $0x7  }
0x1d3: {  	v50 =	vand.u32 $0x380, v50;
	v51 =	vmul.f32 v57, v29;
	v41 =	vor.u32 v12, v58  }
0x1d4: {  	v56 =	vor.u32 v12, v53;
	v59 =	vor.u32 v14, v53;
	v53 =	vor.u32 v13, v53  }
0x1d5: {  	v57 =	vand.u32 $0x300, v39;
	v39 =	vmul.f32 v46, v15;
	v35 =	vor.u32 v50, v56  }
0x1d6: {  	v9 =	vadd.f32 v9, v38;
	v46 =	vor.u32 v57, v41;
	v41 =	vor.u32 v50, v59  }
0x1d7: {  	v38 =	vmul.u32 $0x3000, v47;
	v54 =	vor.u32 v57, v61;
	v56 =	vor.u32 v57, v62  }
0x1d8: {  	v53 =	vor.u32 v50, v53;
	v61 =	vadd.s32 v24, v55;
	v62 =	vadd.s32 v23, v55  }
0x1d9: {  	[tilespmem:v3+s25+$0x0] =	vst.idx.msk $0xffff, v9;
	v3 =	vor.u32 v57, v61;
	v61 =	vadd.s32 v24, v38  }
0x1da: {  	v58 =	vadd.f32 v34, v33;
	v59 =	vor.u32 v57, v62;
	v62 =	vor.u32 v50, v61;
	v34 =	vld.idx.msk [tilespmem:v35+s22+$0x0], $0xffff  }
0x1db: {  	v48 =	vadd.f32 v39, v36;
	v36 =	vor.u32 v21, v62;
	v62 =	vadd.s32 v26, v38;
	v33 =	vld.idx.msk [tilespmem:v41+s22+$0x0], $0xffff  }
0x1dc: {  	v60 =	vor.u32 v50, v62;
	v35 =	vor.u32 v10, v59;
	v41 =	vadd.f32 v43, v44;
	v56 =	vld.idx.msk [tilespmem:v56+s22+$0x0], $0xffff  }
0x1dd: {  	v43 =	vadd.f32 v49, v42;
	v49 =	vadd.s32 v23, v38;
	v39 =	vld.idx.msk [tilespmem:v53+s22+$0x0], $0xffff;
	v59 =	vadd.s32 v26, v55  }
0x1de: {  	v53 =	vadd.f32 v37, v58;
	v55 =	vadd.f32 v48, v52;
	v61 =	vor.u32 v57, v59  }
0x1df: {  	v44 =	vld.idx.msk [tilespmem:v46+s22+$0x0], $0xffff;
	v59 =	vadd.f32 v63, v51;
	v58 =	vor.u32 v50, v49;
	v40 =	vadd.f32 v40, v43  }
0x1e0: {  	v42 =	vld.idx.msk [tilespmem:v54+s22+$0x0], $0xffff;
	v43 =	vor.u32 v11, v61;
	v46 =	vmul.f32 v34, v17;
	v57 =	vmul.f32 v33, v34  }
0x1e1: {  	v9 =	vsub.f32 v53, v9;
	v38 =	vmul.f32 v33, v20;
	v47 =	vmul.f32 v33, v18  }
0x1e2: {  	v54 =	vadd.f32 v55, v7;
	v37 =	vmul.f32 v56, v20;
	v61 =	vmul.f32 v39, v34  }
0x1e3: {  	v53 =	vor.u32 v21, v3;
	v45 =	vmul.f32 v34, v16;
	v48 =	vmul.f32 v56, v18  }
0x1e4: {  	v40 =	vadd.f32 v59, v40;
	v52 =	vmul.f32 v56, v44;
	v50 =	vmul.f32 v44, v17  }
0x1e5: {  	v63 =	vadd.f32 v42, v44;
	v49 =	vmul.f32 v42, v28;
	v59 =	vmul.f32 v56, v42  }
0x1e6: {  	[tilespmem:v8+s25+$0x0] =	vst.idx.msk $0xffff, v40;
	v51 =	vmul.f32 v57, v15;
	v57 =	vsub.f32 v9, v40  }
0x1e7: {  	s3 =	simm.s32 $0x4;
	v55 =	vadd.f32 v56, v63;
	v56 =	vmul.f32 v61, v25;
	v40 =	vor.u32 v11, v60  }
.LBB2_13:
0x1e8: {  	s4 =	sadd.s32 $0x1, s3  }
0x1e9: {  	p0 =	slt.u32 s3, $0xE;
	v3 =	vmul.f32 v42, v30;
	v7 =	vmul.f32 v39, v28;
	v8 =	vsub.f32 v32, v41;
	v32 =	vmovc v55;
	s5 =	smov.u32 s3;
	s3 =	sadd.s32 $0x2, s3  }
0x1ea: {  	v9 =	vmov s4;
	v55 =	vmul.f32 v59, v29;
	[tilespmem:v31+s25+$0x0] =	vst.idx.msk $0xffff, v57;
	v31 =	vor.u32 v10, v58  }
0x1eb: {  	v57 =	vshrl.u32 v9, $0x3;
	v9 =	vshll.u32 v9, $0x7;
	v8 =	vsub.f32 v8, v54;
	[tilespmem:v27+s25+$0x0] =	vst.idx.msk $0xffff, v41;
	v27 =	vmovc v53  }
0x1ec: {  	v58 =	vmul.f32 v39, v30;
	v41 =	vmov s5;
	v53 =	vshll.u32 v57, $0xC;
	[tilespmem:v22+s25+$0x0] =	vst.idx.msk $0xffff, v54;
	v22 =	vmovc v43  }
0x1ed: {  	v59 =	vmul.f32 v33, v39;
	v43 =	vshrl.u32 v41, $0x3;
	v54 =	vor.u32 v12, v53;
	[tilespmem:v19+s25+$0x0] =	vst.idx.msk $0xffff, v8  }
0x1ee: {  	v61 =	vmul.f32 v44, v16;
	v8 =	vshll.u32 v43, $0xC;
	v60 =	vor.u32 v14, v53;
	v19 =	vmovc v35  }
0x1ef: {  	v51 =	vadd.f32 v51, v56;
	v35 =	vor.u32 v13, v8;
	v62 =	vor.u32 v14, v8  }
0x1f0: {  	v41 =	vshll.u32 v41, $0x7;
	v9 =	vand.u32 $0x380, v9;
	v56 =	vmul.f32 v59, v29  }
0x1f1: {  	v42 =	vmul.f32 v42, v44;
	v53 =	vor.u32 v13, v53;
	v8 =	vor.u32 v12, v8  }
0x1f2: {  	v44 =	vmul.f32 v52, v15;
	v59 =	vand.u32 $0x300, v41;
	v41 =	vor.u32 v9, v54  }
0x1f3: {  	v46 =	vadd.f32 v58, v46;
	v52 =	vor.u32 v9, v60;
	v8 =	vor.u32 v59, v8  }
0x1f4: {  	v43 =	vmul.u32 $0x3000, v43;
	v54 =	vor.u32 v59, v35;
	v58 =	vor.u32 v59, v62  }
0x1f5: {  	v53 =	vor.u32 v9, v53;
	v60 =	vadd.f32 v47, v46;
	v62 =	vadd.f32 v39, v34  }
0x1f6: {  	v46 =	vmul.u32 $0x3000, v57;
	v35 =	vadd.s32 v24, v43;
	v34 =	vadd.s32 v23, v43  }
0x1f7: {  	v3 =	vadd.f32 v3, v50;
	v39 =	vor.u32 v59, v34;
	v34 =	vld.idx.msk [tilespmem:v41+s22+$0x0], $0xffff;
	[tilespmem:v36+s25+$0x0] =	vst.idx.msk $0xffff, v60  }
0x1f8: {  	v57 =	vor.u32 v59, v35;
	v35 =	vor.u32 v10, v39;
	v36 =	vmul.f32 v42, v25;
	v50 =	vld.idx.msk [tilespmem:v52+s22+$0x0], $0xffff  }
0x1f9: {  	v42 =	vadd.s32 v24, v46;
	v41 =	vadd.f32 v48, v3;
	v3 =	vadd.f32 v7, v45;
	v63 =	vld.idx.msk [tilespmem:v58+s22+$0x0], $0xffff  }
0x1fa: {  	v7 =	vor.u32 v9, v42;
	v45 =	vadd.f32 v44, v36;
	v39 =	vld.idx.msk [tilespmem:v53+s22+$0x0], $0xffff;
	v53 =	vadd.s32 v23, v46  }
0x1fb: {  	v43 =	vadd.s32 v26, v43;
	v36 =	vor.u32 v21, v7;
	v7 =	vadd.f32 v49, v61;
	v42 =	vld.idx.msk [tilespmem:v54+s22+$0x0], $0xffff  }
0x1fc: {  	v48 =	vadd.s32 v26, v46;
	v3 =	vadd.f32 v38, v3;
	v44 =	vld.idx.msk [tilespmem:v8+s22+$0x0], $0xffff;
	v8 =	vor.u32 v59, v43  }
0x1fd: {  	v7 =	vadd.f32 v37, v7;
	v46 =	vmul.f32 v34, v17;
	v43 =	vor.u32 v11, v8  }
0x1fe: {  	v49 =	vadd.f32 v51, v56;
	v8 =	vmul.f32 v50, v34;
	v38 =	vmul.f32 v50, v20  }
0x1ff: {  	v52 =	vadd.f32 v33, v62;
	v61 =	vor.u32 v9, v48;
	v47 =	vmul.f32 v50, v18;
	v33 =	vmovc v50  }
0x200: {  	v37 =	vmul.f32 v63, v20;
	v51 =	vmul.f32 v8, v15;
	v8 =	vadd.f32 v45, v55  }
0x201: {  	v3 =	vadd.f32 v49, v3;
	v56 =	vmul.f32 v39, v34;
	v45 =	vmul.f32 v34, v16  }
.Ltmp5:
0x202: {  	v49 =	vsub.f32 v52, v60;
	v48 =	vmul.f32 v63, v18;
	v55 =	vadd.f32 v42, v44;
	(pc) =	sbr.rel @p0 .LBB2_13-.Ltmp5, $4  }
0x203: {  	v58 =	vor.u32 v9, v53;
	v52 =	vmul.f32 v63, v44;
	v54 =	vadd.f32 v8, v7  }
0x204: {  	v53 =	vor.u32 v21, v57;
	v57 =	vsub.f32 v49, v3;
	v50 =	vmul.f32 v44, v17  }
0x205: {  	v49 =	vmul.f32 v42, v28;
	v55 =	vadd.f32 v63, v55;
	[tilespmem:v40+s25+$0x0] =	vst.idx.msk $0xffff, v3  }
0x206: {  	v59 =	vmul.f32 v63, v42;
	v56 =	vmul.f32 v56, v25;
	v40 =	vor.u32 v11, v61  }
0x207: {  	v3 =	vmul.f32 v42, v30;
	v7 =	vmul.f32 v39, v28;
	v8 =	vsub.f32 v32, v41  }
0x208: {  	v9 =	vor.u32 v10, v58;
	v58 =	vmul.f32 v39, v30;
	v11 =	vmul.f32 v33, v39  }
0x209: {  	v13 =	vmul.f32 v44, v16;
	v60 =	vmul.f32 v42, v44;
	v17 =	vadd.f32 v39, v34  }
0x20a: {  	v15 =	vmul.f32 v52, v15;
	v14 =	vadd.f32 v51, v56;
	v8 =	vsub.f32 v8, v54  }
0x20b: {  	[tilespmem:v31+s25+$0x0] =	vst.idx.msk $0xffff, v57;
	v10 =	vadd.f32 v58, v46;
	v3 =	vadd.f32 v3, v50  }
0x20c: {  	v11 =	vmul.f32 v11, v29;
	v7 =	vadd.f32 v7, v45;
	v61 =	vadd.f32 v33, v17  }
0x20d: {  	v16 =	vmul.f32 v60, v25;
	v13 =	vadd.f32 v49, v13;
	v10 =	vadd.f32 v47, v10  }
0x20e: {  	[tilespmem:v27+s25+$0x0] =	vst.idx.msk $0xffff, v41;
	v7 =	vadd.f32 v38, v7;
	v11 =	vadd.f32 v14, v11  }
0x20f: {  	v12 =	vmul.f32 v59, v29;
	v3 =	vadd.f32 v48, v3;
	v15 =	vadd.f32 v15, v16  }
0x210: {  	[tilespmem:v22+s25+$0x0] =	vst.idx.msk $0xffff, v54;
	v7 =	vadd.f32 v11, v7;
	v62 =	vsub.f32 v61, v10  }
0x211: {  	s1 =	sadd.s32 $0x1, s1;
	[tilespmem:v19+s25+$0x0] =	vst.idx.msk $0xffff, v8;
	v8 =	vadd.f32 v37, v13;
	v12 =	vadd.f32 v15, v12  }
0x212: {  	p0 =	sne.s32 s1, $0x20;
	[tilespmem:v36+s25+$0x0] =	vst.idx.msk $0xffff, v10;
	v63 =	vsub.f32 v62, v7  }
.Ltmp6:
0x213: {  	v8 =	vadd.f32 v12, v8;
	[tilespmem:v40+s25+$0x0] =	vst.idx.msk $0xffff, v7;
	v7 =	vsub.f32 v55, v3;
	(pc) =	sbr.rel @p0 .LBB2_12-.Ltmp6, $4  }
0x214: {  	[tilespmem:v53+s25+$0x0] =	vst.idx.msk $0xffff, v3  }
0x215: {  	[tilespmem:v9+s25+$0x0] =	vst.idx.msk $0xffff, v63;
	v7 =	vsub.f32 v7, v8  }
0x216: {  	[tilespmem:v43+s25+$0x0] =	vst.idx.msk $0xffff, v8  }
0x217: {  	[tilespmem:v35+s25+$0x0] =	vst.idx.msk $0xffff, v7  }
0x218: {  	s0 =	simm.s32 $0x0  }
0x219: {  	[hbm4b:s10+s0] =	stream.linear.scatter [tilespmem:s25], [sflag:$0x3], $0x6000, $0x38;
	[tilespmem:$0x11E00] =	vst v63  }
0x21a: {  	_ = 	snop  }
0x21b: {  	[tilespmem:s22], [sflag:$0x1] =	stream.linear.gather [hbm4b:s11+s0], $0x2000, $0x38;
	[tilespmem:$0x11E00] =	vst v63  }
0x21c: {  	_ =	swait.ge [sflag:s26], $0x2000  }
0x21d: {  	[sflag:s26] =	ssyncset.done $0x0  }
0x21e: {  	[sflag:s26] =	ssyncadd.s32 $0xFFFFE000  }
0x21f: {  	_ =	swait.ge [sflag:s30], $0x6000  }
0x220: {  	[sflag:s30] =	ssyncset.done $0x0  }
0x221: {  	s1 =	simm.s32 $0x0;
	[sflag:s30] =	ssyncadd.s32 $0xFFFFA000  }
.LBB2_16:
0x222: {  	s3 =	sshll.u32 s1, $0x4;
	v7 =	vld [tilespmem:$0x1FFC0]  }
0x223: {  	v8 =	vld [tilespmem:$0x1FFD0];
	v3 =	vmov s3  }
0x224: {  	v9 =	vld [tilespmem:$0x1FFF0];
	v3 =	vmul.u32 $0x3, v3;
	_ =	sdelay $0x1  }
0x225: {  	v3 =	vbroadcast v3, $0x0  }
0x226: {  	s4 =	simm.s32 $0x1  }
0x227: {  	v15 =	vmov s4;
	v8 =	vadd.s32 v8, v3  }
0x228: {  	v7 =	vadd.s32 v7, v3;
	v9 =	vadd.s32 v9, v3;
	v19 =	vshll.u32 v8, $0x3  }
0x229: {  	v11 =	vand.u32 $0x7F, v7;
	v10 =	vand.u32 $0x7F, v8;
	v8 =	vand.u32 $0xC00, v19  }
0x22a: {  	v7 =	vshll.u32 v7, $0x3;
	v13 =	vor.u32 v8, v10;
	v8 =	vshll.u32 v9, $0x3  }
0x22b: {  	v12 =	vand.u32 $0xC00, v7;
	v9 =	vand.u32 $0x7F, v9;
	v8 =	vand.u32 $0xC00, v8  }
0x22c: {  	v12 =	vor.u32 v12, v11;
	v14 =	vor.u32 v8, v9;
	v8 =	vshrl.u32 v15, $0x3  }
0x22d: {  	v9 =	vmov s0;
	v15 =	vshll.u32 v15, $0x7;
	v20 =	vshll.u32 v8, $0xC  }
0x22e: {  	v21 =	vshrl.u32 v9, $0x3;
	v27 =	vand.u32 $0x380, v15;
	v9 =	vshll.u32 v9, $0x7  }
0x22f: {  	v16 =	vor.u32 v12, v20;
	v22 =	vshll.u32 v21, $0xC;
	v15 =	vor.u32 v14, v20  }
0x230: {  	v17 =	vld [tilespmem:s3+$0xC00];
	s3 =	sand.u32 $0x1F0, s3;
	v9 =	vand.u32 $0x300, v9;
	v23 =	vor.u32 v27, v16;
	v24 =	vor.u32 v14, v22  }
0x231: {  	s7 =	simm.s32 $0x2;
	v18 =	vld [tilespmem:s3+$0x1000];
	v25 =	vor.u32 v27, v15;
	v26 =	vor.u32 v9, v24;
	v24 =	vor.u32 v13, v22  }
0x232: {  	s6 =	simm.s32 $0x3;
	v51 =	vmov s7;
	v29 =	vor.u32 v9, v24;
	v24 =	vld [tilespmem:$0x1FFE0]  }
0x233: {  	v50 =	vmov s6;
	v55 =	vshrl.u32 v51, $0x3;
	v16 =	vld [tilespmem:s3+$0x1200];
	v15 =	vor.u32 v13, v20  }
0x234: {  	v58 =	vshll.u32 v55, $0xC;
	v55 =	vmul.u32 $0x3000, v55;
	v20 =	vld [tilespmem:s3+$0x1600];
	v28 =	vor.u32 v27, v15  }
0x235: {  	v61 =	vor.u32 v13, v58;
	v8 =	vmul.u32 $0x3000, v8;
	v22 =	vor.u32 v12, v22;
	v33 =	vld.idx.msk [tilespmem:v23+s23+$0x0], $0xffff  }
0x236: {  	v62 =	vor.u32 v14, v58;
	v30 =	vmul.u32 $0x3000, v21;
	v22 =	vor.u32 v9, v22;
	v37 =	vld.idx.msk [tilespmem:v25+s23+$0x0], $0xffff  }
0x237: {  	v23 =	vand.u32 $0x7FFFFC00, v19;
	v31 =	vld.idx.msk [tilespmem:v26+s23+$0x0], $0xffff;
	v26 =	vand.u32 $0x7FFFFC00, v7;
	v3 =	vadd.s32 v24, v3  }
0x238: {  	v15 =	vld [tilespmem:s3+$0x1A00];
	v32 =	vadd.s32 v23, v8;
	v21 =	vand.u32 $0x7F, v3;
	v3 =	vshll.u32 v3, $0x3  }
0x239: {  	v34 =	vld.idx.msk [tilespmem:v28+s23+$0x0], $0xffff;
	v25 =	vadd.s32 v26, v30;
	v47 =	vor.u32 v27, v32;
	v24 =	vand.u32 $0x7FFFFC00, v3  }
0x23a: {  	v28 =	vld [tilespmem:s3+$0x1400];
	v3 =	vadd.s32 v23, v30;
	v7 =	vadd.s32 v24, v30;
	v38 =	vmul.f32 v33, v17  }
0x23b: {  	v35 =	vld.idx.msk [tilespmem:v29+s23+$0x0], $0xffff;
	v3 =	vor.u32 v9, v3;
	v29 =	vmul.f32 v37, v33;
	v40 =	vmul.f32 v37, v20  }
0x23c: {  	v36 =	vld.idx.msk [tilespmem:v22+s23+$0x0], $0xffff;
	v42 =	vmul.f32 v33, v16;
	v7 =	vor.u32 v9, v7;
	v19 =	vor.u32 v10, v3  }
0x23d: {  	v3 =	vadd.s32 v24, v8;
	v9 =	vor.u32 v9, v25;
	v45 =	vmul.f32 v31, v20  }
0x23e: {  	v8 =	vadd.s32 v26, v8;
	v41 =	vmul.f32 v34, v33;
	v43 =	vmul.f32 v31, v18  }
0x23f: {  	v49 =	vmul.f32 v34, v28;
	v57 =	vmul.f32 v37, v34;
	v3 =	vor.u32 v27, v3  }
0x240: {  	v30 =	vld [tilespmem:s3+$0xE00];
	v22 =	vor.u32 v11, v9;
	v9 =	vmul.f32 v37, v18;
	v8 =	vor.u32 v27, v8  }
0x241: {  	v25 =	vld [tilespmem:s3+$0x1800];
	v39 =	vmul.f32 v29, v15;
	v44 =	vadd.f32 v35, v36;
	v46 =	vmul.f32 v31, v36  }
0x242: {  	v29 =	vld [tilespmem:s3+$0x1C00];
	v27 =	vor.u32 v21, v7;
	v7 =	vmul.f32 v35, v28;
	v60 =	vmul.f32 v36, v16  }
0x243: {  	v48 =	vmul.f32 v36, v17;
	v36 =	vmul.f32 v35, v36;
	v3 =	vor.u32 v21, v3  }
0x244: {  	v32 =	vadd.f32 v31, v44;
	v31 =	vmul.f32 v31, v35;
	v7 =	vadd.f32 v7, v60  }
0x245: {  	v8 =	vor.u32 v11, v8;
	v44 =	vmul.f32 v35, v30;
	v54 =	vmul.f32 v34, v30  }
0x246: {  	v41 =	vmul.f32 v41, v25;
	v36 =	vmul.f32 v36, v25;
	v7 =	vadd.f32 v45, v7  }
0x247: {  	v52 =	vmul.f32 v31, v29;
	v31 =	vor.u32 v10, v47;
	v47 =	vshrl.u32 v50, $0x3  }
0x248: {  	v50 =	vshll.u32 v50, $0x7;
	v38 =	vadd.f32 v54, v38;
	v44 =	vadd.f32 v44, v48  }
0x249: {  	v53 =	vshll.u32 v47, $0xC;
	v63 =	vadd.f32 v39, v41;
	v39 =	vshll.u32 v51, $0x7  }
0x24a: {  	v50 =	vand.u32 $0x380, v50;
	v51 =	vmul.f32 v57, v29;
	v41 =	vor.u32 v12, v58  }
0x24b: {  	v56 =	vor.u32 v12, v53;
	v59 =	vor.u32 v14, v53;
	v53 =	vor.u32 v13, v53  }
0x24c: {  	v57 =	vand.u32 $0x300, v39;
	v39 =	vmul.f32 v46, v15;
	v35 =	vor.u32 v50, v56  }
0x24d: {  	v9 =	vadd.f32 v9, v38;
	v46 =	vor.u32 v57, v41;
	v41 =	vor.u32 v50, v59  }
0x24e: {  	v38 =	vmul.u32 $0x3000, v47;
	v54 =	vor.u32 v57, v61;
	v56 =	vor.u32 v57, v62  }
0x24f: {  	v53 =	vor.u32 v50, v53;
	v61 =	vadd.s32 v24, v55;
	v62 =	vadd.s32 v23, v55  }
0x250: {  	[tilespmem:v3+s28+$0x0] =	vst.idx.msk $0xffff, v9;
	v3 =	vor.u32 v57, v61;
	v61 =	vadd.s32 v24, v38  }
0x251: {  	v58 =	vadd.f32 v34, v33;
	v59 =	vor.u32 v57, v62;
	v62 =	vor.u32 v50, v61;
	v34 =	vld.idx.msk [tilespmem:v35+s23+$0x0], $0xffff  }
0x252: {  	v48 =	vadd.f32 v39, v36;
	v36 =	vor.u32 v21, v62;
	v62 =	vadd.s32 v26, v38;
	v33 =	vld.idx.msk [tilespmem:v41+s23+$0x0], $0xffff  }
0x253: {  	v60 =	vor.u32 v50, v62;
	v35 =	vor.u32 v10, v59;
	v41 =	vadd.f32 v43, v44;
	v56 =	vld.idx.msk [tilespmem:v56+s23+$0x0], $0xffff  }
0x254: {  	v43 =	vadd.f32 v49, v42;
	v49 =	vadd.s32 v23, v38;
	v39 =	vld.idx.msk [tilespmem:v53+s23+$0x0], $0xffff;
	v59 =	vadd.s32 v26, v55  }
0x255: {  	v53 =	vadd.f32 v37, v58;
	v55 =	vadd.f32 v48, v52;
	v61 =	vor.u32 v57, v59  }
0x256: {  	v44 =	vld.idx.msk [tilespmem:v46+s23+$0x0], $0xffff;
	v59 =	vadd.f32 v63, v51;
	v58 =	vor.u32 v50, v49;
	v40 =	vadd.f32 v40, v43  }
0x257: {  	v42 =	vld.idx.msk [tilespmem:v54+s23+$0x0], $0xffff;
	v43 =	vor.u32 v11, v61;
	v46 =	vmul.f32 v34, v17;
	v57 =	vmul.f32 v33, v34  }
0x258: {  	v9 =	vsub.f32 v53, v9;
	v38 =	vmul.f32 v33, v20;
	v47 =	vmul.f32 v33, v18  }
0x259: {  	v54 =	vadd.f32 v55, v7;
	v37 =	vmul.f32 v56, v20;
	v61 =	vmul.f32 v39, v34  }
0x25a: {  	v53 =	vor.u32 v21, v3;
	v45 =	vmul.f32 v34, v16;
	v48 =	vmul.f32 v56, v18  }
0x25b: {  	v40 =	vadd.f32 v59, v40;
	v52 =	vmul.f32 v56, v44;
	v50 =	vmul.f32 v44, v17  }
0x25c: {  	v63 =	vadd.f32 v42, v44;
	v49 =	vmul.f32 v42, v28;
	v59 =	vmul.f32 v56, v42  }
0x25d: {  	[tilespmem:v8+s28+$0x0] =	vst.idx.msk $0xffff, v40;
	v51 =	vmul.f32 v57, v15;
	v57 =	vsub.f32 v9, v40  }
0x25e: {  	s3 =	simm.s32 $0x4;
	v55 =	vadd.f32 v56, v63;
	v56 =	vmul.f32 v61, v25;
	v40 =	vor.u32 v11, v60  }
.LBB2_17:
0x25f: {  	s4 =	sadd.s32 $0x1, s3  }
0x260: {  	p0 =	slt.u32 s3, $0xE;
	v3 =	vmul.f32 v42, v30;
	v7 =	vmul.f32 v39, v28;
	v8 =	vsub.f32 v32, v41;
	v32 =	vmovc v55;
	s5 =	smov.u32 s3;
	s3 =	sadd.s32 $0x2, s3  }
0x261: {  	v9 =	vmov s4;
	v55 =	vmul.f32 v59, v29;
	[tilespmem:v31+s28+$0x0] =	vst.idx.msk $0xffff, v57;
	v31 =	vor.u32 v10, v58  }
0x262: {  	v57 =	vshrl.u32 v9, $0x3;
	v9 =	vshll.u32 v9, $0x7;
	v8 =	vsub.f32 v8, v54;
	[tilespmem:v27+s28+$0x0] =	vst.idx.msk $0xffff, v41;
	v27 =	vmovc v53  }
0x263: {  	v58 =	vmul.f32 v39, v30;
	v41 =	vmov s5;
	v53 =	vshll.u32 v57, $0xC;
	[tilespmem:v22+s28+$0x0] =	vst.idx.msk $0xffff, v54;
	v22 =	vmovc v43  }
0x264: {  	v59 =	vmul.f32 v33, v39;
	v43 =	vshrl.u32 v41, $0x3;
	v54 =	vor.u32 v12, v53;
	[tilespmem:v19+s28+$0x0] =	vst.idx.msk $0xffff, v8  }
0x265: {  	v61 =	vmul.f32 v44, v16;
	v8 =	vshll.u32 v43, $0xC;
	v60 =	vor.u32 v14, v53;
	v19 =	vmovc v35  }
0x266: {  	v51 =	vadd.f32 v51, v56;
	v35 =	vor.u32 v13, v8;
	v62 =	vor.u32 v14, v8  }
0x267: {  	v41 =	vshll.u32 v41, $0x7;
	v9 =	vand.u32 $0x380, v9;
	v56 =	vmul.f32 v59, v29  }
0x268: {  	v42 =	vmul.f32 v42, v44;
	v53 =	vor.u32 v13, v53;
	v8 =	vor.u32 v12, v8  }
0x269: {  	v44 =	vmul.f32 v52, v15;
	v59 =	vand.u32 $0x300, v41;
	v41 =	vor.u32 v9, v54  }
0x26a: {  	v46 =	vadd.f32 v58, v46;
	v52 =	vor.u32 v9, v60;
	v8 =	vor.u32 v59, v8  }
0x26b: {  	v43 =	vmul.u32 $0x3000, v43;
	v54 =	vor.u32 v59, v35;
	v58 =	vor.u32 v59, v62  }
0x26c: {  	v53 =	vor.u32 v9, v53;
	v60 =	vadd.f32 v47, v46;
	v62 =	vadd.f32 v39, v34  }
0x26d: {  	v46 =	vmul.u32 $0x3000, v57;
	v35 =	vadd.s32 v24, v43;
	v34 =	vadd.s32 v23, v43  }
0x26e: {  	v3 =	vadd.f32 v3, v50;
	v39 =	vor.u32 v59, v34;
	v34 =	vld.idx.msk [tilespmem:v41+s23+$0x0], $0xffff;
	[tilespmem:v36+s28+$0x0] =	vst.idx.msk $0xffff, v60  }
0x26f: {  	v57 =	vor.u32 v59, v35;
	v35 =	vor.u32 v10, v39;
	v36 =	vmul.f32 v42, v25;
	v50 =	vld.idx.msk [tilespmem:v52+s23+$0x0], $0xffff  }
0x270: {  	v42 =	vadd.s32 v24, v46;
	v41 =	vadd.f32 v48, v3;
	v3 =	vadd.f32 v7, v45;
	v63 =	vld.idx.msk [tilespmem:v58+s23+$0x0], $0xffff  }
0x271: {  	v7 =	vor.u32 v9, v42;
	v45 =	vadd.f32 v44, v36;
	v39 =	vld.idx.msk [tilespmem:v53+s23+$0x0], $0xffff;
	v53 =	vadd.s32 v23, v46  }
0x272: {  	v43 =	vadd.s32 v26, v43;
	v36 =	vor.u32 v21, v7;
	v7 =	vadd.f32 v49, v61;
	v42 =	vld.idx.msk [tilespmem:v54+s23+$0x0], $0xffff  }
0x273: {  	v48 =	vadd.s32 v26, v46;
	v3 =	vadd.f32 v38, v3;
	v44 =	vld.idx.msk [tilespmem:v8+s23+$0x0], $0xffff;
	v8 =	vor.u32 v59, v43  }
0x274: {  	v7 =	vadd.f32 v37, v7;
	v46 =	vmul.f32 v34, v17;
	v43 =	vor.u32 v11, v8  }
0x275: {  	v49 =	vadd.f32 v51, v56;
	v8 =	vmul.f32 v50, v34;
	v38 =	vmul.f32 v50, v20  }
0x276: {  	v52 =	vadd.f32 v33, v62;
	v61 =	vor.u32 v9, v48;
	v47 =	vmul.f32 v50, v18;
	v33 =	vmovc v50  }
0x277: {  	v37 =	vmul.f32 v63, v20;
	v51 =	vmul.f32 v8, v15;
	v8 =	vadd.f32 v45, v55  }
0x278: {  	v3 =	vadd.f32 v49, v3;
	v56 =	vmul.f32 v39, v34;
	v45 =	vmul.f32 v34, v16  }
.Ltmp7:
0x279: {  	v49 =	vsub.f32 v52, v60;
	v48 =	vmul.f32 v63, v18;
	v55 =	vadd.f32 v42, v44;
	(pc) =	sbr.rel @p0 .LBB2_17-.Ltmp7, $4  }
0x27a: {  	v58 =	vor.u32 v9, v53;
	v52 =	vmul.f32 v63, v44;
	v54 =	vadd.f32 v8, v7  }
0x27b: {  	v53 =	vor.u32 v21, v57;
	v57 =	vsub.f32 v49, v3;
	v50 =	vmul.f32 v44, v17  }
0x27c: {  	v49 =	vmul.f32 v42, v28;
	v55 =	vadd.f32 v63, v55;
	[tilespmem:v40+s28+$0x0] =	vst.idx.msk $0xffff, v3  }
0x27d: {  	v59 =	vmul.f32 v63, v42;
	v56 =	vmul.f32 v56, v25;
	v40 =	vor.u32 v11, v61  }
0x27e: {  	v3 =	vmul.f32 v42, v30;
	v7 =	vmul.f32 v39, v28;
	v8 =	vsub.f32 v32, v41  }
0x27f: {  	v9 =	vor.u32 v10, v58;
	v58 =	vmul.f32 v39, v30;
	v11 =	vmul.f32 v33, v39  }
0x280: {  	v13 =	vmul.f32 v44, v16;
	v60 =	vmul.f32 v42, v44;
	v17 =	vadd.f32 v39, v34  }
0x281: {  	v15 =	vmul.f32 v52, v15;
	v14 =	vadd.f32 v51, v56;
	v8 =	vsub.f32 v8, v54  }
0x282: {  	[tilespmem:v31+s28+$0x0] =	vst.idx.msk $0xffff, v57;
	v10 =	vadd.f32 v58, v46;
	v3 =	vadd.f32 v3, v50  }
0x283: {  	v11 =	vmul.f32 v11, v29;
	v7 =	vadd.f32 v7, v45;
	v61 =	vadd.f32 v33, v17  }
0x284: {  	v16 =	vmul.f32 v60, v25;
	v13 =	vadd.f32 v49, v13;
	v10 =	vadd.f32 v47, v10  }
0x285: {  	[tilespmem:v27+s28+$0x0] =	vst.idx.msk $0xffff, v41;
	v7 =	vadd.f32 v38, v7;
	v11 =	vadd.f32 v14, v11  }
0x286: {  	v12 =	vmul.f32 v59, v29;
	v3 =	vadd.f32 v48, v3;
	v15 =	vadd.f32 v15, v16  }
0x287: {  	[tilespmem:v22+s28+$0x0] =	vst.idx.msk $0xffff, v54;
	v7 =	vadd.f32 v11, v7;
	v62 =	vsub.f32 v61, v10  }
0x288: {  	s1 =	sadd.s32 $0x1, s1;
	[tilespmem:v19+s28+$0x0] =	vst.idx.msk $0xffff, v8;
	v8 =	vadd.f32 v37, v13;
	v12 =	vadd.f32 v15, v12  }
0x289: {  	p0 =	sne.s32 s1, $0x20;
	[tilespmem:v36+s28+$0x0] =	vst.idx.msk $0xffff, v10;
	v63 =	vsub.f32 v62, v7  }
.Ltmp8:
0x28a: {  	v8 =	vadd.f32 v12, v8;
	[tilespmem:v40+s28+$0x0] =	vst.idx.msk $0xffff, v7;
	v7 =	vsub.f32 v55, v3;
	(pc) =	sbr.rel @p0 .LBB2_16-.Ltmp8, $4  }
0x28b: {  	[tilespmem:v53+s28+$0x0] =	vst.idx.msk $0xffff, v3  }
0x28c: {  	[tilespmem:v9+s28+$0x0] =	vst.idx.msk $0xffff, v63;
	v7 =	vsub.f32 v7, v8  }
0x28d: {  	[tilespmem:v43+s28+$0x0] =	vst.idx.msk $0xffff, v8  }
0x28e: {  	[tilespmem:v35+s28+$0x0] =	vst.idx.msk $0xffff, v7  }
0x28f: {  	s0 =	simm.s32 $0x0  }
0x290: {  	[hbm4b:s12+s0] =	stream.linear.scatter [tilespmem:s28], [sflag:$0x4], $0x6000, $0x38;
	[tilespmem:$0x11E00] =	vst v63  }
0x291: {  	_ = 	snop  }
0x292: {  	[tilespmem:s23], [sflag:$0x2] =	stream.linear.gather [hbm4b:s13+s0], $0x2000, $0x38;
	[tilespmem:$0x11E00] =	vst v63  }
0x293: {  	_ =	swait.ge [sflag:s24], $0x2000  }
0x294: {  	[sflag:s24] =	ssyncset.done $0x0  }
0x295: {  	[sflag:s24] =	ssyncadd.s32 $0xFFFFE000  }
0x296: {  	_ =	swait.ge [sflag:s29], $0x6000  }
0x297: {  	[sflag:s29] =	ssyncset.done $0x0  }
0x298: {  	s1 =	simm.s32 $0x0;
	[sflag:s29] =	ssyncadd.s32 $0xFFFFA000  }
.LBB2_20:
0x299: {  	s3 =	sshll.u32 s1, $0x4;
	v7 =	vld [tilespmem:$0x1FFC0]  }
0x29a: {  	v8 =	vld [tilespmem:$0x1FFD0];
	v3 =	vmov s3  }
0x29b: {  	v9 =	vld [tilespmem:$0x1FFF0];
	v3 =	vmul.u32 $0x3, v3;
	_ =	sdelay $0x1  }
0x29c: {  	v3 =	vbroadcast v3, $0x0  }
0x29d: {  	s4 =	simm.s32 $0x1  }
0x29e: {  	v15 =	vmov s4;
	v8 =	vadd.s32 v8, v3  }
0x29f: {  	v7 =	vadd.s32 v7, v3;
	v9 =	vadd.s32 v9, v3;
	v19 =	vshll.u32 v8, $0x3  }
0x2a0: {  	v11 =	vand.u32 $0x7F, v7;
	v10 =	vand.u32 $0x7F, v8;
	v8 =	vand.u32 $0xC00, v19  }
0x2a1: {  	v7 =	vshll.u32 v7, $0x3;
	v13 =	vor.u32 v8, v10;
	v8 =	vshll.u32 v9, $0x3  }
0x2a2: {  	v12 =	vand.u32 $0xC00, v7;
	v9 =	vand.u32 $0x7F, v9;
	v8 =	vand.u32 $0xC00, v8  }
0x2a3: {  	v12 =	vor.u32 v12, v11;
	v14 =	vor.u32 v8, v9;
	v8 =	vshrl.u32 v15, $0x3  }
0x2a4: {  	v9 =	vmov s0;
	v15 =	vshll.u32 v15, $0x7;
	v20 =	vshll.u32 v8, $0xC  }
0x2a5: {  	v21 =	vshrl.u32 v9, $0x3;
	v27 =	vand.u32 $0x380, v15;
	v9 =	vshll.u32 v9, $0x7  }
0x2a6: {  	v16 =	vor.u32 v12, v20;
	v22 =	vshll.u32 v21, $0xC;
	v15 =	vor.u32 v14, v20  }
0x2a7: {  	v17 =	vld [tilespmem:s3+$0xC00];
	s3 =	sand.u32 $0x1F0, s3;
	v9 =	vand.u32 $0x300, v9;
	v23 =	vor.u32 v27, v16;
	v24 =	vor.u32 v14, v22  }
0x2a8: {  	s7 =	simm.s32 $0x2;
	v18 =	vld [tilespmem:s3+$0x1000];
	v25 =	vor.u32 v27, v15;
	v26 =	vor.u32 v9, v24;
	v24 =	vor.u32 v13, v22  }
0x2a9: {  	s6 =	simm.s32 $0x3;
	v51 =	vmov s7;
	v29 =	vor.u32 v9, v24;
	v24 =	vld [tilespmem:$0x1FFE0]  }
0x2aa: {  	v50 =	vmov s6;
	v55 =	vshrl.u32 v51, $0x3;
	v16 =	vld [tilespmem:s3+$0x1200];
	v15 =	vor.u32 v13, v20  }
0x2ab: {  	v58 =	vshll.u32 v55, $0xC;
	v55 =	vmul.u32 $0x3000, v55;
	v20 =	vld [tilespmem:s3+$0x1600];
	v28 =	vor.u32 v27, v15  }
0x2ac: {  	v61 =	vor.u32 v13, v58;
	v8 =	vmul.u32 $0x3000, v8;
	v22 =	vor.u32 v12, v22;
	v33 =	vld.idx.msk [tilespmem:v23+s22+$0x0], $0xffff  }
0x2ad: {  	v62 =	vor.u32 v14, v58;
	v30 =	vmul.u32 $0x3000, v21;
	v22 =	vor.u32 v9, v22;
	v37 =	vld.idx.msk [tilespmem:v25+s22+$0x0], $0xffff  }
0x2ae: {  	v23 =	vand.u32 $0x7FFFFC00, v19;
	v31 =	vld.idx.msk [tilespmem:v26+s22+$0x0], $0xffff;
	v26 =	vand.u32 $0x7FFFFC00, v7;
	v3 =	vadd.s32 v24, v3  }
0x2af: {  	v15 =	vld [tilespmem:s3+$0x1A00];
	v32 =	vadd.s32 v23, v8;
	v21 =	vand.u32 $0x7F, v3;
	v3 =	vshll.u32 v3, $0x3  }
0x2b0: {  	v34 =	vld.idx.msk [tilespmem:v28+s22+$0x0], $0xffff;
	v25 =	vadd.s32 v26, v30;
	v47 =	vor.u32 v27, v32;
	v24 =	vand.u32 $0x7FFFFC00, v3  }
0x2b1: {  	v28 =	vld [tilespmem:s3+$0x1400];
	v3 =	vadd.s32 v23, v30;
	v7 =	vadd.s32 v24, v30;
	v38 =	vmul.f32 v33, v17  }
0x2b2: {  	v35 =	vld.idx.msk [tilespmem:v29+s22+$0x0], $0xffff;
	v3 =	vor.u32 v9, v3;
	v29 =	vmul.f32 v37, v33;
	v40 =	vmul.f32 v37, v20  }
0x2b3: {  	v36 =	vld.idx.msk [tilespmem:v22+s22+$0x0], $0xffff;
	v42 =	vmul.f32 v33, v16;
	v7 =	vor.u32 v9, v7;
	v19 =	vor.u32 v10, v3  }
0x2b4: {  	v3 =	vadd.s32 v24, v8;
	v9 =	vor.u32 v9, v25;
	v45 =	vmul.f32 v31, v20  }
0x2b5: {  	v8 =	vadd.s32 v26, v8;
	v41 =	vmul.f32 v34, v33;
	v43 =	vmul.f32 v31, v18  }
0x2b6: {  	v49 =	vmul.f32 v34, v28;
	v57 =	vmul.f32 v37, v34;
	v3 =	vor.u32 v27, v3  }
0x2b7: {  	v30 =	vld [tilespmem:s3+$0xE00];
	v22 =	vor.u32 v11, v9;
	v9 =	vmul.f32 v37, v18;
	v8 =	vor.u32 v27, v8  }
0x2b8: {  	v25 =	vld [tilespmem:s3+$0x1800];
	v39 =	vmul.f32 v29, v15;
	v44 =	vadd.f32 v35, v36;
	v46 =	vmul.f32 v31, v36  }
0x2b9: {  	v29 =	vld [tilespmem:s3+$0x1C00];
	v27 =	vor.u32 v21, v7;
	v7 =	vmul.f32 v35, v28;
	v60 =	vmul.f32 v36, v16  }
0x2ba: {  	v48 =	vmul.f32 v36, v17;
	v36 =	vmul.f32 v35, v36;
	v3 =	vor.u32 v21, v3  }
0x2bb: {  	v32 =	vadd.f32 v31, v44;
	v31 =	vmul.f32 v31, v35;
	v7 =	vadd.f32 v7, v60  }
0x2bc: {  	v8 =	vor.u32 v11, v8;
	v44 =	vmul.f32 v35, v30;
	v54 =	vmul.f32 v34, v30  }
0x2bd: {  	v41 =	vmul.f32 v41, v25;
	v36 =	vmul.f32 v36, v25;
	v7 =	vadd.f32 v45, v7  }
0x2be: {  	v52 =	vmul.f32 v31, v29;
	v31 =	vor.u32 v10, v47;
	v47 =	vshrl.u32 v50, $0x3  }
0x2bf: {  	v50 =	vshll.u32 v50, $0x7;
	v38 =	vadd.f32 v54, v38;
	v44 =	vadd.f32 v44, v48  }
0x2c0: {  	v53 =	vshll.u32 v47, $0xC;
	v63 =	vadd.f32 v39, v41;
	v39 =	vshll.u32 v51, $0x7  }
0x2c1: {  	v50 =	vand.u32 $0x380, v50;
	v51 =	vmul.f32 v57, v29;
	v41 =	vor.u32 v12, v58  }
0x2c2: {  	v56 =	vor.u32 v12, v53;
	v59 =	vor.u32 v14, v53;
	v53 =	vor.u32 v13, v53  }
0x2c3: {  	v57 =	vand.u32 $0x300, v39;
	v39 =	vmul.f32 v46, v15;
	v35 =	vor.u32 v50, v56  }
0x2c4: {  	v9 =	vadd.f32 v9, v38;
	v46 =	vor.u32 v57, v41;
	v41 =	vor.u32 v50, v59  }
0x2c5: {  	v38 =	vmul.u32 $0x3000, v47;
	v54 =	vor.u32 v57, v61;
	v56 =	vor.u32 v57, v62  }
0x2c6: {  	v53 =	vor.u32 v50, v53;
	v61 =	vadd.s32 v24, v55;
	v62 =	vadd.s32 v23, v55  }
0x2c7: {  	[tilespmem:v3+s25+$0x0] =	vst.idx.msk $0xffff, v9;
	v3 =	vor.u32 v57, v61;
	v61 =	vadd.s32 v24, v38  }
0x2c8: {  	v58 =	vadd.f32 v34, v33;
	v59 =	vor.u32 v57, v62;
	v62 =	vor.u32 v50, v61;
	v34 =	vld.idx.msk [tilespmem:v35+s22+$0x0], $0xffff  }
0x2c9: {  	v48 =	vadd.f32 v39, v36;
	v36 =	vor.u32 v21, v62;
	v62 =	vadd.s32 v26, v38;
	v33 =	vld.idx.msk [tilespmem:v41+s22+$0x0], $0xffff  }
0x2ca: {  	v60 =	vor.u32 v50, v62;
	v35 =	vor.u32 v10, v59;
	v41 =	vadd.f32 v43, v44;
	v56 =	vld.idx.msk [tilespmem:v56+s22+$0x0], $0xffff  }
0x2cb: {  	v43 =	vadd.f32 v49, v42;
	v49 =	vadd.s32 v23, v38;
	v39 =	vld.idx.msk [tilespmem:v53+s22+$0x0], $0xffff;
	v59 =	vadd.s32 v26, v55  }
0x2cc: {  	v53 =	vadd.f32 v37, v58;
	v55 =	vadd.f32 v48, v52;
	v61 =	vor.u32 v57, v59  }
0x2cd: {  	v44 =	vld.idx.msk [tilespmem:v46+s22+$0x0], $0xffff;
	v59 =	vadd.f32 v63, v51;
	v58 =	vor.u32 v50, v49;
	v40 =	vadd.f32 v40, v43  }
0x2ce: {  	v42 =	vld.idx.msk [tilespmem:v54+s22+$0x0], $0xffff;
	v43 =	vor.u32 v11, v61;
	v46 =	vmul.f32 v34, v17;
	v57 =	vmul.f32 v33, v34  }
0x2cf: {  	v9 =	vsub.f32 v53, v9;
	v38 =	vmul.f32 v33, v20;
	v47 =	vmul.f32 v33, v18  }
0x2d0: {  	v54 =	vadd.f32 v55, v7;
	v37 =	vmul.f32 v56, v20;
	v61 =	vmul.f32 v39, v34  }
0x2d1: {  	v53 =	vor.u32 v21, v3;
	v45 =	vmul.f32 v34, v16;
	v48 =	vmul.f32 v56, v18  }
0x2d2: {  	v40 =	vadd.f32 v59, v40;
	v52 =	vmul.f32 v56, v44;
	v50 =	vmul.f32 v44, v17  }
0x2d3: {  	v63 =	vadd.f32 v42, v44;
	v49 =	vmul.f32 v42, v28;
	v59 =	vmul.f32 v56, v42  }
0x2d4: {  	[tilespmem:v8+s25+$0x0] =	vst.idx.msk $0xffff, v40;
	v51 =	vmul.f32 v57, v15;
	v57 =	vsub.f32 v9, v40  }
0x2d5: {  	s3 =	simm.s32 $0x4;
	v55 =	vadd.f32 v56, v63;
	v56 =	vmul.f32 v61, v25;
	v40 =	vor.u32 v11, v60  }
.LBB2_21:
0x2d6: {  	s4 =	sadd.s32 $0x1, s3  }
0x2d7: {  	p0 =	slt.u32 s3, $0xE;
	v3 =	vmul.f32 v42, v30;
	v7 =	vmul.f32 v39, v28;
	v8 =	vsub.f32 v32, v41;
	v32 =	vmovc v55;
	s5 =	smov.u32 s3;
	s3 =	sadd.s32 $0x2, s3  }
0x2d8: {  	v9 =	vmov s4;
	v55 =	vmul.f32 v59, v29;
	[tilespmem:v31+s25+$0x0] =	vst.idx.msk $0xffff, v57;
	v31 =	vor.u32 v10, v58  }
0x2d9: {  	v57 =	vshrl.u32 v9, $0x3;
	v9 =	vshll.u32 v9, $0x7;
	v8 =	vsub.f32 v8, v54;
	[tilespmem:v27+s25+$0x0] =	vst.idx.msk $0xffff, v41;
	v27 =	vmovc v53  }
0x2da: {  	v58 =	vmul.f32 v39, v30;
	v41 =	vmov s5;
	v53 =	vshll.u32 v57, $0xC;
	[tilespmem:v22+s25+$0x0] =	vst.idx.msk $0xffff, v54;
	v22 =	vmovc v43  }
0x2db: {  	v59 =	vmul.f32 v33, v39;
	v43 =	vshrl.u32 v41, $0x3;
	v54 =	vor.u32 v12, v53;
	[tilespmem:v19+s25+$0x0] =	vst.idx.msk $0xffff, v8  }
0x2dc: {  	v61 =	vmul.f32 v44, v16;
	v8 =	vshll.u32 v43, $0xC;
	v60 =	vor.u32 v14, v53;
	v19 =	vmovc v35  }
0x2dd: {  	v51 =	vadd.f32 v51, v56;
	v35 =	vor.u32 v13, v8;
	v62 =	vor.u32 v14, v8  }
0x2de: {  	v41 =	vshll.u32 v41, $0x7;
	v9 =	vand.u32 $0x380, v9;
	v56 =	vmul.f32 v59, v29  }
0x2df: {  	v42 =	vmul.f32 v42, v44;
	v53 =	vor.u32 v13, v53;
	v8 =	vor.u32 v12, v8  }
0x2e0: {  	v44 =	vmul.f32 v52, v15;
	v59 =	vand.u32 $0x300, v41;
	v41 =	vor.u32 v9, v54  }
0x2e1: {  	v46 =	vadd.f32 v58, v46;
	v52 =	vor.u32 v9, v60;
	v8 =	vor.u32 v59, v8  }
0x2e2: {  	v43 =	vmul.u32 $0x3000, v43;
	v54 =	vor.u32 v59, v35;
	v58 =	vor.u32 v59, v62  }
0x2e3: {  	v53 =	vor.u32 v9, v53;
	v60 =	vadd.f32 v47, v46;
	v62 =	vadd.f32 v39, v34  }
0x2e4: {  	v46 =	vmul.u32 $0x3000, v57;
	v35 =	vadd.s32 v24, v43;
	v34 =	vadd.s32 v23, v43  }
0x2e5: {  	v3 =	vadd.f32 v3, v50;
	v39 =	vor.u32 v59, v34;
	v34 =	vld.idx.msk [tilespmem:v41+s22+$0x0], $0xffff;
	[tilespmem:v36+s25+$0x0] =	vst.idx.msk $0xffff, v60  }
0x2e6: {  	v57 =	vor.u32 v59, v35;
	v35 =	vor.u32 v10, v39;
	v36 =	vmul.f32 v42, v25;
	v50 =	vld.idx.msk [tilespmem:v52+s22+$0x0], $0xffff  }
0x2e7: {  	v42 =	vadd.s32 v24, v46;
	v41 =	vadd.f32 v48, v3;
	v3 =	vadd.f32 v7, v45;
	v63 =	vld.idx.msk [tilespmem:v58+s22+$0x0], $0xffff  }
0x2e8: {  	v7 =	vor.u32 v9, v42;
	v45 =	vadd.f32 v44, v36;
	v39 =	vld.idx.msk [tilespmem:v53+s22+$0x0], $0xffff;
	v53 =	vadd.s32 v23, v46  }
0x2e9: {  	v43 =	vadd.s32 v26, v43;
	v36 =	vor.u32 v21, v7;
	v7 =	vadd.f32 v49, v61;
	v42 =	vld.idx.msk [tilespmem:v54+s22+$0x0], $0xffff  }
0x2ea: {  	v48 =	vadd.s32 v26, v46;
	v3 =	vadd.f32 v38, v3;
	v44 =	vld.idx.msk [tilespmem:v8+s22+$0x0], $0xffff;
	v8 =	vor.u32 v59, v43  }
0x2eb: {  	v7 =	vadd.f32 v37, v7;
	v46 =	vmul.f32 v34, v17;
	v43 =	vor.u32 v11, v8  }
0x2ec: {  	v49 =	vadd.f32 v51, v56;
	v8 =	vmul.f32 v50, v34;
	v38 =	vmul.f32 v50, v20  }
0x2ed: {  	v52 =	vadd.f32 v33, v62;
	v61 =	vor.u32 v9, v48;
	v47 =	vmul.f32 v50, v18;
	v33 =	vmovc v50  }
0x2ee: {  	v37 =	vmul.f32 v63, v20;
	v51 =	vmul.f32 v8, v15;
	v8 =	vadd.f32 v45, v55  }
0x2ef: {  	v3 =	vadd.f32 v49, v3;
	v56 =	vmul.f32 v39, v34;
	v45 =	vmul.f32 v34, v16  }
.Ltmp9:
0x2f0: {  	v49 =	vsub.f32 v52, v60;
	v48 =	vmul.f32 v63, v18;
	v55 =	vadd.f32 v42, v44;
	(pc) =	sbr.rel @p0 .LBB2_21-.Ltmp9, $4  }
0x2f1: {  	v58 =	vor.u32 v9, v53;
	v52 =	vmul.f32 v63, v44;
	v54 =	vadd.f32 v8, v7  }
0x2f2: {  	v53 =	vor.u32 v21, v57;
	v57 =	vsub.f32 v49, v3;
	v50 =	vmul.f32 v44, v17  }
0x2f3: {  	v49 =	vmul.f32 v42, v28;
	v55 =	vadd.f32 v63, v55;
	[tilespmem:v40+s25+$0x0] =	vst.idx.msk $0xffff, v3  }
0x2f4: {  	v59 =	vmul.f32 v63, v42;
	v56 =	vmul.f32 v56, v25;
	v40 =	vor.u32 v11, v61  }
0x2f5: {  	v3 =	vmul.f32 v42, v30;
	v7 =	vmul.f32 v39, v28;
	v8 =	vsub.f32 v32, v41  }
0x2f6: {  	v9 =	vor.u32 v10, v58;
	v58 =	vmul.f32 v39, v30;
	v11 =	vmul.f32 v33, v39  }
0x2f7: {  	v13 =	vmul.f32 v44, v16;
	v60 =	vmul.f32 v42, v44;
	v17 =	vadd.f32 v39, v34  }
0x2f8: {  	v15 =	vmul.f32 v52, v15;
	v14 =	vadd.f32 v51, v56;
	v8 =	vsub.f32 v8, v54  }
0x2f9: {  	[tilespmem:v31+s25+$0x0] =	vst.idx.msk $0xffff, v57;
	v10 =	vadd.f32 v58, v46;
	v3 =	vadd.f32 v3, v50  }
0x2fa: {  	v11 =	vmul.f32 v11, v29;
	v7 =	vadd.f32 v7, v45;
	v61 =	vadd.f32 v33, v17  }
0x2fb: {  	v16 =	vmul.f32 v60, v25;
	v13 =	vadd.f32 v49, v13;
	v10 =	vadd.f32 v47, v10  }
0x2fc: {  	[tilespmem:v27+s25+$0x0] =	vst.idx.msk $0xffff, v41;
	v7 =	vadd.f32 v38, v7;
	v11 =	vadd.f32 v14, v11  }
0x2fd: {  	v12 =	vmul.f32 v59, v29;
	v3 =	vadd.f32 v48, v3;
	v15 =	vadd.f32 v15, v16  }
0x2fe: {  	[tilespmem:v22+s25+$0x0] =	vst.idx.msk $0xffff, v54;
	v7 =	vadd.f32 v11, v7;
	v62 =	vsub.f32 v61, v10  }
0x2ff: {  	s1 =	sadd.s32 $0x1, s1;
	[tilespmem:v19+s25+$0x0] =	vst.idx.msk $0xffff, v8;
	v8 =	vadd.f32 v37, v13;
	v12 =	vadd.f32 v15, v12  }
0x300: {  	p0 =	sne.s32 s1, $0x20;
	[tilespmem:v36+s25+$0x0] =	vst.idx.msk $0xffff, v10;
	v63 =	vsub.f32 v62, v7  }
.Ltmp10:
0x301: {  	v8 =	vadd.f32 v12, v8;
	[tilespmem:v40+s25+$0x0] =	vst.idx.msk $0xffff, v7;
	v7 =	vsub.f32 v55, v3;
	(pc) =	sbr.rel @p0 .LBB2_20-.Ltmp10, $4  }
0x302: {  	[tilespmem:v53+s25+$0x0] =	vst.idx.msk $0xffff, v3  }
0x303: {  	[tilespmem:v9+s25+$0x0] =	vst.idx.msk $0xffff, v63;
	v7 =	vsub.f32 v7, v8  }
0x304: {  	[tilespmem:v43+s25+$0x0] =	vst.idx.msk $0xffff, v8  }
0x305: {  	[tilespmem:v35+s25+$0x0] =	vst.idx.msk $0xffff, v7  }
0x306: {  	s0 =	simm.s32 $0x0  }
0x307: {  	[hbm4b:s14+s0] =	stream.linear.scatter [tilespmem:s25], [sflag:$0x3], $0x6000, $0x38;
	[tilespmem:$0x11E00] =	vst v63  }
0x308: {  	_ = 	snop  }
0x309: {  	[tilespmem:s22], [sflag:$0x1] =	stream.linear.gather [hbm4b:s15+s0], $0x2000, $0x38;
	[tilespmem:$0x11E00] =	vst v63  }
0x30a: {  	_ =	swait.ge [sflag:s26], $0x2000  }
0x30b: {  	[sflag:s26] =	ssyncset.done $0x0  }
0x30c: {  	[sflag:s26] =	ssyncadd.s32 $0xFFFFE000  }
0x30d: {  	_ =	swait.ge [sflag:s30], $0x6000  }
0x30e: {  	[sflag:s30] =	ssyncset.done $0x0  }
0x30f: {  	s1 =	simm.s32 $0x0;
	[sflag:s30] =	ssyncadd.s32 $0xFFFFA000  }
.LBB2_24:
0x310: {  	s3 =	sshll.u32 s1, $0x4;
	v7 =	vld [tilespmem:$0x1FFC0]  }
0x311: {  	v8 =	vld [tilespmem:$0x1FFD0];
	v3 =	vmov s3  }
0x312: {  	v9 =	vld [tilespmem:$0x1FFF0];
	v3 =	vmul.u32 $0x3, v3;
	_ =	sdelay $0x1  }
0x313: {  	v3 =	vbroadcast v3, $0x0  }
0x314: {  	s4 =	simm.s32 $0x1  }
0x315: {  	v15 =	vmov s4;
	v8 =	vadd.s32 v8, v3  }
0x316: {  	v7 =	vadd.s32 v7, v3;
	v9 =	vadd.s32 v9, v3;
	v19 =	vshll.u32 v8, $0x3  }
0x317: {  	v11 =	vand.u32 $0x7F, v7;
	v10 =	vand.u32 $0x7F, v8;
	v8 =	vand.u32 $0xC00, v19  }
0x318: {  	v7 =	vshll.u32 v7, $0x3;
	v13 =	vor.u32 v8, v10;
	v8 =	vshll.u32 v9, $0x3  }
0x319: {  	v12 =	vand.u32 $0xC00, v7;
	v9 =	vand.u32 $0x7F, v9;
	v8 =	vand.u32 $0xC00, v8  }
0x31a: {  	v12 =	vor.u32 v12, v11;
	v14 =	vor.u32 v8, v9;
	v8 =	vshrl.u32 v15, $0x3  }
0x31b: {  	v9 =	vmov s0;
	v15 =	vshll.u32 v15, $0x7;
	v20 =	vshll.u32 v8, $0xC  }
0x31c: {  	v21 =	vshrl.u32 v9, $0x3;
	v27 =	vand.u32 $0x380, v15;
	v9 =	vshll.u32 v9, $0x7  }
0x31d: {  	v16 =	vor.u32 v12, v20;
	v22 =	vshll.u32 v21, $0xC;
	v15 =	vor.u32 v14, v20  }
0x31e: {  	v17 =	vld [tilespmem:s3+$0xC00];
	s3 =	sand.u32 $0x1F0, s3;
	v9 =	vand.u32 $0x300, v9;
	v23 =	vor.u32 v27, v16;
	v24 =	vor.u32 v14, v22  }
0x31f: {  	s7 =	simm.s32 $0x2;
	v18 =	vld [tilespmem:s3+$0x1000];
	v25 =	vor.u32 v27, v15;
	v26 =	vor.u32 v9, v24;
	v24 =	vor.u32 v13, v22  }
0x320: {  	s6 =	simm.s32 $0x3;
	v51 =	vmov s7;
	v29 =	vor.u32 v9, v24;
	v24 =	vld [tilespmem:$0x1FFE0]  }
0x321: {  	v50 =	vmov s6;
	v55 =	vshrl.u32 v51, $0x3;
	v16 =	vld [tilespmem:s3+$0x1200];
	v15 =	vor.u32 v13, v20  }
0x322: {  	v58 =	vshll.u32 v55, $0xC;
	v55 =	vmul.u32 $0x3000, v55;
	v20 =	vld [tilespmem:s3+$0x1600];
	v28 =	vor.u32 v27, v15  }
0x323: {  	v61 =	vor.u32 v13, v58;
	v8 =	vmul.u32 $0x3000, v8;
	v22 =	vor.u32 v12, v22;
	v33 =	vld.idx.msk [tilespmem:v23+s23+$0x0], $0xffff  }
0x324: {  	v62 =	vor.u32 v14, v58;
	v30 =	vmul.u32 $0x3000, v21;
	v22 =	vor.u32 v9, v22;
	v37 =	vld.idx.msk [tilespmem:v25+s23+$0x0], $0xffff  }
0x325: {  	v23 =	vand.u32 $0x7FFFFC00, v19;
	v31 =	vld.idx.msk [tilespmem:v26+s23+$0x0], $0xffff;
	v26 =	vand.u32 $0x7FFFFC00, v7;
	v3 =	vadd.s32 v24, v3  }
0x326: {  	v15 =	vld [tilespmem:s3+$0x1A00];
	v32 =	vadd.s32 v23, v8;
	v21 =	vand.u32 $0x7F, v3;
	v3 =	vshll.u32 v3, $0x3  }
0x327: {  	v34 =	vld.idx.msk [tilespmem:v28+s23+$0x0], $0xffff;
	v25 =	vadd.s32 v26, v30;
	v47 =	vor.u32 v27, v32;
	v24 =	vand.u32 $0x7FFFFC00, v3  }
0x328: {  	v28 =	vld [tilespmem:s3+$0x1400];
	v3 =	vadd.s32 v23, v30;
	v7 =	vadd.s32 v24, v30;
	v38 =	vmul.f32 v33, v17  }
0x329: {  	v35 =	vld.idx.msk [tilespmem:v29+s23+$0x0], $0xffff;
	v3 =	vor.u32 v9, v3;
	v29 =	vmul.f32 v37, v33;
	v40 =	vmul.f32 v37, v20  }
0x32a: {  	v36 =	vld.idx.msk [tilespmem:v22+s23+$0x0], $0xffff;
	v42 =	vmul.f32 v33, v16;
	v7 =	vor.u32 v9, v7;
	v19 =	vor.u32 v10, v3  }
0x32b: {  	v3 =	vadd.s32 v24, v8;
	v9 =	vor.u32 v9, v25;
	v45 =	vmul.f32 v31, v20  }
0x32c: {  	v8 =	vadd.s32 v26, v8;
	v41 =	vmul.f32 v34, v33;
	v43 =	vmul.f32 v31, v18  }
0x32d: {  	v49 =	vmul.f32 v34, v28;
	v57 =	vmul.f32 v37, v34;
	v3 =	vor.u32 v27, v3  }
0x32e: {  	v30 =	vld [tilespmem:s3+$0xE00];
	v22 =	vor.u32 v11, v9;
	v9 =	vmul.f32 v37, v18;
	v8 =	vor.u32 v27, v8  }
0x32f: {  	v25 =	vld [tilespmem:s3+$0x1800];
	v39 =	vmul.f32 v29, v15;
	v44 =	vadd.f32 v35, v36;
	v46 =	vmul.f32 v31, v36  }
0x330: {  	v29 =	vld [tilespmem:s3+$0x1C00];
	v27 =	vor.u32 v21, v7;
	v7 =	vmul.f32 v35, v28;
	v60 =	vmul.f32 v36, v16  }
0x331: {  	v48 =	vmul.f32 v36, v17;
	v36 =	vmul.f32 v35, v36;
	v3 =	vor.u32 v21, v3  }
0x332: {  	v32 =	vadd.f32 v31, v44;
	v31 =	vmul.f32 v31, v35;
	v7 =	vadd.f32 v7, v60  }
0x333: {  	v8 =	vor.u32 v11, v8;
	v44 =	vmul.f32 v35, v30;
	v54 =	vmul.f32 v34, v30  }
0x334: {  	v41 =	vmul.f32 v41, v25;
	v36 =	vmul.f32 v36, v25;
	v7 =	vadd.f32 v45, v7  }
0x335: {  	v52 =	vmul.f32 v31, v29;
	v31 =	vor.u32 v10, v47;
	v47 =	vshrl.u32 v50, $0x3  }
0x336: {  	v50 =	vshll.u32 v50, $0x7;
	v38 =	vadd.f32 v54, v38;
	v44 =	vadd.f32 v44, v48  }
0x337: {  	v53 =	vshll.u32 v47, $0xC;
	v63 =	vadd.f32 v39, v41;
	v39 =	vshll.u32 v51, $0x7  }
0x338: {  	v50 =	vand.u32 $0x380, v50;
	v51 =	vmul.f32 v57, v29;
	v41 =	vor.u32 v12, v58  }
0x339: {  	v56 =	vor.u32 v12, v53;
	v59 =	vor.u32 v14, v53;
	v53 =	vor.u32 v13, v53  }
0x33a: {  	v57 =	vand.u32 $0x300, v39;
	v39 =	vmul.f32 v46, v15;
	v35 =	vor.u32 v50, v56  }
0x33b: {  	v9 =	vadd.f32 v9, v38;
	v46 =	vor.u32 v57, v41;
	v41 =	vor.u32 v50, v59  }
0x33c: {  	v38 =	vmul.u32 $0x3000, v47;
	v54 =	vor.u32 v57, v61;
	v56 =	vor.u32 v57, v62  }
0x33d: {  	v53 =	vor.u32 v50, v53;
	v61 =	vadd.s32 v24, v55;
	v62 =	vadd.s32 v23, v55  }
0x33e: {  	[tilespmem:v3+s28+$0x0] =	vst.idx.msk $0xffff, v9;
	v3 =	vor.u32 v57, v61;
	v61 =	vadd.s32 v24, v38  }
0x33f: {  	v58 =	vadd.f32 v34, v33;
	v59 =	vor.u32 v57, v62;
	v62 =	vor.u32 v50, v61;
	v34 =	vld.idx.msk [tilespmem:v35+s23+$0x0], $0xffff  }
0x340: {  	v48 =	vadd.f32 v39, v36;
	v36 =	vor.u32 v21, v62;
	v62 =	vadd.s32 v26, v38;
	v33 =	vld.idx.msk [tilespmem:v41+s23+$0x0], $0xffff  }
0x341: {  	v60 =	vor.u32 v50, v62;
	v35 =	vor.u32 v10, v59;
	v41 =	vadd.f32 v43, v44;
	v56 =	vld.idx.msk [tilespmem:v56+s23+$0x0], $0xffff  }
0x342: {  	v43 =	vadd.f32 v49, v42;
	v49 =	vadd.s32 v23, v38;
	v39 =	vld.idx.msk [tilespmem:v53+s23+$0x0], $0xffff;
	v59 =	vadd.s32 v26, v55  }
0x343: {  	v53 =	vadd.f32 v37, v58;
	v55 =	vadd.f32 v48, v52;
	v61 =	vor.u32 v57, v59  }
0x344: {  	v44 =	vld.idx.msk [tilespmem:v46+s23+$0x0], $0xffff;
	v59 =	vadd.f32 v63, v51;
	v58 =	vor.u32 v50, v49;
	v40 =	vadd.f32 v40, v43  }
0x345: {  	v42 =	vld.idx.msk [tilespmem:v54+s23+$0x0], $0xffff;
	v43 =	vor.u32 v11, v61;
	v46 =	vmul.f32 v34, v17;
	v57 =	vmul.f32 v33, v34  }
0x346: {  	v9 =	vsub.f32 v53, v9;
	v38 =	vmul.f32 v33, v20;
	v47 =	vmul.f32 v33, v18  }
0x347: {  	v54 =	vadd.f32 v55, v7;
	v37 =	vmul.f32 v56, v20;
	v61 =	vmul.f32 v39, v34  }
0x348: {  	v53 =	vor.u32 v21, v3;
	v45 =	vmul.f32 v34, v16;
	v48 =	vmul.f32 v56, v18  }
0x349: {  	v40 =	vadd.f32 v59, v40;
	v52 =	vmul.f32 v56, v44;
	v50 =	vmul.f32 v44, v17  }
0x34a: {  	v63 =	vadd.f32 v42, v44;
	v49 =	vmul.f32 v42, v28;
	v59 =	vmul.f32 v56, v42  }
0x34b: {  	[tilespmem:v8+s28+$0x0] =	vst.idx.msk $0xffff, v40;
	v51 =	vmul.f32 v57, v15;
	v57 =	vsub.f32 v9, v40  }
0x34c: {  	s3 =	simm.s32 $0x4;
	v55 =	vadd.f32 v56, v63;
	v56 =	vmul.f32 v61, v25;
	v40 =	vor.u32 v11, v60  }
.LBB2_25:
0x34d: {  	s4 =	sadd.s32 $0x1, s3  }
0x34e: {  	p0 =	slt.u32 s3, $0xE;
	v3 =	vmul.f32 v42, v30;
	v7 =	vmul.f32 v39, v28;
	v8 =	vsub.f32 v32, v41;
	v32 =	vmovc v55;
	s5 =	smov.u32 s3;
	s3 =	sadd.s32 $0x2, s3  }
0x34f: {  	v9 =	vmov s4;
	v55 =	vmul.f32 v59, v29;
	[tilespmem:v31+s28+$0x0] =	vst.idx.msk $0xffff, v57;
	v31 =	vor.u32 v10, v58  }
0x350: {  	v57 =	vshrl.u32 v9, $0x3;
	v9 =	vshll.u32 v9, $0x7;
	v8 =	vsub.f32 v8, v54;
	[tilespmem:v27+s28+$0x0] =	vst.idx.msk $0xffff, v41;
	v27 =	vmovc v53  }
0x351: {  	v58 =	vmul.f32 v39, v30;
	v41 =	vmov s5;
	v53 =	vshll.u32 v57, $0xC;
	[tilespmem:v22+s28+$0x0] =	vst.idx.msk $0xffff, v54;
	v22 =	vmovc v43  }
0x352: {  	v59 =	vmul.f32 v33, v39;
	v43 =	vshrl.u32 v41, $0x3;
	v54 =	vor.u32 v12, v53;
	[tilespmem:v19+s28+$0x0] =	vst.idx.msk $0xffff, v8  }
0x353: {  	v61 =	vmul.f32 v44, v16;
	v8 =	vshll.u32 v43, $0xC;
	v60 =	vor.u32 v14, v53;
	v19 =	vmovc v35  }
0x354: {  	v51 =	vadd.f32 v51, v56;
	v35 =	vor.u32 v13, v8;
	v62 =	vor.u32 v14, v8  }
0x355: {  	v41 =	vshll.u32 v41, $0x7;
	v9 =	vand.u32 $0x380, v9;
	v56 =	vmul.f32 v59, v29  }
0x356: {  	v42 =	vmul.f32 v42, v44;
	v53 =	vor.u32 v13, v53;
	v8 =	vor.u32 v12, v8  }
0x357: {  	v44 =	vmul.f32 v52, v15;
	v59 =	vand.u32 $0x300, v41;
	v41 =	vor.u32 v9, v54  }
0x358: {  	v46 =	vadd.f32 v58, v46;
	v52 =	vor.u32 v9, v60;
	v8 =	vor.u32 v59, v8  }
0x359: {  	v43 =	vmul.u32 $0x3000, v43;
	v54 =	vor.u32 v59, v35;
	v58 =	vor.u32 v59, v62  }
0x35a: {  	v53 =	vor.u32 v9, v53;
	v60 =	vadd.f32 v47, v46;
	v62 =	vadd.f32 v39, v34  }
0x35b: {  	v46 =	vmul.u32 $0x3000, v57;
	v35 =	vadd.s32 v24, v43;
	v34 =	vadd.s32 v23, v43  }
0x35c: {  	v3 =	vadd.f32 v3, v50;
	v39 =	vor.u32 v59, v34;
	v34 =	vld.idx.msk [tilespmem:v41+s23+$0x0], $0xffff;
	[tilespmem:v36+s28+$0x0] =	vst.idx.msk $0xffff, v60  }
0x35d: {  	v57 =	vor.u32 v59, v35;
	v35 =	vor.u32 v10, v39;
	v36 =	vmul.f32 v42, v25;
	v50 =	vld.idx.msk [tilespmem:v52+s23+$0x0], $0xffff  }
0x35e: {  	v42 =	vadd.s32 v24, v46;
	v41 =	vadd.f32 v48, v3;
	v3 =	vadd.f32 v7, v45;
	v63 =	vld.idx.msk [tilespmem:v58+s23+$0x0], $0xffff  }
0x35f: {  	v7 =	vor.u32 v9, v42;
	v45 =	vadd.f32 v44, v36;
	v39 =	vld.idx.msk [tilespmem:v53+s23+$0x0], $0xffff;
	v53 =	vadd.s32 v23, v46  }
0x360: {  	v43 =	vadd.s32 v26, v43;
	v36 =	vor.u32 v21, v7;
	v7 =	vadd.f32 v49, v61;
	v42 =	vld.idx.msk [tilespmem:v54+s23+$0x0], $0xffff  }
0x361: {  	v48 =	vadd.s32 v26, v46;
	v3 =	vadd.f32 v38, v3;
	v44 =	vld.idx.msk [tilespmem:v8+s23+$0x0], $0xffff;
	v8 =	vor.u32 v59, v43  }
0x362: {  	v7 =	vadd.f32 v37, v7;
	v46 =	vmul.f32 v34, v17;
	v43 =	vor.u32 v11, v8  }
0x363: {  	v49 =	vadd.f32 v51, v56;
	v8 =	vmul.f32 v50, v34;
	v38 =	vmul.f32 v50, v20  }
0x364: {  	v52 =	vadd.f32 v33, v62;
	v61 =	vor.u32 v9, v48;
	v47 =	vmul.f32 v50, v18;
	v33 =	vmovc v50  }
0x365: {  	v37 =	vmul.f32 v63, v20;
	v51 =	vmul.f32 v8, v15;
	v8 =	vadd.f32 v45, v55  }
0x366: {  	v3 =	vadd.f32 v49, v3;
	v56 =	vmul.f32 v39, v34;
	v45 =	vmul.f32 v34, v16  }
.Ltmp11:
0x367: {  	v49 =	vsub.f32 v52, v60;
	v48 =	vmul.f32 v63, v18;
	v55 =	vadd.f32 v42, v44;
	(pc) =	sbr.rel @p0 .LBB2_25-.Ltmp11, $4  }
0x368: {  	v58 =	vor.u32 v9, v53;
	v52 =	vmul.f32 v63, v44;
	v54 =	vadd.f32 v8, v7  }
0x369: {  	v53 =	vor.u32 v21, v57;
	v57 =	vsub.f32 v49, v3;
	v50 =	vmul.f32 v44, v17  }
0x36a: {  	v49 =	vmul.f32 v42, v28;
	v55 =	vadd.f32 v63, v55;
	[tilespmem:v40+s28+$0x0] =	vst.idx.msk $0xffff, v3  }
0x36b: {  	v59 =	vmul.f32 v63, v42;
	v56 =	vmul.f32 v56, v25;
	v40 =	vor.u32 v11, v61  }
0x36c: {  	v3 =	vmul.f32 v42, v30;
	v7 =	vmul.f32 v39, v28;
	v8 =	vsub.f32 v32, v41  }
0x36d: {  	v9 =	vor.u32 v10, v58;
	v58 =	vmul.f32 v39, v30;
	v11 =	vmul.f32 v33, v39  }
0x36e: {  	v13 =	vmul.f32 v44, v16;
	v60 =	vmul.f32 v42, v44;
	v17 =	vadd.f32 v39, v34  }
0x36f: {  	v15 =	vmul.f32 v52, v15;
	v14 =	vadd.f32 v51, v56;
	v8 =	vsub.f32 v8, v54  }
0x370: {  	[tilespmem:v31+s28+$0x0] =	vst.idx.msk $0xffff, v57;
	v10 =	vadd.f32 v58, v46;
	v3 =	vadd.f32 v3, v50  }
0x371: {  	v11 =	vmul.f32 v11, v29;
	v7 =	vadd.f32 v7, v45;
	v61 =	vadd.f32 v33, v17  }
0x372: {  	v16 =	vmul.f32 v60, v25;
	v13 =	vadd.f32 v49, v13;
	v10 =	vadd.f32 v47, v10  }
0x373: {  	[tilespmem:v27+s28+$0x0] =	vst.idx.msk $0xffff, v41;
	v7 =	vadd.f32 v38, v7;
	v11 =	vadd.f32 v14, v11  }
0x374: {  	v12 =	vmul.f32 v59, v29;
	v3 =	vadd.f32 v48, v3;
	v15 =	vadd.f32 v15, v16  }
0x375: {  	[tilespmem:v22+s28+$0x0] =	vst.idx.msk $0xffff, v54;
	v7 =	vadd.f32 v11, v7;
	v62 =	vsub.f32 v61, v10  }
0x376: {  	s1 =	sadd.s32 $0x1, s1;
	[tilespmem:v19+s28+$0x0] =	vst.idx.msk $0xffff, v8;
	v8 =	vadd.f32 v37, v13;
	v12 =	vadd.f32 v15, v12  }
0x377: {  	p0 =	sne.s32 s1, $0x20;
	[tilespmem:v36+s28+$0x0] =	vst.idx.msk $0xffff, v10;
	v63 =	vsub.f32 v62, v7  }
.Ltmp12:
0x378: {  	v8 =	vadd.f32 v12, v8;
	[tilespmem:v40+s28+$0x0] =	vst.idx.msk $0xffff, v7;
	v7 =	vsub.f32 v55, v3;
	(pc) =	sbr.rel @p0 .LBB2_24-.Ltmp12, $4  }
0x379: {  	[tilespmem:v53+s28+$0x0] =	vst.idx.msk $0xffff, v3  }
0x37a: {  	[tilespmem:v9+s28+$0x0] =	vst.idx.msk $0xffff, v63;
	v7 =	vsub.f32 v7, v8  }
0x37b: {  	[tilespmem:v43+s28+$0x0] =	vst.idx.msk $0xffff, v8  }
0x37c: {  	[tilespmem:v35+s28+$0x0] =	vst.idx.msk $0xffff, v7  }
0x37d: {  	s0 =	simm.s32 $0x0  }
0x37e: {  	[hbm4b:s16+s0] =	stream.linear.scatter [tilespmem:s28], [sflag:$0x4], $0x6000, $0x38;
	[tilespmem:$0x11E00] =	vst v63  }
0x37f: {  	_ = 	snop  }
0x380: {  	[tilespmem:s23], [sflag:$0x2] =	stream.linear.gather [hbm4b:s17+s0], $0x2000, $0x38;
	[tilespmem:$0x11E00] =	vst v63  }
0x381: {  	_ =	swait.ge [sflag:s24], $0x2000  }
0x382: {  	[sflag:s24] =	ssyncset.done $0x0  }
0x383: {  	[sflag:s24] =	ssyncadd.s32 $0xFFFFE000  }
0x384: {  	_ =	swait.ge [sflag:s29], $0x6000  }
0x385: {  	[sflag:s29] =	ssyncset.done $0x0  }
0x386: {  	s1 =	simm.s32 $0x0;
	[sflag:s29] =	ssyncadd.s32 $0xFFFFA000  }
.LBB2_28:
0x387: {  	s3 =	sshll.u32 s1, $0x4;
	v7 =	vld [tilespmem:$0x1FFC0]  }
0x388: {  	v8 =	vld [tilespmem:$0x1FFD0];
	v3 =	vmov s3  }
0x389: {  	v9 =	vld [tilespmem:$0x1FFF0];
	v3 =	vmul.u32 $0x3, v3;
	_ =	sdelay $0x1  }
0x38a: {  	v3 =	vbroadcast v3, $0x0  }
0x38b: {  	s4 =	simm.s32 $0x1  }
0x38c: {  	v15 =	vmov s4;
	v8 =	vadd.s32 v8, v3  }
0x38d: {  	v7 =	vadd.s32 v7, v3;
	v9 =	vadd.s32 v9, v3;
	v19 =	vshll.u32 v8, $0x3  }
0x38e: {  	v11 =	vand.u32 $0x7F, v7;
	v10 =	vand.u32 $0x7F, v8;
	v8 =	vand.u32 $0xC00, v19  }
0x38f: {  	v7 =	vshll.u32 v7, $0x3;
	v13 =	vor.u32 v8, v10;
	v8 =	vshll.u32 v9, $0x3  }
0x390: {  	v12 =	vand.u32 $0xC00, v7;
	v9 =	vand.u32 $0x7F, v9;
	v8 =	vand.u32 $0xC00, v8  }
0x391: {  	v12 =	vor.u32 v12, v11;
	v14 =	vor.u32 v8, v9;
	v8 =	vshrl.u32 v15, $0x3  }
0x392: {  	v9 =	vmov s0;
	v15 =	vshll.u32 v15, $0x7;
	v20 =	vshll.u32 v8, $0xC  }
0x393: {  	v21 =	vshrl.u32 v9, $0x3;
	v27 =	vand.u32 $0x380, v15;
	v9 =	vshll.u32 v9, $0x7  }
0x394: {  	v16 =	vor.u32 v12, v20;
	v22 =	vshll.u32 v21, $0xC;
	v15 =	vor.u32 v14, v20  }
0x395: {  	v17 =	vld [tilespmem:s3+$0xC00];
	s3 =	sand.u32 $0x1F0, s3;
	v9 =	vand.u32 $0x300, v9;
	v23 =	vor.u32 v27, v16;
	v24 =	vor.u32 v14, v22  }
0x396: {  	s7 =	simm.s32 $0x2;
	v18 =	vld [tilespmem:s3+$0x1000];
	v25 =	vor.u32 v27, v15;
	v26 =	vor.u32 v9, v24;
	v24 =	vor.u32 v13, v22  }
0x397: {  	s6 =	simm.s32 $0x3;
	v51 =	vmov s7;
	v29 =	vor.u32 v9, v24;
	v24 =	vld [tilespmem:$0x1FFE0]  }
0x398: {  	v50 =	vmov s6;
	v55 =	vshrl.u32 v51, $0x3;
	v16 =	vld [tilespmem:s3+$0x1200];
	v15 =	vor.u32 v13, v20  }
0x399: {  	v58 =	vshll.u32 v55, $0xC;
	v55 =	vmul.u32 $0x3000, v55;
	v20 =	vld [tilespmem:s3+$0x1600];
	v28 =	vor.u32 v27, v15  }
0x39a: {  	v61 =	vor.u32 v13, v58;
	v8 =	vmul.u32 $0x3000, v8;
	v22 =	vor.u32 v12, v22;
	v33 =	vld.idx.msk [tilespmem:v23+s22+$0x0], $0xffff  }
0x39b: {  	v62 =	vor.u32 v14, v58;
	v30 =	vmul.u32 $0x3000, v21;
	v22 =	vor.u32 v9, v22;
	v37 =	vld.idx.msk [tilespmem:v25+s22+$0x0], $0xffff  }
0x39c: {  	v23 =	vand.u32 $0x7FFFFC00, v19;
	v31 =	vld.idx.msk [tilespmem:v26+s22+$0x0], $0xffff;
	v26 =	vand.u32 $0x7FFFFC00, v7;
	v3 =	vadd.s32 v24, v3  }
0x39d: {  	v15 =	vld [tilespmem:s3+$0x1A00];
	v32 =	vadd.s32 v23, v8;
	v21 =	vand.u32 $0x7F, v3;
	v3 =	vshll.u32 v3, $0x3  }
0x39e: {  	v34 =	vld.idx.msk [tilespmem:v28+s22+$0x0], $0xffff;
	v25 =	vadd.s32 v26, v30;
	v47 =	vor.u32 v27, v32;
	v24 =	vand.u32 $0x7FFFFC00, v3  }
0x39f: {  	v28 =	vld [tilespmem:s3+$0x1400];
	v3 =	vadd.s32 v23, v30;
	v7 =	vadd.s32 v24, v30;
	v38 =	vmul.f32 v33, v17  }
0x3a0: {  	v35 =	vld.idx.msk [tilespmem:v29+s22+$0x0], $0xffff;
	v3 =	vor.u32 v9, v3;
	v29 =	vmul.f32 v37, v33;
	v40 =	vmul.f32 v37, v20  }
0x3a1: {  	v36 =	vld.idx.msk [tilespmem:v22+s22+$0x0], $0xffff;
	v42 =	vmul.f32 v33, v16;
	v7 =	vor.u32 v9, v7;
	v19 =	vor.u32 v10, v3  }
0x3a2: {  	v3 =	vadd.s32 v24, v8;
	v9 =	vor.u32 v9, v25;
	v45 =	vmul.f32 v31, v20  }
0x3a3: {  	v8 =	vadd.s32 v26, v8;
	v41 =	vmul.f32 v34, v33;
	v43 =	vmul.f32 v31, v18  }
0x3a4: {  	v49 =	vmul.f32 v34, v28;
	v57 =	vmul.f32 v37, v34;
	v3 =	vor.u32 v27, v3  }
0x3a5: {  	v30 =	vld [tilespmem:s3+$0xE00];
	v22 =	vor.u32 v11, v9;
	v9 =	vmul.f32 v37, v18;
	v8 =	vor.u32 v27, v8  }
0x3a6: {  	v25 =	vld [tilespmem:s3+$0x1800];
	v39 =	vmul.f32 v29, v15;
	v44 =	vadd.f32 v35, v36;
	v46 =	vmul.f32 v31, v36  }
0x3a7: {  	v29 =	vld [tilespmem:s3+$0x1C00];
	v27 =	vor.u32 v21, v7;
	v7 =	vmul.f32 v35, v28;
	v60 =	vmul.f32 v36, v16  }
0x3a8: {  	v48 =	vmul.f32 v36, v17;
	v36 =	vmul.f32 v35, v36;
	v3 =	vor.u32 v21, v3  }
0x3a9: {  	v32 =	vadd.f32 v31, v44;
	v31 =	vmul.f32 v31, v35;
	v7 =	vadd.f32 v7, v60  }
0x3aa: {  	v8 =	vor.u32 v11, v8;
	v44 =	vmul.f32 v35, v30;
	v54 =	vmul.f32 v34, v30  }
0x3ab: {  	v41 =	vmul.f32 v41, v25;
	v36 =	vmul.f32 v36, v25;
	v7 =	vadd.f32 v45, v7  }
0x3ac: {  	v52 =	vmul.f32 v31, v29;
	v31 =	vor.u32 v10, v47;
	v47 =	vshrl.u32 v50, $0x3  }
0x3ad: {  	v50 =	vshll.u32 v50, $0x7;
	v38 =	vadd.f32 v54, v38;
	v44 =	vadd.f32 v44, v48  }
0x3ae: {  	v53 =	vshll.u32 v47, $0xC;
	v63 =	vadd.f32 v39, v41;
	v39 =	vshll.u32 v51, $0x7  }
0x3af: {  	v50 =	vand.u32 $0x380, v50;
	v51 =	vmul.f32 v57, v29;
	v41 =	vor.u32 v12, v58  }
0x3b0: {  	v56 =	vor.u32 v12, v53;
	v59 =	vor.u32 v14, v53;
	v53 =	vor.u32 v13, v53  }
0x3b1: {  	v57 =	vand.u32 $0x300, v39;
	v39 =	vmul.f32 v46, v15;
	v35 =	vor.u32 v50, v56  }
0x3b2: {  	v9 =	vadd.f32 v9, v38;
	v46 =	vor.u32 v57, v41;
	v41 =	vor.u32 v50, v59  }
0x3b3: {  	v38 =	vmul.u32 $0x3000, v47;
	v54 =	vor.u32 v57, v61;
	v56 =	vor.u32 v57, v62  }
0x3b4: {  	v53 =	vor.u32 v50, v53;
	v61 =	vadd.s32 v24, v55;
	v62 =	vadd.s32 v23, v55  }
0x3b5: {  	[tilespmem:v3+s25+$0x0] =	vst.idx.msk $0xffff, v9;
	v3 =	vor.u32 v57, v61;
	v61 =	vadd.s32 v24, v38  }
0x3b6: {  	v58 =	vadd.f32 v34, v33;
	v59 =	vor.u32 v57, v62;
	v62 =	vor.u32 v50, v61;
	v34 =	vld.idx.msk [tilespmem:v35+s22+$0x0], $0xffff  }
0x3b7: {  	v48 =	vadd.f32 v39, v36;
	v36 =	vor.u32 v21, v62;
	v62 =	vadd.s32 v26, v38;
	v33 =	vld.idx.msk [tilespmem:v41+s22+$0x0], $0xffff  }
0x3b8: {  	v60 =	vor.u32 v50, v62;
	v35 =	vor.u32 v10, v59;
	v41 =	vadd.f32 v43, v44;
	v56 =	vld.idx.msk [tilespmem:v56+s22+$0x0], $0xffff  }
0x3b9: {  	v43 =	vadd.f32 v49, v42;
	v49 =	vadd.s32 v23, v38;
	v39 =	vld.idx.msk [tilespmem:v53+s22+$0x0], $0xffff;
	v59 =	vadd.s32 v26, v55  }
0x3ba: {  	v53 =	vadd.f32 v37, v58;
	v55 =	vadd.f32 v48, v52;
	v61 =	vor.u32 v57, v59  }
0x3bb: {  	v44 =	vld.idx.msk [tilespmem:v46+s22+$0x0], $0xffff;
	v59 =	vadd.f32 v63, v51;
	v58 =	vor.u32 v50, v49;
	v40 =	vadd.f32 v40, v43  }
0x3bc: {  	v42 =	vld.idx.msk [tilespmem:v54+s22+$0x0], $0xffff;
	v43 =	vor.u32 v11, v61;
	v46 =	vmul.f32 v34, v17;
	v57 =	vmul.f32 v33, v34  }
0x3bd: {  	v9 =	vsub.f32 v53, v9;
	v38 =	vmul.f32 v33, v20;
	v47 =	vmul.f32 v33, v18  }
0x3be: {  	v54 =	vadd.f32 v55, v7;
	v37 =	vmul.f32 v56, v20;
	v61 =	vmul.f32 v39, v34  }
0x3bf: {  	v53 =	vor.u32 v21, v3;
	v45 =	vmul.f32 v34, v16;
	v48 =	vmul.f32 v56, v18  }
0x3c0: {  	v40 =	vadd.f32 v59, v40;
	v52 =	vmul.f32 v56, v44;
	v50 =	vmul.f32 v44, v17  }
0x3c1: {  	v63 =	vadd.f32 v42, v44;
	v49 =	vmul.f32 v42, v28;
	v59 =	vmul.f32 v56, v42  }
0x3c2: {  	[tilespmem:v8+s25+$0x0] =	vst.idx.msk $0xffff, v40;
	v51 =	vmul.f32 v57, v15;
	v57 =	vsub.f32 v9, v40  }
0x3c3: {  	s3 =	simm.s32 $0x4;
	v55 =	vadd.f32 v56, v63;
	v56 =	vmul.f32 v61, v25;
	v40 =	vor.u32 v11, v60  }
.LBB2_29:
0x3c4: {  	s4 =	sadd.s32 $0x1, s3  }
0x3c5: {  	p0 =	slt.u32 s3, $0xE;
	v3 =	vmul.f32 v42, v30;
	v7 =	vmul.f32 v39, v28;
	v8 =	vsub.f32 v32, v41;
	v32 =	vmovc v55;
	s5 =	smov.u32 s3;
	s3 =	sadd.s32 $0x2, s3  }
0x3c6: {  	v9 =	vmov s4;
	v55 =	vmul.f32 v59, v29;
	[tilespmem:v31+s25+$0x0] =	vst.idx.msk $0xffff, v57;
	v31 =	vor.u32 v10, v58  }
0x3c7: {  	v57 =	vshrl.u32 v9, $0x3;
	v9 =	vshll.u32 v9, $0x7;
	v8 =	vsub.f32 v8, v54;
	[tilespmem:v27+s25+$0x0] =	vst.idx.msk $0xffff, v41;
	v27 =	vmovc v53  }
0x3c8: {  	v58 =	vmul.f32 v39, v30;
	v41 =	vmov s5;
	v53 =	vshll.u32 v57, $0xC;
	[tilespmem:v22+s25+$0x0] =	vst.idx.msk $0xffff, v54;
	v22 =	vmovc v43  }
0x3c9: {  	v59 =	vmul.f32 v33, v39;
	v43 =	vshrl.u32 v41, $0x3;
	v54 =	vor.u32 v12, v53;
	[tilespmem:v19+s25+$0x0] =	vst.idx.msk $0xffff, v8  }
0x3ca: {  	v61 =	vmul.f32 v44, v16;
	v8 =	vshll.u32 v43, $0xC;
	v60 =	vor.u32 v14, v53;
	v19 =	vmovc v35  }
0x3cb: {  	v51 =	vadd.f32 v51, v56;
	v35 =	vor.u32 v13, v8;
	v62 =	vor.u32 v14, v8  }
0x3cc: {  	v41 =	vshll.u32 v41, $0x7;
	v9 =	vand.u32 $0x380, v9;
	v56 =	vmul.f32 v59, v29  }
0x3cd: {  	v42 =	vmul.f32 v42, v44;
	v53 =	vor.u32 v13, v53;
	v8 =	vor.u32 v12, v8  }
0x3ce: {  	v44 =	vmul.f32 v52, v15;
	v59 =	vand.u32 $0x300, v41;
	v41 =	vor.u32 v9, v54  }
0x3cf: {  	v46 =	vadd.f32 v58, v46;
	v52 =	vor.u32 v9, v60;
	v8 =	vor.u32 v59, v8  }
0x3d0: {  	v43 =	vmul.u32 $0x3000, v43;
	v54 =	vor.u32 v59, v35;
	v58 =	vor.u32 v59, v62  }
0x3d1: {  	v53 =	vor.u32 v9, v53;
	v60 =	vadd.f32 v47, v46;
	v62 =	vadd.f32 v39, v34  }
0x3d2: {  	v46 =	vmul.u32 $0x3000, v57;
	v35 =	vadd.s32 v24, v43;
	v34 =	vadd.s32 v23, v43  }
0x3d3: {  	v3 =	vadd.f32 v3, v50;
	v39 =	vor.u32 v59, v34;
	v34 =	vld.idx.msk [tilespmem:v41+s22+$0x0], $0xffff;
	[tilespmem:v36+s25+$0x0] =	vst.idx.msk $0xffff, v60  }
0x3d4: {  	v57 =	vor.u32 v59, v35;
	v35 =	vor.u32 v10, v39;
	v36 =	vmul.f32 v42, v25;
	v50 =	vld.idx.msk [tilespmem:v52+s22+$0x0], $0xffff  }
0x3d5: {  	v42 =	vadd.s32 v24, v46;
	v41 =	vadd.f32 v48, v3;
	v3 =	vadd.f32 v7, v45;
	v63 =	vld.idx.msk [tilespmem:v58+s22+$0x0], $0xffff  }
0x3d6: {  	v7 =	vor.u32 v9, v42;
	v45 =	vadd.f32 v44, v36;
	v39 =	vld.idx.msk [tilespmem:v53+s22+$0x0], $0xffff;
	v53 =	vadd.s32 v23, v46  }
0x3d7: {  	v43 =	vadd.s32 v26, v43;
	v36 =	vor.u32 v21, v7;
	v7 =	vadd.f32 v49, v61;
	v42 =	vld.idx.msk [tilespmem:v54+s22+$0x0], $0xffff  }
0x3d8: {  	v48 =	vadd.s32 v26, v46;
	v3 =	vadd.f32 v38, v3;
	v44 =	vld.idx.msk [tilespmem:v8+s22+$0x0], $0xffff;
	v8 =	vor.u32 v59, v43  }
0x3d9: {  	v7 =	vadd.f32 v37, v7;
	v46 =	vmul.f32 v34, v17;
	v43 =	vor.u32 v11, v8  }
0x3da: {  	v49 =	vadd.f32 v51, v56;
	v8 =	vmul.f32 v50, v34;
	v38 =	vmul.f32 v50, v20  }
0x3db: {  	v52 =	vadd.f32 v33, v62;
	v61 =	vor.u32 v9, v48;
	v47 =	vmul.f32 v50, v18;
	v33 =	vmovc v50  }
0x3dc: {  	v37 =	vmul.f32 v63, v20;
	v51 =	vmul.f32 v8, v15;
	v8 =	vadd.f32 v45, v55  }
0x3dd: {  	v3 =	vadd.f32 v49, v3;
	v56 =	vmul.f32 v39, v34;
	v45 =	vmul.f32 v34, v16  }
.Ltmp13:
0x3de: {  	v49 =	vsub.f32 v52, v60;
	v48 =	vmul.f32 v63, v18;
	v55 =	vadd.f32 v42, v44;
	(pc) =	sbr.rel @p0 .LBB2_29-.Ltmp13, $4  }
0x3df: {  	v58 =	vor.u32 v9, v53;
	v52 =	vmul.f32 v63, v44;
	v54 =	vadd.f32 v8, v7  }
0x3e0: {  	v53 =	vor.u32 v21, v57;
	v57 =	vsub.f32 v49, v3;
	v50 =	vmul.f32 v44, v17  }
0x3e1: {  	v49 =	vmul.f32 v42, v28;
	v55 =	vadd.f32 v63, v55;
	[tilespmem:v40+s25+$0x0] =	vst.idx.msk $0xffff, v3  }
0x3e2: {  	v59 =	vmul.f32 v63, v42;
	v56 =	vmul.f32 v56, v25;
	v40 =	vor.u32 v11, v61  }
0x3e3: {  	v3 =	vmul.f32 v42, v30;
	v7 =	vmul.f32 v39, v28;
	v8 =	vsub.f32 v32, v41  }
0x3e4: {  	v9 =	vor.u32 v10, v58;
	v58 =	vmul.f32 v39, v30;
	v11 =	vmul.f32 v33, v39  }
0x3e5: {  	v13 =	vmul.f32 v44, v16;
	v60 =	vmul.f32 v42, v44;
	v17 =	vadd.f32 v39, v34  }
0x3e6: {  	v15 =	vmul.f32 v52, v15;
	v14 =	vadd.f32 v51, v56;
	v8 =	vsub.f32 v8, v54  }
0x3e7: {  	[tilespmem:v31+s25+$0x0] =	vst.idx.msk $0xffff, v57;
	v10 =	vadd.f32 v58, v46;
	v3 =	vadd.f32 v3, v50  }
0x3e8: {  	v11 =	vmul.f32 v11, v29;
	v7 =	vadd.f32 v7, v45;
	v61 =	vadd.f32 v33, v17  }
0x3e9: {  	v16 =	vmul.f32 v60, v25;
	v13 =	vadd.f32 v49, v13;
	v10 =	vadd.f32 v47, v10  }
0x3ea: {  	[tilespmem:v27+s25+$0x0] =	vst.idx.msk $0xffff, v41;
	v7 =	vadd.f32 v38, v7;
	v11 =	vadd.f32 v14, v11  }
0x3eb: {  	v12 =	vmul.f32 v59, v29;
	v3 =	vadd.f32 v48, v3;
	v15 =	vadd.f32 v15, v16  }
0x3ec: {  	[tilespmem:v22+s25+$0x0] =	vst.idx.msk $0xffff, v54;
	v7 =	vadd.f32 v11, v7;
	v62 =	vsub.f32 v61, v10  }
0x3ed: {  	s1 =	sadd.s32 $0x1, s1;
	[tilespmem:v19+s25+$0x0] =	vst.idx.msk $0xffff, v8;
	v8 =	vadd.f32 v37, v13;
	v12 =	vadd.f32 v15, v12  }
0x3ee: {  	p0 =	sne.s32 s1, $0x20;
	[tilespmem:v36+s25+$0x0] =	vst.idx.msk $0xffff, v10;
	v63 =	vsub.f32 v62, v7  }
.Ltmp14:
0x3ef: {  	v8 =	vadd.f32 v12, v8;
	[tilespmem:v40+s25+$0x0] =	vst.idx.msk $0xffff, v7;
	v7 =	vsub.f32 v55, v3;
	(pc) =	sbr.rel @p0 .LBB2_28-.Ltmp14, $4  }
0x3f0: {  	[tilespmem:v53+s25+$0x0] =	vst.idx.msk $0xffff, v3  }
0x3f1: {  	[tilespmem:v9+s25+$0x0] =	vst.idx.msk $0xffff, v63;
	v7 =	vsub.f32 v7, v8  }
0x3f2: {  	[tilespmem:v43+s25+$0x0] =	vst.idx.msk $0xffff, v8  }
0x3f3: {  	[tilespmem:v35+s25+$0x0] =	vst.idx.msk $0xffff, v7  }
0x3f4: {  	s0 =	simm.s32 $0x0  }
0x3f5: {  	[hbm4b:s18+s0] =	stream.linear.scatter [tilespmem:s25], [sflag:$0x3], $0x6000, $0x38;
	[tilespmem:$0x11E00] =	vst v63  }
0x3f6: {  	_ =	swait.ge [sflag:s26], $0x2000  }
0x3f7: {  	[sflag:s26] =	ssyncset.done $0x0  }
0x3f8: {  	[sflag:s26] =	ssyncadd.s32 $0xFFFFE000  }
0x3f9: {  	_ =	swait.ge [sflag:s30], $0x6000  }
0x3fa: {  	[sflag:s30] =	ssyncset.done $0x0  }
0x3fb: {  	s1 =	simm.s32 $0x0;
	[sflag:s30] =	ssyncadd.s32 $0xFFFFA000  }
.LBB2_32:
0x3fc: {  	s3 =	sshll.u32 s1, $0x4;
	v7 =	vld [tilespmem:$0x1FFC0]  }
0x3fd: {  	v8 =	vld [tilespmem:$0x1FFD0];
	v3 =	vmov s3  }
0x3fe: {  	v9 =	vld [tilespmem:$0x1FFF0];
	v3 =	vmul.u32 $0x3, v3;
	_ =	sdelay $0x1  }
0x3ff: {  	v3 =	vbroadcast v3, $0x0  }
0x400: {  	s4 =	simm.s32 $0x1  }
0x401: {  	v15 =	vmov s4;
	v8 =	vadd.s32 v8, v3  }
0x402: {  	v7 =	vadd.s32 v7, v3;
	v9 =	vadd.s32 v9, v3;
	v19 =	vshll.u32 v8, $0x3  }
0x403: {  	v11 =	vand.u32 $0x7F, v7;
	v10 =	vand.u32 $0x7F, v8;
	v8 =	vand.u32 $0xC00, v19  }
0x404: {  	v7 =	vshll.u32 v7, $0x3;
	v13 =	vor.u32 v8, v10;
	v8 =	vshll.u32 v9, $0x3  }
0x405: {  	v12 =	vand.u32 $0xC00, v7;
	v9 =	vand.u32 $0x7F, v9;
	v8 =	vand.u32 $0xC00, v8  }
0x406: {  	v12 =	vor.u32 v12, v11;
	v14 =	vor.u32 v8, v9;
	v8 =	vshrl.u32 v15, $0x3  }
0x407: {  	v9 =	vmov s0;
	v15 =	vshll.u32 v15, $0x7;
	v20 =	vshll.u32 v8, $0xC  }
0x408: {  	v21 =	vshrl.u32 v9, $0x3;
	v27 =	vand.u32 $0x380, v15;
	v9 =	vshll.u32 v9, $0x7  }
0x409: {  	v16 =	vor.u32 v12, v20;
	v22 =	vshll.u32 v21, $0xC;
	v15 =	vor.u32 v14, v20  }
0x40a: {  	v17 =	vld [tilespmem:s3+$0xC00];
	s3 =	sand.u32 $0x1F0, s3;
	v9 =	vand.u32 $0x300, v9;
	v23 =	vor.u32 v27, v16;
	v24 =	vor.u32 v14, v22  }
0x40b: {  	s7 =	simm.s32 $0x2;
	v18 =	vld [tilespmem:s3+$0x1000];
	v25 =	vor.u32 v27, v15;
	v26 =	vor.u32 v9, v24;
	v24 =	vor.u32 v13, v22  }
0x40c: {  	s6 =	simm.s32 $0x3;
	v51 =	vmov s7;
	v29 =	vor.u32 v9, v24;
	v24 =	vld [tilespmem:$0x1FFE0]  }
0x40d: {  	v50 =	vmov s6;
	v55 =	vshrl.u32 v51, $0x3;
	v16 =	vld [tilespmem:s3+$0x1200];
	v15 =	vor.u32 v13, v20  }
0x40e: {  	v58 =	vshll.u32 v55, $0xC;
	v55 =	vmul.u32 $0x3000, v55;
	v20 =	vld [tilespmem:s3+$0x1600];
	v28 =	vor.u32 v27, v15  }
0x40f: {  	v61 =	vor.u32 v13, v58;
	v8 =	vmul.u32 $0x3000, v8;
	v22 =	vor.u32 v12, v22;
	v33 =	vld.idx.msk [tilespmem:v23+s23+$0x0], $0xffff  }
0x410: {  	v62 =	vor.u32 v14, v58;
	v30 =	vmul.u32 $0x3000, v21;
	v22 =	vor.u32 v9, v22;
	v37 =	vld.idx.msk [tilespmem:v25+s23+$0x0], $0xffff  }
0x411: {  	v23 =	vand.u32 $0x7FFFFC00, v19;
	v31 =	vld.idx.msk [tilespmem:v26+s23+$0x0], $0xffff;
	v26 =	vand.u32 $0x7FFFFC00, v7;
	v3 =	vadd.s32 v24, v3  }
0x412: {  	v15 =	vld [tilespmem:s3+$0x1A00];
	v32 =	vadd.s32 v23, v8;
	v21 =	vand.u32 $0x7F, v3;
	v3 =	vshll.u32 v3, $0x3  }
0x413: {  	v34 =	vld.idx.msk [tilespmem:v28+s23+$0x0], $0xffff;
	v25 =	vadd.s32 v26, v30;
	v47 =	vor.u32 v27, v32;
	v24 =	vand.u32 $0x7FFFFC00, v3  }
0x414: {  	v28 =	vld [tilespmem:s3+$0x1400];
	v3 =	vadd.s32 v23, v30;
	v7 =	vadd.s32 v24, v30;
	v38 =	vmul.f32 v33, v17  }
0x415: {  	v35 =	vld.idx.msk [tilespmem:v29+s23+$0x0], $0xffff;
	v3 =	vor.u32 v9, v3;
	v29 =	vmul.f32 v37, v33;
	v40 =	vmul.f32 v37, v20  }
0x416: {  	v36 =	vld.idx.msk [tilespmem:v22+s23+$0x0], $0xffff;
	v42 =	vmul.f32 v33, v16;
	v7 =	vor.u32 v9, v7;
	v19 =	vor.u32 v10, v3  }
0x417: {  	v3 =	vadd.s32 v24, v8;
	v9 =	vor.u32 v9, v25;
	v45 =	vmul.f32 v31, v20  }
0x418: {  	v8 =	vadd.s32 v26, v8;
	v41 =	vmul.f32 v34, v33;
	v43 =	vmul.f32 v31, v18  }
0x419: {  	v49 =	vmul.f32 v34, v28;
	v57 =	vmul.f32 v37, v34;
	v3 =	vor.u32 v27, v3  }
0x41a: {  	v30 =	vld [tilespmem:s3+$0xE00];
	v22 =	vor.u32 v11, v9;
	v9 =	vmul.f32 v37, v18;
	v8 =	vor.u32 v27, v8  }
0x41b: {  	v25 =	vld [tilespmem:s3+$0x1800];
	v39 =	vmul.f32 v29, v15;
	v44 =	vadd.f32 v35, v36;
	v46 =	vmul.f32 v31, v36  }
0x41c: {  	v29 =	vld [tilespmem:s3+$0x1C00];
	v27 =	vor.u32 v21, v7;
	v7 =	vmul.f32 v35, v28;
	v60 =	vmul.f32 v36, v16  }
0x41d: {  	v48 =	vmul.f32 v36, v17;
	v36 =	vmul.f32 v35, v36;
	v3 =	vor.u32 v21, v3  }
0x41e: {  	v32 =	vadd.f32 v31, v44;
	v31 =	vmul.f32 v31, v35;
	v7 =	vadd.f32 v7, v60  }
0x41f: {  	v8 =	vor.u32 v11, v8;
	v44 =	vmul.f32 v35, v30;
	v54 =	vmul.f32 v34, v30  }
0x420: {  	v41 =	vmul.f32 v41, v25;
	v36 =	vmul.f32 v36, v25;
	v7 =	vadd.f32 v45, v7  }
0x421: {  	v52 =	vmul.f32 v31, v29;
	v31 =	vor.u32 v10, v47;
	v47 =	vshrl.u32 v50, $0x3  }
0x422: {  	v50 =	vshll.u32 v50, $0x7;
	v38 =	vadd.f32 v54, v38;
	v44 =	vadd.f32 v44, v48  }
0x423: {  	v53 =	vshll.u32 v47, $0xC;
	v63 =	vadd.f32 v39, v41;
	v39 =	vshll.u32 v51, $0x7  }
0x424: {  	v50 =	vand.u32 $0x380, v50;
	v51 =	vmul.f32 v57, v29;
	v41 =	vor.u32 v12, v58  }
0x425: {  	v56 =	vor.u32 v12, v53;
	v59 =	vor.u32 v14, v53;
	v53 =	vor.u32 v13, v53  }
0x426: {  	v57 =	vand.u32 $0x300, v39;
	v39 =	vmul.f32 v46, v15;
	v35 =	vor.u32 v50, v56  }
0x427: {  	v9 =	vadd.f32 v9, v38;
	v46 =	vor.u32 v57, v41;
	v41 =	vor.u32 v50, v59  }
0x428: {  	v38 =	vmul.u32 $0x3000, v47;
	v54 =	vor.u32 v57, v61;
	v56 =	vor.u32 v57, v62  }
0x429: {  	v53 =	vor.u32 v50, v53;
	v61 =	vadd.s32 v24, v55;
	v62 =	vadd.s32 v23, v55  }
0x42a: {  	[tilespmem:v3+s28+$0x0] =	vst.idx.msk $0xffff, v9;
	v3 =	vor.u32 v57, v61;
	v61 =	vadd.s32 v24, v38  }
0x42b: {  	v58 =	vadd.f32 v34, v33;
	v59 =	vor.u32 v57, v62;
	v62 =	vor.u32 v50, v61;
	v34 =	vld.idx.msk [tilespmem:v35+s23+$0x0], $0xffff  }
0x42c: {  	v48 =	vadd.f32 v39, v36;
	v36 =	vor.u32 v21, v62;
	v62 =	vadd.s32 v26, v38;
	v33 =	vld.idx.msk [tilespmem:v41+s23+$0x0], $0xffff  }
0x42d: {  	v60 =	vor.u32 v50, v62;
	v35 =	vor.u32 v10, v59;
	v41 =	vadd.f32 v43, v44;
	v56 =	vld.idx.msk [tilespmem:v56+s23+$0x0], $0xffff  }
0x42e: {  	v43 =	vadd.f32 v49, v42;
	v49 =	vadd.s32 v23, v38;
	v39 =	vld.idx.msk [tilespmem:v53+s23+$0x0], $0xffff;
	v59 =	vadd.s32 v26, v55  }
0x42f: {  	v53 =	vadd.f32 v37, v58;
	v55 =	vadd.f32 v48, v52;
	v61 =	vor.u32 v57, v59  }
0x430: {  	v44 =	vld.idx.msk [tilespmem:v46+s23+$0x0], $0xffff;
	v59 =	vadd.f32 v63, v51;
	v58 =	vor.u32 v50, v49;
	v40 =	vadd.f32 v40, v43  }
0x431: {  	v42 =	vld.idx.msk [tilespmem:v54+s23+$0x0], $0xffff;
	v43 =	vor.u32 v11, v61;
	v46 =	vmul.f32 v34, v17;
	v57 =	vmul.f32 v33, v34  }
0x432: {  	v9 =	vsub.f32 v53, v9;
	v38 =	vmul.f32 v33, v20;
	v47 =	vmul.f32 v33, v18  }
0x433: {  	v54 =	vadd.f32 v55, v7;
	v37 =	vmul.f32 v56, v20;
	v61 =	vmul.f32 v39, v34  }
0x434: {  	v53 =	vor.u32 v21, v3;
	v45 =	vmul.f32 v34, v16;
	v48 =	vmul.f32 v56, v18  }
0x435: {  	v40 =	vadd.f32 v59, v40;
	v52 =	vmul.f32 v56, v44;
	v50 =	vmul.f32 v44, v17  }
0x436: {  	v63 =	vadd.f32 v42, v44;
	v49 =	vmul.f32 v42, v28;
	v59 =	vmul.f32 v56, v42  }
0x437: {  	[tilespmem:v8+s28+$0x0] =	vst.idx.msk $0xffff, v40;
	v51 =	vmul.f32 v57, v15;
	v57 =	vsub.f32 v9, v40  }
0x438: {  	s3 =	simm.s32 $0x4;
	v55 =	vadd.f32 v56, v63;
	v56 =	vmul.f32 v61, v25;
	v40 =	vor.u32 v11, v60  }
.LBB2_33:
0x439: {  	s4 =	sadd.s32 $0x1, s3  }
0x43a: {  	p0 =	slt.u32 s3, $0xE;
	v3 =	vmul.f32 v42, v30;
	v7 =	vmul.f32 v39, v28;
	v8 =	vsub.f32 v32, v41;
	v32 =	vmovc v55;
	s5 =	smov.u32 s3;
	s3 =	sadd.s32 $0x2, s3  }
0x43b: {  	v9 =	vmov s4;
	v55 =	vmul.f32 v59, v29;
	[tilespmem:v31+s28+$0x0] =	vst.idx.msk $0xffff, v57;
	v31 =	vor.u32 v10, v58  }
0x43c: {  	v57 =	vshrl.u32 v9, $0x3;
	v9 =	vshll.u32 v9, $0x7;
	v8 =	vsub.f32 v8, v54;
	[tilespmem:v27+s28+$0x0] =	vst.idx.msk $0xffff, v41;
	v27 =	vmovc v53  }
0x43d: {  	v58 =	vmul.f32 v39, v30;
	v41 =	vmov s5;
	v53 =	vshll.u32 v57, $0xC;
	[tilespmem:v22+s28+$0x0] =	vst.idx.msk $0xffff, v54;
	v22 =	vmovc v43  }
0x43e: {  	v59 =	vmul.f32 v33, v39;
	v43 =	vshrl.u32 v41, $0x3;
	v54 =	vor.u32 v12, v53;
	[tilespmem:v19+s28+$0x0] =	vst.idx.msk $0xffff, v8  }
0x43f: {  	v61 =	vmul.f32 v44, v16;
	v8 =	vshll.u32 v43, $0xC;
	v60 =	vor.u32 v14, v53;
	v19 =	vmovc v35  }
0x440: {  	v51 =	vadd.f32 v51, v56;
	v35 =	vor.u32 v13, v8;
	v62 =	vor.u32 v14, v8  }
0x441: {  	v41 =	vshll.u32 v41, $0x7;
	v9 =	vand.u32 $0x380, v9;
	v56 =	vmul.f32 v59, v29  }
0x442: {  	v42 =	vmul.f32 v42, v44;
	v53 =	vor.u32 v13, v53;
	v8 =	vor.u32 v12, v8  }
0x443: {  	v44 =	vmul.f32 v52, v15;
	v59 =	vand.u32 $0x300, v41;
	v41 =	vor.u32 v9, v54  }
0x444: {  	v46 =	vadd.f32 v58, v46;
	v52 =	vor.u32 v9, v60;
	v8 =	vor.u32 v59, v8  }
0x445: {  	v43 =	vmul.u32 $0x3000, v43;
	v54 =	vor.u32 v59, v35;
	v58 =	vor.u32 v59, v62  }
0x446: {  	v53 =	vor.u32 v9, v53;
	v60 =	vadd.f32 v47, v46;
	v62 =	vadd.f32 v39, v34  }
0x447: {  	v46 =	vmul.u32 $0x3000, v57;
	v35 =	vadd.s32 v24, v43;
	v34 =	vadd.s32 v23, v43  }
0x448: {  	v3 =	vadd.f32 v3, v50;
	v39 =	vor.u32 v59, v34;
	v34 =	vld.idx.msk [tilespmem:v41+s23+$0x0], $0xffff;
	[tilespmem:v36+s28+$0x0] =	vst.idx.msk $0xffff, v60  }
0x449: {  	v57 =	vor.u32 v59, v35;
	v35 =	vor.u32 v10, v39;
	v36 =	vmul.f32 v42, v25;
	v50 =	vld.idx.msk [tilespmem:v52+s23+$0x0], $0xffff  }
0x44a: {  	v42 =	vadd.s32 v24, v46;
	v41 =	vadd.f32 v48, v3;
	v3 =	vadd.f32 v7, v45;
	v63 =	vld.idx.msk [tilespmem:v58+s23+$0x0], $0xffff  }
0x44b: {  	v7 =	vor.u32 v9, v42;
	v45 =	vadd.f32 v44, v36;
	v39 =	vld.idx.msk [tilespmem:v53+s23+$0x0], $0xffff;
	v53 =	vadd.s32 v23, v46  }
0x44c: {  	v43 =	vadd.s32 v26, v43;
	v36 =	vor.u32 v21, v7;
	v7 =	vadd.f32 v49, v61;
	v42 =	vld.idx.msk [tilespmem:v54+s23+$0x0], $0xffff  }
0x44d: {  	v48 =	vadd.s32 v26, v46;
	v3 =	vadd.f32 v38, v3;
	v44 =	vld.idx.msk [tilespmem:v8+s23+$0x0], $0xffff;
	v8 =	vor.u32 v59, v43  }
0x44e: {  	v7 =	vadd.f32 v37, v7;
	v46 =	vmul.f32 v34, v17;
	v43 =	vor.u32 v11, v8  }
0x44f: {  	v49 =	vadd.f32 v51, v56;
	v8 =	vmul.f32 v50, v34;
	v38 =	vmul.f32 v50, v20  }
0x450: {  	v52 =	vadd.f32 v33, v62;
	v61 =	vor.u32 v9, v48;
	v47 =	vmul.f32 v50, v18;
	v33 =	vmovc v50  }
0x451: {  	v37 =	vmul.f32 v63, v20;
	v51 =	vmul.f32 v8, v15;
	v8 =	vadd.f32 v45, v55  }
0x452: {  	v3 =	vadd.f32 v49, v3;
	v56 =	vmul.f32 v39, v34;
	v45 =	vmul.f32 v34, v16  }
.Ltmp15:
0x453: {  	v49 =	vsub.f32 v52, v60;
	v48 =	vmul.f32 v63, v18;
	v55 =	vadd.f32 v42, v44;
	(pc) =	sbr.rel @p0 .LBB2_33-.Ltmp15, $4  }
0x454: {  	v58 =	vor.u32 v9, v53;
	v52 =	vmul.f32 v63, v44;
	v54 =	vadd.f32 v8, v7  }
0x455: {  	v53 =	vor.u32 v21, v57;
	v57 =	vsub.f32 v49, v3;
	v50 =	vmul.f32 v44, v17  }
0x456: {  	v49 =	vmul.f32 v42, v28;
	v55 =	vadd.f32 v63, v55;
	[tilespmem:v40+s28+$0x0] =	vst.idx.msk $0xffff, v3  }
0x457: {  	v59 =	vmul.f32 v63, v42;
	v56 =	vmul.f32 v56, v25;
	v40 =	vor.u32 v11, v61  }
0x458: {  	v3 =	vmul.f32 v42, v30;
	v7 =	vmul.f32 v39, v28;
	v8 =	vsub.f32 v32, v41  }
0x459: {  	v9 =	vor.u32 v10, v58;
	v58 =	vmul.f32 v39, v30;
	v11 =	vmul.f32 v33, v39  }
0x45a: {  	v13 =	vmul.f32 v44, v16;
	v60 =	vmul.f32 v42, v44;
	v17 =	vadd.f32 v39, v34  }
0x45b: {  	v15 =	vmul.f32 v52, v15;
	v14 =	vadd.f32 v51, v56;
	v8 =	vsub.f32 v8, v54  }
0x45c: {  	[tilespmem:v31+s28+$0x0] =	vst.idx.msk $0xffff, v57;
	v10 =	vadd.f32 v58, v46;
	v3 =	vadd.f32 v3, v50  }
0x45d: {  	v11 =	vmul.f32 v11, v29;
	v7 =	vadd.f32 v7, v45;
	v61 =	vadd.f32 v33, v17  }
0x45e: {  	v16 =	vmul.f32 v60, v25;
	v13 =	vadd.f32 v49, v13;
	v10 =	vadd.f32 v47, v10  }
0x45f: {  	[tilespmem:v27+s28+$0x0] =	vst.idx.msk $0xffff, v41;
	v7 =	vadd.f32 v38, v7;
	v11 =	vadd.f32 v14, v11  }
0x460: {  	v12 =	vmul.f32 v59, v29;
	v3 =	vadd.f32 v48, v3;
	v15 =	vadd.f32 v15, v16  }
0x461: {  	[tilespmem:v22+s28+$0x0] =	vst.idx.msk $0xffff, v54;
	v7 =	vadd.f32 v11, v7;
	v62 =	vsub.f32 v61, v10  }
0x462: {  	s1 =	sadd.s32 $0x1, s1;
	[tilespmem:v19+s28+$0x0] =	vst.idx.msk $0xffff, v8;
	v8 =	vadd.f32 v37, v13;
	v12 =	vadd.f32 v15, v12  }
0x463: {  	p0 =	sne.s32 s1, $0x20;
	[tilespmem:v36+s28+$0x0] =	vst.idx.msk $0xffff, v10;
	v63 =	vsub.f32 v62, v7  }
.Ltmp16:
0x464: {  	v8 =	vadd.f32 v12, v8;
	[tilespmem:v40+s28+$0x0] =	vst.idx.msk $0xffff, v7;
	v7 =	vsub.f32 v55, v3;
	(pc) =	sbr.rel @p0 .LBB2_32-.Ltmp16, $4  }
0x465: {  	[tilespmem:v53+s28+$0x0] =	vst.idx.msk $0xffff, v3  }
0x466: {  	[tilespmem:v9+s28+$0x0] =	vst.idx.msk $0xffff, v63;
	v7 =	vsub.f32 v7, v8  }
0x467: {  	[tilespmem:v43+s28+$0x0] =	vst.idx.msk $0xffff, v8  }
0x468: {  	[tilespmem:v35+s28+$0x0] =	vst.idx.msk $0xffff, v7  }
0x469: {  	[hbm4b:s19+s2] =	stream.linear.scatter [tilespmem:s28], [sflag:$0x4], $0x6000, $0x38;
	[tilespmem:$0x11E00] =	vst v63  }
0x46a: {  	s31 =	sadd.s32 $0x1, s31  }
0x46b: {  	_ =	swait.ge [sflag:s29], $0x6000;
	p0 =	sne.s32 s31, s20  }
.Ltmp17:
0x46c: {  	[sflag:s29] =	ssyncset.done $0x0;
	(pc) =	sbr.rel @p0 .LBB2_1-.Ltmp17, $4  }
0x46d: {  	[sflag:s29] =	ssyncadd.s32 $0xFFFFA000  }
0x46e: {  	_ =	swait.ge [sflag:s30], $0x6000  }
0x46f: {  	[sflag:s30] =	ssyncset.done $0x0  }
0x470: {  	[sflag:s30] =	ssyncadd.s32 $0xFFFFA000  }
0x471: {  	_ =	sfence.sel $0x180000  }
0x472: {  	[bflag:$0x0] =	sbarrier.arrive $0xFFFF  }
0x473: {  	_ =	strace $0x90000047  }
0x474: {  	s0 =	stileid.u32;
	[bflag:$0x2] =	sbarrier.arrive $0xFFFF  }
0x475: {  	p0 =	sne.s32 s0, $0x0;
	s0 =	rddreg [dreg:$0x3]  }
0x476: {  	s0 =	sadd.s32 @!p0 $0x100000, s0  }
0x477: {  	[sflag:s0] =	ssyncadd.tile.s32 @!p0 $0x1;
	_ =	shalt  }
.Lfunc_end2:
_tile_overlayer_lowered:
.L_overlay_start_2:
0x478: {  	(tag) =	ssettag $0x2  }
0x479: {  	s0 =	rddreg [dreg:$0x0];
	s2 =	stileid.u32  }
0x47a: {  	s1 =	rddreg [dreg:$0x1];
	p0 =	sne.s32 s2, $0x0  }
0x47b: {  	s3 =	rddreg [dreg:$0x2];
	[bflag:$0x3] =	sbarrier.arrive $0xFFFF;
	s2 =	simm.s32 @!p0 $0x1C05  }
0x47c: {  	[timem:s3], [sflag:s2] =	dma.local @!p0 [hbm:s0], s1  }
0x47d: {  	s0 =	simm.s32 @!p0 $0x5  }
0x47e: {  	_ =	swait.ge @!p0 [sflag:s0], s1  }
0x47f: {  	s1 =	ssub.s32 @!p0 $0x0, s1;
	[sflag:s0] =	ssyncset.done @!p0 $0x0  }
0x480: {  	[sflag:s0] =	ssyncadd.s32 @!p0 s1  }
0x481: {  	[bflag:$0x3] =	sbarrier.arrive $0xFFFF  }
0x482: {  	_ =	shalt  }

</sc_bundles>
